<compile_context>
chip_gen: v7x
topology: tpu7x:2x2x1
jax: 0.10.2.dev20260603
libtpu: 0.0.44.dev20260713+nightly
codegen_flags: <defaults>
</compile_context>

<pallas_src>
import functools

import jax
import jax.numpy as jnp
from jax import lax
from jax.experimental import pallas as pl
from jax.experimental.pallas import tpu as pltpu
from jax.experimental.pallas import tpu_sc as plsc

N = 10000
E = 320000
D = 150
DP = 160
PASSES = 4
NC = 2
NS = 16
NW = NC * NS
EPW = E // NW
K = 80
CH = EPW // K
G = 5
CHG = CH // G
NP = 10112
RPS = NP // NS
RB = 2000


def _build_sc_segment_sum():
    mesh = plsc.VectorSubcoreMesh(
        core_axis_name="c", subcore_axis_name="s", num_cores=NC, num_subcores=NS
    )

    @functools.partial(
        pl.kernel,
        out_type=jax.ShapeDtypeStruct((NC * NP, DP), jnp.float32),
        mesh=mesh,
        scratch_types=[
            pltpu.VMEM((CHG * K,), jnp.int32),
            pltpu.VMEM((CHG * K,), jnp.int32),
            pltpu.VMEM((K, DP), jnp.float32),
            pltpu.VMEM((K, DP), jnp.float32),
            pltpu.VMEM_SHARED((NP, DP), jnp.float32),
            pltpu.SemaphoreType.DMA,
            pltpu.SemaphoreType.DMA,
        ],
        compiler_params=pltpu.CompilerParams(use_tc_tiling_on_sc=False),
    )
    def seg_sum(h_hbm, src_hbm, dst_hbm, out_hbm,
                src_v, dst_v, rows_a, rows_b, acc_sh, sem_a, sem_b):
        c = lax.axis_index("c")
        s = lax.axis_index("s")
        wid = s * NC + c
        z16 = jnp.zeros((16,), jnp.float32)

        def zrow(r, carry):
            def zcol(q, carry2):
                rows_a[r, pl.ds(q * 16, 16)] = z16
                return carry2

            lax.fori_loop(0, DP // 16, zcol, 0)
            return carry

        lax.fori_loop(0, K, zrow, 0)

        def zdma(t, carry):
            pltpu.sync_copy(rows_a, acc_sh.at[pl.ds(s * RPS + t * K, K)])
            return carry

        lax.fori_loop(0, RPS // K, zdma, 0)
        _REM = RPS - (RPS // K) * K
        pltpu.sync_copy(rows_a.at[pl.ds(0, _REM)],
                        acc_sh.at[pl.ds(s * RPS + (RPS // K) * K, _REM)])
        plsc.subcore_barrier()

        def group(g, carry):
            base = wid * EPW + g * (CHG * K)
            pltpu.async_copy(src_hbm.at[pl.ds(base, CHG * K)], src_v, sem_a)
            pltpu.async_copy(dst_hbm.at[pl.ds(base, CHG * K)], dst_v, sem_b)
            pltpu.make_async_copy(src_hbm.at[pl.ds(base, CHG * K)], src_v,
                                  sem_a).wait()
            pltpu.make_async_copy(dst_hbm.at[pl.ds(base, CHG * K)], dst_v,
                                  sem_b).wait()
            pltpu.async_copy(h_hbm.at[src_v.at[pl.ds(0, K)]], rows_a, sem_a)
            pltpu.async_copy(h_hbm.at[src_v.at[pl.ds(K, K)]], rows_b, sem_b)

            def pair(jj, carry2):
                j0 = 2 * jj
                j1 = j0 + 1
                pltpu.make_async_copy(
                    h_hbm.at[src_v.at[pl.ds(j0 * K, K)]], rows_a, sem_a).wait()
                pltpu.sync_copy(rows_a, acc_sh.at[dst_v.at[pl.ds(j0 * K, K)]], add=True)
                pltpu.async_copy(h_hbm.at[src_v.at[pl.ds((j0 + 2) * K, K)]],
                                 rows_a, sem_a)

                pltpu.make_async_copy(
                    h_hbm.at[src_v.at[pl.ds(j1 * K, K)]], rows_b, sem_b).wait()
                pltpu.sync_copy(rows_b, acc_sh.at[dst_v.at[pl.ds(j1 * K, K)]], add=True)

                @pl.when(jj < CHG // 2 - 1)
                def _():
                    pltpu.async_copy(h_hbm.at[src_v.at[pl.ds((j1 + 2) * K, K)]],
                                     rows_b, sem_b)

                return carry2

            lax.fori_loop(0, CHG // 2, pair, 0)
            pltpu.make_async_copy(
                h_hbm.at[src_v.at[pl.ds((CHG - 1) * K, K)]], rows_a, sem_a).wait()
            pltpu.sync_copy(rows_a, acc_sh.at[dst_v.at[pl.ds((CHG - 1) * K, K)]], add=True)
            return carry

        lax.fori_loop(0, G, group, 0)
        plsc.subcore_barrier()
        pltpu.sync_copy(acc_sh.at[pl.ds(s * RPS, RPS)],
                        out_hbm.at[pl.ds(c * NP + s * RPS, RPS)])

    return seg_sum


def _gru_body(p_ref, h_ref, wih_ref, whh_ref, bih_ref, bhh_ref, out_ref):
    x = p_ref[0] + p_ref[1]
    h = h_ref[...]
    gi = jnp.dot(x, wih_ref[...], preferred_element_type=jnp.float32) + bih_ref[...]
    gh = jnp.dot(h, whh_ref[...], preferred_element_type=jnp.float32) + bhh_ref[...]
    i_r, i_z, i_n = gi[:, :DP], gi[:, DP:2 * DP], gi[:, 2 * DP:]
    h_r, h_z, h_n = gh[:, :DP], gh[:, DP:2 * DP], gh[:, 2 * DP:]
    r = jax.nn.sigmoid(i_r + h_r)
    z = jax.nn.sigmoid(i_z + h_z)
    n = jnp.tanh(i_n + r * h_n)
    out_ref[...] = (1.0 - z) * n + z * h


_tc_gru = pl.pallas_call(
    _gru_body,
    grid=(N // RB,),
    in_specs=[
        pl.BlockSpec((NC, RB, DP), lambda i: (0, i, 0)),
        pl.BlockSpec((RB, DP), lambda i: (i, 0)),
        pl.BlockSpec((DP, 3 * DP), lambda i: (0, 0)),
        pl.BlockSpec((DP, 3 * DP), lambda i: (0, 0)),
        pl.BlockSpec((1, 3 * DP), lambda i: (0, 0)),
        pl.BlockSpec((1, 3 * DP), lambda i: (0, 0)),
    ],
    out_specs=pl.BlockSpec((RB, DP), lambda i: (i, 0)),
    out_shape=jax.ShapeDtypeStruct((N, DP), jnp.float32),
)


RB2 = 632
GRID2 = NP // RB2


def _gru_last_body(p0_ref, p1_ref, h_ref, wih_ref, whh_ref, bih_ref, bhh_ref,
                   w1_ref, b1_ref, w2_ref, b2_ref, w3_ref, b3_ref,
                   out_ref, acc_ref):
    i = pl.program_id(0)
    x = p0_ref[...] + p1_ref[...]
    h = h_ref[...]
    gi = jnp.dot(x, wih_ref[...], preferred_element_type=jnp.float32) + bih_ref[...]
    gh = jnp.dot(h, whh_ref[...], preferred_element_type=jnp.float32) + bhh_ref[...]
    i_r, i_z, i_n = gi[:, :DP], gi[:, DP:2 * DP], gi[:, 2 * DP:]
    h_r, h_z, h_n = gh[:, :DP], gh[:, DP:2 * DP], gh[:, 2 * DP:]
    r = jax.nn.sigmoid(i_r + h_r)
    z = jax.nn.sigmoid(i_z + h_z)
    n = jnp.tanh(i_n + r * h_n)
    hn = (1.0 - z) * n + z * h
    rowid = jax.lax.broadcasted_iota(jnp.int32, (RB2, 1), 0) + i * RB2
    hn = jnp.where(rowid < N, hn, 0.0)

    @pl.when(i == 0)
    def _():
        acc_ref[...] = jnp.zeros((1, DP), jnp.float32)

    acc_ref[...] += jnp.sum(hn, axis=0, keepdims=True)

    @pl.when(i == GRID2 - 1)
    def _():
        g = acc_ref[...]
        g = jnp.log(g)
        g = jnp.where(jnp.isnan(g), 0.0, g)
        g = jnp.maximum(g, 0.0)
        y = jnp.dot(g, w1_ref[...], preferred_element_type=jnp.float32) + b1_ref[...]
        y = jnp.where(y >= 0.0, y, 0.01 * y)
        y = jnp.dot(y, w2_ref[...], preferred_element_type=jnp.float32) + b2_ref[...]
        y = jnp.where(y >= 0.0, y, 0.01 * y)
        y = jnp.dot(y, w3_ref[...], preferred_element_type=jnp.float32) + b3_ref[...]
        out_ref[...] = y


_tc_gru_last = pl.pallas_call(
    _gru_last_body,
    grid=(GRID2,),
    in_specs=[
        pl.BlockSpec((RB2, DP), lambda i: (i, 0)),
        pl.BlockSpec((RB2, DP), lambda i: (GRID2 + i, 0)),
        pl.BlockSpec((RB2, DP), lambda i: (i, 0)),
        pl.BlockSpec((DP, 3 * DP), lambda i: (0, 0)),
        pl.BlockSpec((DP, 3 * DP), lambda i: (0, 0)),
        pl.BlockSpec((1, 3 * DP), lambda i: (0, 0)),
        pl.BlockSpec((1, 3 * DP), lambda i: (0, 0)),
        pl.BlockSpec((DP, 80), lambda i: (0, 0)),
        pl.BlockSpec((1, 80), lambda i: (0, 0)),
        pl.BlockSpec((80, 80), lambda i: (0, 0)),
        pl.BlockSpec((1, 80), lambda i: (0, 0)),
        pl.BlockSpec((80, 16), lambda i: (0, 0)),
        pl.BlockSpec((1, 16), lambda i: (0, 0)),
    ],
    out_specs=pl.BlockSpec((1, 16), lambda i: (0, 0)),
    out_shape=jax.ShapeDtypeStruct((1, 16), jnp.float32),
    scratch_shapes=[pltpu.VMEM((1, DP), jnp.float32)],
)

_sc_segment_sum_cache = []


def _sc_segment_sum(h, src, dst):
    if not _sc_segment_sum_cache:
        _sc_segment_sum_cache.append(_build_sc_segment_sum())
    return _sc_segment_sum_cache[0](h, src, dst)


def _pad_gate_weights(w, b):
    w3 = w.reshape(3, D, D)
    wt = jnp.zeros((3, DP, DP), jnp.float32)
    wt = wt.at[:, :D, :D].set(jnp.transpose(w3, (0, 2, 1)))
    wt = jnp.transpose(wt, (1, 0, 2)).reshape(DP, 3 * DP)
    bp = jnp.zeros((3, DP), jnp.float32).at[:, :D].set(b.reshape(3, D)).reshape(1, 3 * DP)
    return wt, bp


def kernel(nodes, edge_index, W_ih, W_hh, b_ih, b_hh,
           fc1_w, fc1_b, fc2_w, fc2_b, fc3_w, fc3_b):
    src = edge_index[0].astype(jnp.int32)
    dst = edge_index[1].astype(jnp.int32)
    h = jnp.zeros((N, DP), jnp.float32).at[:, :D].set(nodes)

    wih, bih = _pad_gate_weights(W_ih, b_ih)
    whh, bhh = _pad_gate_weights(W_hh, b_hh)
    w1 = jnp.zeros((DP, 80), jnp.float32).at[:D, :].set(fc1_w.T)
    b1 = fc1_b.reshape(1, 80)
    w2 = fc2_w.T
    b2 = fc2_b.reshape(1, 80)
    w3 = jnp.zeros((80, 16), jnp.float32).at[:, :10].set(fc3_w.T)
    b3 = jnp.zeros((1, 16), jnp.float32).at[0, :10].set(fc3_b)

    for _ in range(PASSES - 1):
        partials = _sc_segment_sum(h, src, dst).reshape(NC, NP, DP)
        h = _tc_gru(partials, h, wih, whh, bih, bhh)

    pflat = _sc_segment_sum(h, src, dst)
    out = _tc_gru_last(pflat, pflat, h, wih, whh, bih, bhh,
                       w1, b1, w2, b2, w3, b3)
    return out[0, :10]

# --- scband reference (transcript-rebuilt; emitter-appended) ---
"""Pipeline reference for scband-ggnn-14199161880902 (READ-ONLY COPY).

The authoritative reference and input builder live on the scoring server;
editing this copy changes nothing except your own understanding.
"""

import jax, jax.numpy as jnp
import numpy as np

N = 10000
E = 320000
D = 150
PASSES = 4


def setup_inputs(seed: int = 0) -> dict:
    key = jax.random.key(seed)
    ks = jax.random.split(key, 14)
    nodes = jax.random.normal(ks[0], (N, D), dtype=jnp.float32)
    edge_index = jax.random.randint(ks[1], (2, E), 0, N)
    s = 1.0 / np.sqrt(D)
    W_ih = jax.random.uniform(ks[2], (3 * D, D), dtype=jnp.float32, minval=-s, maxval=s)
    W_hh = jax.random.uniform(ks[3], (3 * D, D), dtype=jnp.float32, minval=-s, maxval=s)
    b_ih = jax.random.uniform(ks[4], (3 * D,), dtype=jnp.float32, minval=-s, maxval=s)
    b_hh = jax.random.uniform(ks[5], (3 * D,), dtype=jnp.float32, minval=-s, maxval=s)
    fc1_w = jax.random.uniform(ks[6], (80, D), dtype=jnp.float32, minval=-s, maxval=s)
    fc1_b = jax.random.uniform(ks[7], (80,), dtype=jnp.float32, minval=-s, maxval=s)
    s2 = 1.0 / np.sqrt(80)
    fc2_w = jax.random.uniform(ks[8], (80, 80), dtype=jnp.float32, minval=-s2, maxval=s2)
    fc2_b = jax.random.uniform(ks[9], (80,), dtype=jnp.float32, minval=-s2, maxval=s2)
    fc3_w = jax.random.uniform(ks[10], (10, 80), dtype=jnp.float32, minval=-s2, maxval=s2)
    fc3_b = jax.random.uniform(ks[11], (10,), dtype=jnp.float32, minval=-s2, maxval=s2)
    return {"nodes": nodes, "edge_index": edge_index, "W_ih": W_ih, "W_hh": W_hh, "b_ih": b_ih, "b_hh": b_hh, "fc1_w": fc1_w, "fc1_b": fc1_b, "fc2_w": fc2_w, "fc2_b": fc2_b, "fc3_w": fc3_w, "fc3_b": fc3_b}


def gru_cell(x, h, W_ih, W_hh, b_ih, b_hh):
    gi = x @ W_ih.T + b_ih
    gh = h @ W_hh.T + b_hh
    i_r, i_z, i_n = jnp.split(gi, 3, axis=1)
    h_r, h_z, h_n = jnp.split(gh, 3, axis=1)
    r = jax.nn.sigmoid(i_r + h_r)
    z = jax.nn.sigmoid(i_z + h_z)
    n = jnp.tanh(i_n + r * h_n)
    return (1.0 - z) * n + z * h


def reference(nodes, edge_index, W_ih, W_hh, b_ih, b_hh, fc1_w, fc1_b, fc2_w, fc2_b, fc3_w, fc3_b):
    src = edge_index[0]
    dst = edge_index[1]
    h = nodes
    for _ in range(PASSES):
        # collect_incomingPrime: sum of inset node representations per dst node
        msgs = jnp.take(h, src, axis=0)
        incoming = jax.ops.segment_sum(msgs, dst, num_segments=N)
        h = gru_cell(incoming, h, W_ih, W_hh, b_ih, b_hh)
    # graph readout: sum nodes, log, nan->0, relu
    g = h.sum(axis=0)
    g = jnp.log(g)
    g = jnp.where(jnp.isnan(g), 0.0, g)
    g = jax.nn.relu(g)
    x = g @ fc1_w.T + fc1_b
    x = jax.nn.leaky_relu(x)
    x = x @ fc2_w.T + fc2_b
    x = jax.nn.leaky_relu(x)
    x = x @ fc3_w.T + fc3_b
    return x

if __name__ == "__main__":
    import jax
    _d = setup_inputs()
    print(jax.jit(kernel)(*tuple(_d.values())))

</pallas_src>

<mosaic_0001>
#map = affine_map<(d0, d1) -> (0, 0)>
#map1 = affine_map<(d0, d1) -> (0)>
module attributes {stable_mosaic.version = 14 : i64} {
  func.func @seg_sum(%arg0: i32, %arg1: i32, %arg2: memref<10000x160xf32, #tpu.memory_space<hbm>>, %arg3: memref<320000xi32, #tpu.memory_space<hbm>>, %arg4: memref<320000xi32, #tpu.memory_space<hbm>>, %arg5: memref<20224x160xf32, #tpu.memory_space<hbm>>, %arg6: memref<2000xi32, #tpu.memory_space<vmem>>, %arg7: memref<2000xi32, #tpu.memory_space<vmem>>, %arg8: memref<80x160xf32, #tpu.memory_space<vmem>>, %arg9: memref<80x160xf32, #tpu.memory_space<vmem>>, %arg10: memref<10112x160xf32, #tpu.memory_space<vmem_shared>>, %arg11: memref<!tpu.dma_semaphore, #tpu.memory_space<semaphore_mem>>, %arg12: memref<!tpu.dma_semaphore, #tpu.memory_space<semaphore_mem>>) attributes {dimension_semantics = [#tpu.dimension_semantics<core_parallel>, #tpu.dimension_semantics<subcore_parallel>], iteration_bounds = array<i64: 2, 16>, scalar_prefetch = 0 : i64, scratch_operands = 7 : i64, tpu.core_type = #tpu.core_type<sc_vector_subcore>, window_params = [{transform_indices = #map}, {transform_indices = #map1}, {transform_indices = #map1}, {transform_indices = #map}]} {
    %mul3A = arith.constant 2 : i32
    %mul3A_0 = arith.muli %arg1, %mul3A : i32
    %add3A = arith.addi %mul3A_0, %arg0 : i32
    %broadcast_in_dim3A = arith.constant 0.000000e+00 : f32
    %broadcast_in_dim3A_1 = vector.broadcast %broadcast_in_dim3A : f32 to vector<16xf32>
    %scan3A = arith.constant 0 : i32
    %scan3A_2 = arith.constant 0 : i32
    %scan3A_3 = arith.constant 80 : i32
    %scan3A_4 = arith.addi %scan3A_2, %scan3A_3 : i32
    %scan3A_5 = arith.constant 1 : i32
    scf.for %scan3A_31 = %scan3A_2 to %scan3A_4 step %scan3A_5  : i32 {
      %scan3A_32 = arith.constant 0 : i32
      %scan3A_33 = arith.constant 0 : i32
      %scan3A_34 = arith.constant 10 : i32
      %scan3A_35 = arith.addi %scan3A_33, %scan3A_34 : i32
      %scan3A_36 = arith.constant 1 : i32
      scf.for %scan3A_38 = %scan3A_33 to %scan3A_35 step %scan3A_36  : i32 {
        %mul3A_39 = arith.constant 16 : i32
        %mul3A_40 = arith.muli %scan3A_38, %mul3A_39 : i32
        %swap3A = arith.index_cast %scan3A_31 : i32 to index
        %swap3A_41 = arith.index_cast %mul3A_40 : i32 to index
        %swap3A_42 = tpu.vector_load %arg8[%swap3A, %swap3A_41] {strides = array<i32>} : memref<80x160xf32, #tpu.memory_space<vmem>>, vector<1x16xf32>,
        %swap3A_43 = vector.shape_cast %swap3A_42 : vector<1x16xf32> to vector<16xf32>
        %swap3A_44 = vector.shape_cast %broadcast_in_dim3A_1 : vector<16xf32> to vector<1x16xf32>
        tpu.vector_store %arg8[%swap3A, %swap3A_41], %swap3A_44 {strides = array<i32>} : memref<80x160xf32, #tpu.memory_space<vmem>>, vector<1x16xf32>,
      }
      %scan3A_37 = arith.constant 10 : i32
    }
    %scan3A_6 = arith.constant 80 : i32
    %scan3A_7 = arith.constant 0 : i32
    %scan3A_8 = arith.constant 0 : i32
    %scan3A_9 = arith.constant 7 : i32
    %scan3A_10 = arith.addi %scan3A_8, %scan3A_9 : i32
    %scan3A_11 = arith.constant 1 : i32
    scf.for %scan3A_31 = %scan3A_8 to %scan3A_10 step %scan3A_11  : i32 {
      %mul3A_32 = arith.constant 632 : i32
      %mul3A_33 = arith.muli %arg1, %mul3A_32 : i32
      %mul3A_34 = arith.constant 80 : i32
      %mul3A_35 = arith.muli %scan3A_31, %mul3A_34 : i32
      %add3A_36 = arith.addi %mul3A_33, %mul3A_35 : i32
      "tpu.region"() ({
        %run_scoped3A = tpu.sem_alloc : memref<!tpu.dma_semaphore, #tpu.memory_space<semaphore_mem>>
        %dma_start3A = arith.constant 0 : i32
        %dma_start3A_37 = tpu.memref_slice %arg10[%add3A_36, %dma_start3A] : memref<10112x160xf32, #tpu.memory_space<vmem_shared>> -> memref<80x160xf32, #tpu.memory_space<vmem_shared>>
        %dma_start3A_38 = arith.constant 0 : i32
        %dma_start3A_39 = tpu.memref_slice %arg10[%add3A_36, %dma_start3A_38] : memref<10112x160xf32, #tpu.memory_space<vmem_shared>> -> memref<80x160xf32, #tpu.memory_space<vmem_shared>>
        tpu.enqueue_dma source(%arg8 : memref<80x160xf32, #tpu.memory_space<vmem>>) target(%dma_start3A_39 : memref<80x160xf32, #tpu.memory_space<vmem_shared>>) target_semaphore(%run_scoped3A : memref<!tpu.dma_semaphore, #tpu.memory_space<semaphore_mem>>)
        %dma_wait3A = arith.constant 0 : i32
        %dma_wait3A_40 = tpu.memref_slice %arg10[%add3A_36, %dma_wait3A] : memref<10112x160xf32, #tpu.memory_space<vmem_shared>> -> memref<80x160xf32, #tpu.memory_space<vmem_shared>>
        %dma_wait3A_41 = arith.constant 0 : i32
        %dma_wait3A_42 = tpu.memref_slice %arg10[%add3A_36, %dma_wait3A_41] : memref<10112x160xf32, #tpu.memory_space<vmem_shared>> -> memref<80x160xf32, #tpu.memory_space<vmem_shared>>
        tpu.wait_dma2 semaphore(%run_scoped3A : memref<!tpu.dma_semaphore, #tpu.memory_space<semaphore_mem>>) src(%arg8 : memref<80x160xf32, #tpu.memory_space<vmem>>) dst(%dma_wait3A_42 : memref<80x160xf32, #tpu.memory_space<vmem_shared>>)
        tpu.yield
      }) : () -> ()
    }
    %scan3A_12 = arith.constant 7 : i32
    %mul3A_13 = arith.constant 632 : i32
    %mul3A_14 = arith.muli %arg1, %mul3A_13 : i32
    %add3A_15 = arith.constant 560 : i32
    %add3A_16 = arith.addi %mul3A_14, %add3A_15 : i32
    "tpu.region"() ({
      %run_scoped3A = tpu.sem_alloc : memref<!tpu.dma_semaphore, #tpu.memory_space<semaphore_mem>>
      %dma_start3A = arith.constant 0 : i32
      %dma_start3A_31 = arith.constant 0 : i32
      %dma_start3A_32 = tpu.memref_slice %arg8[%dma_start3A, %dma_start3A_31] : memref<80x160xf32, #tpu.memory_space<vmem>> -> memref<72x160xf32, #tpu.memory_space<vmem>>
      %dma_start3A_33 = arith.constant 0 : i32
      %dma_start3A_34 = tpu.memref_slice %arg10[%add3A_16, %dma_start3A_33] : memref<10112x160xf32, #tpu.memory_space<vmem_shared>> -> memref<72x160xf32, #tpu.memory_space<vmem_shared>>
      %dma_start3A_35 = arith.constant 0 : i32
      %dma_start3A_36 = tpu.memref_slice %arg10[%add3A_16, %dma_start3A_35] : memref<10112x160xf32, #tpu.memory_space<vmem_shared>> -> memref<72x160xf32, #tpu.memory_space<vmem_shared>>
      %dma_start3A_37 = arith.constant 0 : i32
      %dma_start3A_38 = arith.constant 0 : i32
      %dma_start3A_39 = tpu.memref_slice %arg8[%dma_start3A_37, %dma_start3A_38] : memref<80x160xf32, #tpu.memory_space<vmem>> -> memref<72x160xf32, #tpu.memory_space<vmem>>
      tpu.enqueue_dma source(%dma_start3A_39 : memref<72x160xf32, #tpu.memory_space<vmem>>) target(%dma_start3A_36 : memref<72x160xf32, #tpu.memory_space<vmem_shared>>) target_semaphore(%run_scoped3A : memref<!tpu.dma_semaphore, #tpu.memory_space<semaphore_mem>>)
      %dma_wait3A = arith.constant 0 : i32
      %dma_wait3A_40 = arith.constant 0 : i32
      %dma_wait3A_41 = tpu.memref_slice %arg8[%dma_wait3A, %dma_wait3A_40] : memref<80x160xf32, #tpu.memory_space<vmem>> -> memref<72x160xf32, #tpu.memory_space<vmem>>
      %dma_wait3A_42 = arith.constant 0 : i32
      %dma_wait3A_43 = tpu.memref_slice %arg10[%add3A_16, %dma_wait3A_42] : memref<10112x160xf32, #tpu.memory_space<vmem_shared>> -> memref<72x160xf32, #tpu.memory_space<vmem_shared>>
      %dma_wait3A_44 = arith.constant 0 : i32
      %dma_wait3A_45 = tpu.memref_slice %arg10[%add3A_16, %dma_wait3A_44] : memref<10112x160xf32, #tpu.memory_space<vmem_shared>> -> memref<72x160xf32, #tpu.memory_space<vmem_shared>>
      %dma_wait3A_46 = arith.constant 0 : i32
      %dma_wait3A_47 = arith.constant 0 : i32
      %dma_wait3A_48 = tpu.memref_slice %arg8[%dma_wait3A_46, %dma_wait3A_47] : memref<80x160xf32, #tpu.memory_space<vmem>> -> memref<72x160xf32, #tpu.memory_space<vmem>>
      tpu.wait_dma2 semaphore(%run_scoped3A : memref<!tpu.dma_semaphore, #tpu.memory_space<semaphore_mem>>) src(%dma_wait3A_48 : memref<72x160xf32, #tpu.memory_space<vmem>>) dst(%dma_wait3A_45 : memref<72x160xf32, #tpu.memory_space<vmem_shared>>)
      tpu.yield
    }) : () -> ()
    %barrier3A = arith.constant 0 : index
    tpu.barrier barrier_id(%barrier3A)
    %scan3A_17 = arith.constant 0 : i32
    %scan3A_18 = arith.constant 0 : i32
    %scan3A_19 = arith.constant 5 : i32
    %scan3A_20 = arith.addi %scan3A_18, %scan3A_19 : i32
    %scan3A_21 = arith.constant 1 : i32
    scf.for %scan3A_31 = %scan3A_18 to %scan3A_20 step %scan3A_21  : i32 {
      %mul3A_32 = arith.constant 10000 : i32
      %mul3A_33 = arith.muli %add3A, %mul3A_32 : i32
      %mul3A_34 = arith.constant 2000 : i32
      %mul3A_35 = arith.muli %scan3A_31, %mul3A_34 : i32
      %add3A_36 = arith.addi %mul3A_33, %mul3A_35 : i32
      %dma_start3A = tpu.memref_slice %arg3[%add3A_36] : memref<320000xi32, #tpu.memory_space<hbm>> -> memref<2000xi32, #tpu.memory_space<hbm>>
      %dma_start3A_37 = tpu.memref_slice %arg3[%add3A_36] : memref<320000xi32, #tpu.memory_space<hbm>> -> memref<2000xi32, #tpu.memory_space<hbm>>
      tpu.enqueue_dma source(%dma_start3A_37 : memref<2000xi32, #tpu.memory_space<hbm>>) target(%arg6 : memref<2000xi32, #tpu.memory_space<vmem>>) target_semaphore(%arg11 : memref<!tpu.dma_semaphore, #tpu.memory_space<semaphore_mem>>)
      %dma_start3A_38 = tpu.memref_slice %arg4[%add3A_36] : memref<320000xi32, #tpu.memory_space<hbm>> -> memref<2000xi32, #tpu.memory_space<hbm>>
      %dma_start3A_39 = tpu.memref_slice %arg4[%add3A_36] : memref<320000xi32, #tpu.memory_space<hbm>> -> memref<2000xi32, #tpu.memory_space<hbm>>
      tpu.enqueue_dma source(%dma_start3A_39 : memref<2000xi32, #tpu.memory_space<hbm>>) target(%arg7 : memref<2000xi32, #tpu.memory_space<vmem>>) target_semaphore(%arg12 : memref<!tpu.dma_semaphore, #tpu.memory_space<semaphore_mem>>)
      %dma_wait3A = tpu.memref_slice %arg3[%add3A_36] : memref<320000xi32, #tpu.memory_space<hbm>> -> memref<2000xi32, #tpu.memory_space<hbm>>
      %dma_wait3A_40 = tpu.memref_slice %arg3[%add3A_36] : memref<320000xi32, #tpu.memory_space<hbm>> -> memref<2000xi32, #tpu.memory_space<hbm>>
      tpu.wait_dma2 semaphore(%arg11 : memref<!tpu.dma_semaphore, #tpu.memory_space<semaphore_mem>>) src(%dma_wait3A_40 : memref<2000xi32, #tpu.memory_space<hbm>>) dst(%arg6 : memref<2000xi32, #tpu.memory_space<vmem>>)
      %dma_wait3A_41 = tpu.memref_slice %arg4[%add3A_36] : memref<320000xi32, #tpu.memory_space<hbm>> -> memref<2000xi32, #tpu.memory_space<hbm>>
      %dma_wait3A_42 = tpu.memref_slice %arg4[%add3A_36] : memref<320000xi32, #tpu.memory_space<hbm>> -> memref<2000xi32, #tpu.memory_space<hbm>>
      tpu.wait_dma2 semaphore(%arg12 : memref<!tpu.dma_semaphore, #tpu.memory_space<semaphore_mem>>) src(%dma_wait3A_42 : memref<2000xi32, #tpu.memory_space<hbm>>) dst(%arg7 : memref<2000xi32, #tpu.memory_space<vmem>>)
      %dma_start3A_43 = arith.constant 0 : i32
      %dma_start3A_44 = tpu.memref_slice %arg6[%dma_start3A_43] : memref<2000xi32, #tpu.memory_space<vmem>> -> memref<80xi32, #tpu.memory_space<vmem>>
      %dma_start3A_45 = arith.constant 0 : i32
      %dma_start3A_46 = arith.constant 0 : i32
      %dma_start3A_47 = tpu.memref_slice %arg2[%dma_start3A_45, %dma_start3A_46] : memref<10000x160xf32, #tpu.memory_space<hbm>> -> memref<10000x160xf32, #tpu.memory_space<hbm>>
      tpu.enqueue_indirect_dma source(%dma_start3A_47 : memref<10000x160xf32, #tpu.memory_space<hbm>>) target(%arg8 : memref<80x160xf32, #tpu.memory_space<vmem>>) offsets(%dma_start3A_44 : memref<80xi32, #tpu.memory_space<vmem>>) semaphore(%arg11 : memref<!tpu.dma_semaphore, #tpu.memory_space<semaphore_mem>>)
      %dma_start3A_48 = arith.constant 80 : i32
      %dma_start3A_49 = tpu.memref_slice %arg6[%dma_start3A_48] : memref<2000xi32, #tpu.memory_space<vmem>> -> memref<80xi32, #tpu.memory_space<vmem>>
      %dma_start3A_50 = arith.constant 0 : i32
      %dma_start3A_51 = arith.constant 0 : i32
      %dma_start3A_52 = tpu.memref_slice %arg2[%dma_start3A_50, %dma_start3A_51] : memref<10000x160xf32, #tpu.memory_space<hbm>> -> memref<10000x160xf32, #tpu.memory_space<hbm>>
      tpu.enqueue_indirect_dma source(%dma_start3A_52 : memref<10000x160xf32, #tpu.memory_space<hbm>>) target(%arg9 : memref<80x160xf32, #tpu.memory_space<vmem>>) offsets(%dma_start3A_49 : memref<80xi32, #tpu.memory_space<vmem>>) semaphore(%arg12 : memref<!tpu.dma_semaphore, #tpu.memory_space<semaphore_mem>>)
      %scan3A_53 = arith.constant 0 : i32
      %scan3A_54 = arith.constant 0 : i32
      %scan3A_55 = arith.constant 12 : i32
      %scan3A_56 = arith.addi %scan3A_54, %scan3A_55 : i32
      %scan3A_57 = arith.constant 1 : i32
      scf.for %scan3A_64 = %scan3A_54 to %scan3A_56 step %scan3A_57  : i32 {
        %mul3A_65 = arith.constant 2 : i32
        %mul3A_66 = arith.muli %mul3A_65, %scan3A_64 : i32
        %add3A_67 = arith.constant 1 : i32
        %add3A_68 = arith.addi %mul3A_66, %add3A_67 : i32
        %mul3A_69 = arith.constant 80 : i32
        %mul3A_70 = arith.muli %mul3A_66, %mul3A_69 : i32
        %dma_wait3A_71 = tpu.memref_slice %arg6[%mul3A_70] : memref<2000xi32, #tpu.memory_space<vmem>> -> memref<80xi32, #tpu.memory_space<vmem>>
        %dma_wait3A_72 = arith.constant 0 : i32
        %dma_wait3A_73 = arith.constant 0 : i32
        %dma_wait3A_74 = tpu.memref_slice %arg2[%dma_wait3A_72, %dma_wait3A_73] : memref<10000x160xf32, #tpu.memory_space<hbm>> -> memref<10000x160xf32, #tpu.memory_space<hbm>>
        tpu.wait_indirect_dma semaphore(%arg11 : memref<!tpu.dma_semaphore, #tpu.memory_space<semaphore_mem>>) src(%dma_wait3A_74 : memref<10000x160xf32, #tpu.memory_space<hbm>>) dst(%arg8 : memref<80x160xf32, #tpu.memory_space<vmem>>)
        %mul3A_75 = arith.constant 80 : i32
        %mul3A_76 = arith.muli %mul3A_66, %mul3A_75 : i32
        "tpu.region"() ({
          %run_scoped3A = tpu.sem_alloc : memref<!tpu.dma_semaphore, #tpu.memory_space<semaphore_mem>>
          %dma_start3A_95 = tpu.memref_slice %arg7[%mul3A_76] : memref<2000xi32, #tpu.memory_space<vmem>> -> memref<80xi32, #tpu.memory_space<vmem>>
          %dma_start3A_96 = arith.constant 0 : i32
          %dma_start3A_97 = arith.constant 0 : i32
          %dma_start3A_98 = tpu.memref_slice %arg10[%dma_start3A_96, %dma_start3A_97] : memref<10112x160xf32, #tpu.memory_space<vmem_shared>> -> memref<10112x160xf32, #tpu.memory_space<vmem_shared>>
          tpu.enqueue_indirect_dma source(%arg8 : memref<80x160xf32, #tpu.memory_space<vmem>>) target(%dma_start3A_98 : memref<10112x160xf32, #tpu.memory_space<vmem_shared>>) offsets(%dma_start3A_95 : memref<80xi32, #tpu.memory_space<vmem>>) semaphore(%run_scoped3A : memref<!tpu.dma_semaphore, #tpu.memory_space<semaphore_mem>>) {add = true}
          %dma_wait3A_99 = tpu.memref_slice %arg7[%mul3A_76] : memref<2000xi32, #tpu.memory_space<vmem>> -> memref<80xi32, #tpu.memory_space<vmem>>
          %dma_wait3A_100 = arith.constant 0 : i32
          %dma_wait3A_101 = arith.constant 0 : i32
          %dma_wait3A_102 = tpu.memref_slice %arg10[%dma_wait3A_100, %dma_wait3A_101] : memref<10112x160xf32, #tpu.memory_space<vmem_shared>> -> memref<10112x160xf32, #tpu.memory_space<vmem_shared>>
          tpu.wait_indirect_dma semaphore(%run_scoped3A : memref<!tpu.dma_semaphore, #tpu.memory_space<semaphore_mem>>) src(%arg8 : memref<80x160xf32, #tpu.memory_space<vmem>>) dst(%dma_wait3A_102 : memref<10112x160xf32, #tpu.memory_space<vmem_shared>>)
          tpu.yield
        }) : () -> ()
        %add3A_77 = arith.constant 2 : i32
        %add3A_78 = arith.addi %mul3A_66, %add3A_77 : i32
        %mul3A_79 = arith.constant 80 : i32
        %mul3A_80 = arith.muli %add3A_78, %mul3A_79 : i32
        %dma_start3A_81 = tpu.memref_slice %arg6[%mul3A_80] : memref<2000xi32, #tpu.memory_space<vmem>> -> memref<80xi32, #tpu.memory_space<vmem>>
        %dma_start3A_82 = arith.constant 0 : i32
        %dma_start3A_83 = arith.constant 0 : i32
        %dma_start3A_84 = tpu.memref_slice %arg2[%dma_start3A_82, %dma_start3A_83] : memref<10000x160xf32, #tpu.memory_space<hbm>> -> memref<10000x160xf32, #tpu.memory_space<hbm>>
        tpu.enqueue_indirect_dma source(%dma_start3A_84 : memref<10000x160xf32, #tpu.memory_space<hbm>>) target(%arg8 : memref<80x160xf32, #tpu.memory_space<vmem>>) offsets(%dma_start3A_81 : memref<80xi32, #tpu.memory_space<vmem>>) semaphore(%arg11 : memref<!tpu.dma_semaphore, #tpu.memory_space<semaphore_mem>>)
        %mul3A_85 = arith.constant 80 : i32
        %mul3A_86 = arith.muli %add3A_68, %mul3A_85 : i32
        %dma_wait3A_87 = tpu.memref_slice %arg6[%mul3A_86] : memref<2000xi32, #tpu.memory_space<vmem>> -> memref<80xi32, #tpu.memory_space<vmem>>
        %dma_wait3A_88 = arith.constant 0 : i32
        %dma_wait3A_89 = arith.constant 0 : i32
        %dma_wait3A_90 = tpu.memref_slice %arg2[%dma_wait3A_88, %dma_wait3A_89] : memref<10000x160xf32, #tpu.memory_space<hbm>> -> memref<10000x160xf32, #tpu.memory_space<hbm>>
        tpu.wait_indirect_dma semaphore(%arg12 : memref<!tpu.dma_semaphore, #tpu.memory_space<semaphore_mem>>) src(%dma_wait3A_90 : memref<10000x160xf32, #tpu.memory_space<hbm>>) dst(%arg9 : memref<80x160xf32, #tpu.memory_space<vmem>>)
        %mul3A_91 = arith.constant 80 : i32
        %mul3A_92 = arith.muli %add3A_68, %mul3A_91 : i32
        "tpu.region"() ({
          %run_scoped3A = tpu.sem_alloc : memref<!tpu.dma_semaphore, #tpu.memory_space<semaphore_mem>>
          %dma_start3A_95 = tpu.memref_slice %arg7[%mul3A_92] : memref<2000xi32, #tpu.memory_space<vmem>> -> memref<80xi32, #tpu.memory_space<vmem>>
          %dma_start3A_96 = arith.constant 0 : i32
          %dma_start3A_97 = arith.constant 0 : i32
          %dma_start3A_98 = tpu.memref_slice %arg10[%dma_start3A_96, %dma_start3A_97] : memref<10112x160xf32, #tpu.memory_space<vmem_shared>> -> memref<10112x160xf32, #tpu.memory_space<vmem_shared>>
          tpu.enqueue_indirect_dma source(%arg9 : memref<80x160xf32, #tpu.memory_space<vmem>>) target(%dma_start3A_98 : memref<10112x160xf32, #tpu.memory_space<vmem_shared>>) offsets(%dma_start3A_95 : memref<80xi32, #tpu.memory_space<vmem>>) semaphore(%run_scoped3A : memref<!tpu.dma_semaphore, #tpu.memory_space<semaphore_mem>>) {add = true}
          %dma_wait3A_99 = tpu.memref_slice %arg7[%mul3A_92] : memref<2000xi32, #tpu.memory_space<vmem>> -> memref<80xi32, #tpu.memory_space<vmem>>
          %dma_wait3A_100 = arith.constant 0 : i32
          %dma_wait3A_101 = arith.constant 0 : i32
          %dma_wait3A_102 = tpu.memref_slice %arg10[%dma_wait3A_100, %dma_wait3A_101] : memref<10112x160xf32, #tpu.memory_space<vmem_shared>> -> memref<10112x160xf32, #tpu.memory_space<vmem_shared>>
          tpu.wait_indirect_dma semaphore(%run_scoped3A : memref<!tpu.dma_semaphore, #tpu.memory_space<semaphore_mem>>) src(%arg9 : memref<80x160xf32, #tpu.memory_space<vmem>>) dst(%dma_wait3A_102 : memref<10112x160xf32, #tpu.memory_space<vmem_shared>>)
          tpu.yield
        }) : () -> ()
        %lt3A = arith.constant 11 : i32
        %lt3A_93 = arith.cmpi slt, %scan3A_64, %lt3A : i32
        %convert_element_type3A = arith.extui %lt3A_93 : i1 to i32
        %cond3A = arith.constant 0 : i32
        %cond3A_94 = arith.cmpi ne, %convert_element_type3A, %cond3A : i32
        scf.if %cond3A_94 {
          %add3A_95 = arith.constant 2 : i32
          %add3A_96 = arith.addi %add3A_68, %add3A_95 : i32
          %mul3A_97 = arith.constant 80 : i32
          %mul3A_98 = arith.muli %add3A_96, %mul3A_97 : i32
          %dma_start3A_99 = tpu.memref_slice %arg6[%mul3A_98] : memref<2000xi32, #tpu.memory_space<vmem>> -> memref<80xi32, #tpu.memory_space<vmem>>
          %dma_start3A_100 = arith.constant 0 : i32
          %dma_start3A_101 = arith.constant 0 : i32
          %dma_start3A_102 = tpu.memref_slice %arg2[%dma_start3A_100, %dma_start3A_101] : memref<10000x160xf32, #tpu.memory_space<hbm>> -> memref<10000x160xf32, #tpu.memory_space<hbm>>
          tpu.enqueue_indirect_dma source(%dma_start3A_102 : memref<10000x160xf32, #tpu.memory_space<hbm>>) target(%arg9 : memref<80x160xf32, #tpu.memory_space<vmem>>) offsets(%dma_start3A_99 : memref<80xi32, #tpu.memory_space<vmem>>) semaphore(%arg12 : memref<!tpu.dma_semaphore, #tpu.memory_space<semaphore_mem>>)
        } else {
        }
      }
      %scan3A_58 = arith.constant 12 : i32
      %dma_wait3A_59 = arith.constant 1920 : i32
      %dma_wait3A_60 = tpu.memref_slice %arg6[%dma_wait3A_59] : memref<2000xi32, #tpu.memory_space<vmem>> -> memref<80xi32, #tpu.memory_space<vmem>>
      %dma_wait3A_61 = arith.constant 0 : i32
      %dma_wait3A_62 = arith.constant 0 : i32
      %dma_wait3A_63 = tpu.memref_slice %arg2[%dma_wait3A_61, %dma_wait3A_62] : memref<10000x160xf32, #tpu.memory_space<hbm>> -> memref<10000x160xf32, #tpu.memory_space<hbm>>
      tpu.wait_indirect_dma semaphore(%arg11 : memref<!tpu.dma_semaphore, #tpu.memory_space<semaphore_mem>>) src(%dma_wait3A_63 : memref<10000x160xf32, #tpu.memory_space<hbm>>) dst(%arg8 : memref<80x160xf32, #tpu.memory_space<vmem>>)
      "tpu.region"() ({
        %run_scoped3A = tpu.sem_alloc : memref<!tpu.dma_semaphore, #tpu.memory_space<semaphore_mem>>
        %dma_start3A_64 = arith.constant 1920 : i32
        %dma_start3A_65 = tpu.memref_slice %arg7[%dma_start3A_64] : memref<2000xi32, #tpu.memory_space<vmem>> -> memref<80xi32, #tpu.memory_space<vmem>>
        %dma_start3A_66 = arith.constant 0 : i32
        %dma_start3A_67 = arith.constant 0 : i32
        %dma_start3A_68 = tpu.memref_slice %arg10[%dma_start3A_66, %dma_start3A_67] : memref<10112x160xf32, #tpu.memory_space<vmem_shared>> -> memref<10112x160xf32, #tpu.memory_space<vmem_shared>>
        tpu.enqueue_indirect_dma source(%arg8 : memref<80x160xf32, #tpu.memory_space<vmem>>) target(%dma_start3A_68 : memref<10112x160xf32, #tpu.memory_space<vmem_shared>>) offsets(%dma_start3A_65 : memref<80xi32, #tpu.memory_space<vmem>>) semaphore(%run_scoped3A : memref<!tpu.dma_semaphore, #tpu.memory_space<semaphore_mem>>) {add = true}
        %dma_wait3A_69 = arith.constant 1920 : i32
        %dma_wait3A_70 = tpu.memref_slice %arg7[%dma_wait3A_69] : memref<2000xi32, #tpu.memory_space<vmem>> -> memref<80xi32, #tpu.memory_space<vmem>>
        %dma_wait3A_71 = arith.constant 0 : i32
        %dma_wait3A_72 = arith.constant 0 : i32
        %dma_wait3A_73 = tpu.memref_slice %arg10[%dma_wait3A_71, %dma_wait3A_72] : memref<10112x160xf32, #tpu.memory_space<vmem_shared>> -> memref<10112x160xf32, #tpu.memory_space<vmem_shared>>
        tpu.wait_indirect_dma semaphore(%run_scoped3A : memref<!tpu.dma_semaphore, #tpu.memory_space<semaphore_mem>>) src(%arg8 : memref<80x160xf32, #tpu.memory_space<vmem>>) dst(%dma_wait3A_73 : memref<10112x160xf32, #tpu.memory_space<vmem_shared>>)
        tpu.yield
      }) : () -> ()
    }
    %scan3A_22 = arith.constant 5 : i32
    %barrier3A_23 = arith.constant 0 : index
    tpu.barrier barrier_id(%barrier3A_23)
    %mul3A_24 = arith.constant 632 : i32
    %mul3A_25 = arith.muli %arg1, %mul3A_24 : i32
    %mul3A_26 = arith.constant 10112 : i32
    %mul3A_27 = arith.muli %arg0, %mul3A_26 : i32
    %mul3A_28 = arith.constant 632 : i32
    %mul3A_29 = arith.muli %arg1, %mul3A_28 : i32
    %add3A_30 = arith.addi %mul3A_27, %mul3A_29 : i32
    "tpu.region"() ({
      %run_scoped3A = tpu.sem_alloc : memref<!tpu.dma_semaphore, #tpu.memory_space<semaphore_mem>>
      %dma_start3A = arith.constant 0 : i32
      %dma_start3A_31 = tpu.memref_slice %arg5[%add3A_30, %dma_start3A] : memref<20224x160xf32, #tpu.memory_space<hbm>> -> memref<632x160xf32, #tpu.memory_space<hbm>>
      %dma_start3A_32 = arith.constant 0 : i32
      %dma_start3A_33 = tpu.memref_slice %arg10[%mul3A_25, %dma_start3A_32] : memref<10112x160xf32, #tpu.memory_space<vmem_shared>> -> memref<632x160xf32, #tpu.memory_space<vmem_shared>>
      tpu.enqueue_dma source(%dma_start3A_33 : memref<632x160xf32, #tpu.memory_space<vmem_shared>>) target(%dma_start3A_31 : memref<632x160xf32, #tpu.memory_space<hbm>>) target_semaphore(%run_scoped3A : memref<!tpu.dma_semaphore, #tpu.memory_space<semaphore_mem>>)
      %dma_wait3A = arith.constant 0 : i32
      %dma_wait3A_34 = tpu.memref_slice %arg5[%add3A_30, %dma_wait3A] : memref<20224x160xf32, #tpu.memory_space<hbm>> -> memref<632x160xf32, #tpu.memory_space<hbm>>
      %dma_wait3A_35 = arith.constant 0 : i32
      %dma_wait3A_36 = tpu.memref_slice %arg10[%mul3A_25, %dma_wait3A_35] : memref<10112x160xf32, #tpu.memory_space<vmem_shared>> -> memref<632x160xf32, #tpu.memory_space<vmem_shared>>
      tpu.wait_dma2 semaphore(%run_scoped3A : memref<!tpu.dma_semaphore, #tpu.memory_space<semaphore_mem>>) src(%dma_wait3A_36 : memref<632x160xf32, #tpu.memory_space<vmem_shared>>) dst(%dma_wait3A_34 : memref<632x160xf32, #tpu.memory_space<hbm>>)
      tpu.yield
    }) : () -> ()
    return
  }
}

#map = affine_map<(d0, d1) -> (0, 0)>
#map1 = affine_map<(d0, d1) -> (0)>
module attributes {stable_mosaic.version = 14 : i64} {
  func.func @seg_sum(%arg0: i32, %arg1: i32, %arg2: memref<10000x160xf32, #tpu.memory_space<hbm>>, %arg3: memref<320000xi32, #tpu.memory_space<hbm>>, %arg4: memref<320000xi32, #tpu.memory_space<hbm>>, %arg5: memref<20224x160xf32, #tpu.memory_space<hbm>>, %arg6: memref<2000xi32, #tpu.memory_space<vmem>>, %arg7: memref<2000xi32, #tpu.memory_space<vmem>>, %arg8: memref<80x160xf32, #tpu.memory_space<vmem>>, %arg9: memref<80x160xf32, #tpu.memory_space<vmem>>, %arg10: memref<10112x160xf32, #tpu.memory_space<vmem_shared>>, %arg11: memref<!tpu.dma_semaphore, #tpu.memory_space<semaphore_mem>>, %arg12: memref<!tpu.dma_semaphore, #tpu.memory_space<semaphore_mem>>) attributes {dimension_semantics = [#tpu.dimension_semantics<core_parallel>, #tpu.dimension_semantics<subcore_parallel>], iteration_bounds = array<i64: 2, 16>, scalar_prefetch = 0 : i64, scratch_operands = 7 : i64, tpu.core_type = #tpu.core_type<sc_vector_subcore>, window_params = [{transform_indices = #map}, {transform_indices = #map1}, {transform_indices = #map1}, {transform_indices = #map}]} {
    %mul3A = arith.constant 2 : i32
    %mul3A_0 = arith.muli %arg1, %mul3A : i32
    %add3A = arith.addi %mul3A_0, %arg0 : i32
    %broadcast_in_dim3A = arith.constant 0.000000e+00 : f32
    %broadcast_in_dim3A_1 = vector.broadcast %broadcast_in_dim3A : f32 to vector<16xf32>
    %scan3A = arith.constant 0 : i32
    %scan3A_2 = arith.constant 0 : i32
    %scan3A_3 = arith.constant 80 : i32
    %scan3A_4 = arith.addi %scan3A_2, %scan3A_3 : i32
    %scan3A_5 = arith.constant 1 : i32
    scf.for %scan3A_31 = %scan3A_2 to %scan3A_4 step %scan3A_5  : i32 {
      %scan3A_32 = arith.constant 0 : i32
      %scan3A_33 = arith.constant 0 : i32
      %scan3A_34 = arith.constant 10 : i32
      %scan3A_35 = arith.addi %scan3A_33, %scan3A_34 : i32
      %scan3A_36 = arith.constant 1 : i32
      scf.for %scan3A_38 = %scan3A_33 to %scan3A_35 step %scan3A_36  : i32 {
        %mul3A_39 = arith.constant 16 : i32
        %mul3A_40 = arith.muli %scan3A_38, %mul3A_39 : i32
        %swap3A = arith.index_cast %scan3A_31 : i32 to index
        %swap3A_41 = arith.index_cast %mul3A_40 : i32 to index
        %swap3A_42 = tpu.vector_load %arg8[%swap3A, %swap3A_41] {strides = array<i32>} : memref<80x160xf32, #tpu.memory_space<vmem>>, vector<1x16xf32>,
        %swap3A_43 = vector.shape_cast %swap3A_42 : vector<1x16xf32> to vector<16xf32>
        %swap3A_44 = vector.shape_cast %broadcast_in_dim3A_1 : vector<16xf32> to vector<1x16xf32>
        tpu.vector_store %arg8[%swap3A, %swap3A_41], %swap3A_44 {strides = array<i32>} : memref<80x160xf32, #tpu.memory_space<vmem>>, vector<1x16xf32>,
      }
      %scan3A_37 = arith.constant 10 : i32
    }
    %scan3A_6 = arith.constant 80 : i32
    %scan3A_7 = arith.constant 0 : i32
    %scan3A_8 = arith.constant 0 : i32
    %scan3A_9 = arith.constant 7 : i32
    %scan3A_10 = arith.addi %scan3A_8, %scan3A_9 : i32
    %scan3A_11 = arith.constant 1 : i32
    scf.for %scan3A_31 = %scan3A_8 to %scan3A_10 step %scan3A_11  : i32 {
      %mul3A_32 = arith.constant 632 : i32
      %mul3A_33 = arith.muli %arg1, %mul3A_32 : i32
      %mul3A_34 = arith.constant 80 : i32
      %mul3A_35 = arith.muli %scan3A_31, %mul3A_34 : i32
      %add3A_36 = arith.addi %mul3A_33, %mul3A_35 : i32
      "tpu.region"() ({
        %run_scoped3A = tpu.sem_alloc : memref<!tpu.dma_semaphore, #tpu.memory_space<semaphore_mem>>
        %dma_start3A = arith.constant 0 : i32
        %dma_start3A_37 = tpu.memref_slice %arg10[%add3A_36, %dma_start3A] : memref<10112x160xf32, #tpu.memory_space<vmem_shared>> -> memref<80x160xf32, #tpu.memory_space<vmem_shared>>
        %dma_start3A_38 = arith.constant 0 : i32
        %dma_start3A_39 = tpu.memref_slice %arg10[%add3A_36, %dma_start3A_38] : memref<10112x160xf32, #tpu.memory_space<vmem_shared>> -> memref<80x160xf32, #tpu.memory_space<vmem_shared>>
        tpu.enqueue_dma source(%arg8 : memref<80x160xf32, #tpu.memory_space<vmem>>) target(%dma_start3A_39 : memref<80x160xf32, #tpu.memory_space<vmem_shared>>) target_semaphore(%run_scoped3A : memref<!tpu.dma_semaphore, #tpu.memory_space<semaphore_mem>>)
        %dma_wait3A = arith.constant 0 : i32
        %dma_wait3A_40 = tpu.memref_slice %arg10[%add3A_36, %dma_wait3A] : memref<10112x160xf32, #tpu.memory_space<vmem_shared>> -> memref<80x160xf32, #tpu.memory_space<vmem_shared>>
        %dma_wait3A_41 = arith.constant 0 : i32
        %dma_wait3A_42 = tpu.memref_slice %arg10[%add3A_36, %dma_wait3A_41] : memref<10112x160xf32, #tpu.memory_space<vmem_shared>> -> memref<80x160xf32, #tpu.memory_space<vmem_shared>>
        tpu.wait_dma2 semaphore(%run_scoped3A : memref<!tpu.dma_semaphore, #tpu.memory_space<semaphore_mem>>) src(%arg8 : memref<80x160xf32, #tpu.memory_space<vmem>>) dst(%dma_wait3A_42 : memref<80x160xf32, #tpu.memory_space<vmem_shared>>)
        tpu.yield
      }) : () -> ()
    }
    %scan3A_12 = arith.constant 7 : i32
    %mul3A_13 = arith.constant 632 : i32
    %mul3A_14 = arith.muli %arg1, %mul3A_13 : i32
    %add3A_15 = arith.constant 560 : i32
    %add3A_16 = arith.addi %mul3A_14, %add3A_15 : i32
    "tpu.region"() ({
      %run_scoped3A = tpu.sem_alloc : memref<!tpu.dma_semaphore, #tpu.memory_space<semaphore_mem>>
      %dma_start3A = arith.constant 0 : i32
      %dma_start3A_31 = arith.constant 0 : i32
      %dma_start3A_32 = tpu.memref_slice %arg8[%dma_start3A, %dma_start3A_31] : memref<80x160xf32, #tpu.memory_space<vmem>> -> memref<72x160xf32, #tpu.memory_space<vmem>>
      %dma_start3A_33 = arith.constant 0 : i32
      %dma_start3A_34 = tpu.memref_slice %arg10[%add3A_16, %dma_start3A_33] : memref<10112x160xf32, #tpu.memory_space<vmem_shared>> -> memref<72x160xf32, #tpu.memory_space<vmem_shared>>
      %dma_start3A_35 = arith.constant 0 : i32
      %dma_start3A_36 = tpu.memref_slice %arg10[%add3A_16, %dma_start3A_35] : memref<10112x160xf32, #tpu.memory_space<vmem_shared>> -> memref<72x160xf32, #tpu.memory_space<vmem_shared>>
      %dma_start3A_37 = arith.constant 0 : i32
      %dma_start3A_38 = arith.constant 0 : i32
      %dma_start3A_39 = tpu.memref_slice %arg8[%dma_start3A_37, %dma_start3A_38] : memref<80x160xf32, #tpu.memory_space<vmem>> -> memref<72x160xf32, #tpu.memory_space<vmem>>
      tpu.enqueue_dma source(%dma_start3A_39 : memref<72x160xf32, #tpu.memory_space<vmem>>) target(%dma_start3A_36 : memref<72x160xf32, #tpu.memory_space<vmem_shared>>) target_semaphore(%run_scoped3A : memref<!tpu.dma_semaphore, #tpu.memory_space<semaphore_mem>>)
      %dma_wait3A = arith.constant 0 : i32
      %dma_wait3A_40 = arith.constant 0 : i32
      %dma_wait3A_41 = tpu.memref_slice %arg8[%dma_wait3A, %dma_wait3A_40] : memref<80x160xf32, #tpu.memory_space<vmem>> -> memref<72x160xf32, #tpu.memory_space<vmem>>
      %dma_wait3A_42 = arith.constant 0 : i32
      %dma_wait3A_43 = tpu.memref_slice %arg10[%add3A_16, %dma_wait3A_42] : memref<10112x160xf32, #tpu.memory_space<vmem_shared>> -> memref<72x160xf32, #tpu.memory_space<vmem_shared>>
      %dma_wait3A_44 = arith.constant 0 : i32
      %dma_wait3A_45 = tpu.memref_slice %arg10[%add3A_16, %dma_wait3A_44] : memref<10112x160xf32, #tpu.memory_space<vmem_shared>> -> memref<72x160xf32, #tpu.memory_space<vmem_shared>>
      %dma_wait3A_46 = arith.constant 0 : i32
      %dma_wait3A_47 = arith.constant 0 : i32
      %dma_wait3A_48 = tpu.memref_slice %arg8[%dma_wait3A_46, %dma_wait3A_47] : memref<80x160xf32, #tpu.memory_space<vmem>> -> memref<72x160xf32, #tpu.memory_space<vmem>>
      tpu.wait_dma2 semaphore(%run_scoped3A : memref<!tpu.dma_semaphore, #tpu.memory_space<semaphore_mem>>) src(%dma_wait3A_48 : memref<72x160xf32, #tpu.memory_space<vmem>>) dst(%dma_wait3A_45 : memref<72x160xf32, #tpu.memory_space<vmem_shared>>)
      tpu.yield
    }) : () -> ()
    %barrier3A = arith.constant 0 : index
    tpu.barrier barrier_id(%barrier3A)
    %scan3A_17 = arith.constant 0 : i32
    %scan3A_18 = arith.constant 0 : i32
    %scan3A_19 = arith.constant 5 : i32
    %scan3A_20 = arith.addi %scan3A_18, %scan3A_19 : i32
    %scan3A_21 = arith.constant 1 : i32
    scf.for %scan3A_31 = %scan3A_18 to %scan3A_20 step %scan3A_21  : i32 {
      %mul3A_32 = arith.constant 10000 : i32
      %mul3A_33 = arith.muli %add3A, %mul3A_32 : i32
      %mul3A_34 = arith.constant 2000 : i32
      %mul3A_35 = arith.muli %scan3A_31, %mul3A_34 : i32
      %add3A_36 = arith.addi %mul3A_33, %mul3A_35 : i32
      %dma_start3A = tpu.memref_slice %arg3[%add3A_36] : memref<320000xi32, #tpu.memory_space<hbm>> -> memref<2000xi32, #tpu.memory_space<hbm>>
      %dma_start3A_37 = tpu.memref_slice %arg3[%add3A_36] : memref<320000xi32, #tpu.memory_space<hbm>> -> memref<2000xi32, #tpu.memory_space<hbm>>
      tpu.enqueue_dma source(%dma_start3A_37 : memref<2000xi32, #tpu.memory_space<hbm>>) target(%arg6 : memref<2000xi32, #tpu.memory_space<vmem>>) target_semaphore(%arg11 : memref<!tpu.dma_semaphore, #tpu.memory_space<semaphore_mem>>)
      %dma_start3A_38 = tpu.memref_slice %arg4[%add3A_36] : memref<320000xi32, #tpu.memory_space<hbm>> -> memref<2000xi32, #tpu.memory_space<hbm>>
      %dma_start3A_39 = tpu.memref_slice %arg4[%add3A_36] : memref<320000xi32, #tpu.memory_space<hbm>> -> memref<2000xi32, #tpu.memory_space<hbm>>
      tpu.enqueue_dma source(%dma_start3A_39 : memref<2000xi32, #tpu.memory_space<hbm>>) target(%arg7 : memref<2000xi32, #tpu.memory_space<vmem>>) target_semaphore(%arg12 : memref<!tpu.dma_semaphore, #tpu.memory_space<semaphore_mem>>)
      %dma_wait3A = tpu.memref_slice %arg3[%add3A_36] : memref<320000xi32, #tpu.memory_space<hbm>> -> memref<2000xi32, #tpu.memory_space<hbm>>
      %dma_wait3A_40 = tpu.memref_slice %arg3[%add3A_36] : memref<320000xi32, #tpu.memory_space<hbm>> -> memref<2000xi32, #tpu.memory_space<hbm>>
      tpu.wait_dma2 semaphore(%arg11 : memref<!tpu.dma_semaphore, #tpu.memory_space<semaphore_mem>>) src(%dma_wait3A_40 : memref<2000xi32, #tpu.memory_space<hbm>>) dst(%arg6 : memref<2000xi32, #tpu.memory_space<vmem>>)
      %dma_wait3A_41 = tpu.memref_slice %arg4[%add3A_36] : memref<320000xi32, #tpu.memory_space<hbm>> -> memref<2000xi32, #tpu.memory_space<hbm>>
      %dma_wait3A_42 = tpu.memref_slice %arg4[%add3A_36] : memref<320000xi32, #tpu.memory_space<hbm>> -> memref<2000xi32, #tpu.memory_space<hbm>>
      tpu.wait_dma2 semaphore(%arg12 : memref<!tpu.dma_semaphore, #tpu.memory_space<semaphore_mem>>) src(%dma_wait3A_42 : memref<2000xi32, #tpu.memory_space<hbm>>) dst(%arg7 : memref<2000xi32, #tpu.memory_space<vmem>>)
      %dma_start3A_43 = arith.constant 0 : i32
      %dma_start3A_44 = tpu.memref_slice %arg6[%dma_start3A_43] : memref<2000xi32, #tpu.memory_space<vmem>> -> memref<80xi32, #tpu.memory_space<vmem>>
      %dma_start3A_45 = arith.constant 0 : i32
      %dma_start3A_46 = arith.constant 0 : i32
      %dma_start3A_47 = tpu.memref_slice %arg2[%dma_start3A_45, %dma_start3A_46] : memref<10000x160xf32, #tpu.memory_space<hbm>> -> memref<10000x160xf32, #tpu.memory_space<hbm>>
      tpu.enqueue_indirect_dma source(%dma_start3A_47 : memref<10000x160xf32, #tpu.memory_space<hbm>>) target(%arg8 : memref<80x160xf32, #tpu.memory_space<vmem>>) offsets(%dma_start3A_44 : memref<80xi32, #tpu.memory_space<vmem>>) semaphore(%arg11 : memref<!tpu.dma_semaphore, #tpu.memory_space<semaphore_mem>>)
      %dma_start3A_48 = arith.constant 80 : i32
      %dma_start3A_49 = tpu.memref_slice %arg6[%dma_start3A_48] : memref<2000xi32, #tpu.memory_space<vmem>> -> memref<80xi32, #tpu.memory_space<vmem>>
      %dma_start3A_50 = arith.constant 0 : i32
      %dma_start3A_51 = arith.constant 0 : i32
      %dma_start3A_52 = tpu.memref_slice %arg2[%dma_start3A_50, %dma_start3A_51] : memref<10000x160xf32, #tpu.memory_space<hbm>> -> memref<10000x160xf32, #tpu.memory_space<hbm>>
      tpu.enqueue_indirect_dma source(%dma_start3A_52 : memref<10000x160xf32, #tpu.memory_space<hbm>>) target(%arg9 : memref<80x160xf32, #tpu.memory_space<vmem>>) offsets(%dma_start3A_49 : memref<80xi32, #tpu.memory_space<vmem>>) semaphore(%arg12 : memref<!tpu.dma_semaphore, #tpu.memory_space<semaphore_mem>>)
      %scan3A_53 = arith.constant 0 : i32
      %scan3A_54 = arith.constant 0 : i32
      %scan3A_55 = arith.constant 12 : i32
      %scan3A_56 = arith.addi %scan3A_54, %scan3A_55 : i32
      %scan3A_57 = arith.constant 1 : i32
      scf.for %scan3A_64 = %scan3A_54 to %scan3A_56 step %scan3A_57  : i32 {
        %mul3A_65 = arith.constant 2 : i32
        %mul3A_66 = arith.muli %mul3A_65, %scan3A_64 : i32
        %add3A_67 = arith.constant 1 : i32
        %add3A_68 = arith.addi %mul3A_66, %add3A_67 : i32
        %mul3A_69 = arith.constant 80 : i32
        %mul3A_70 = arith.muli %mul3A_66, %mul3A_69 : i32
        %dma_wait3A_71 = tpu.memref_slice %arg6[%mul3A_70] : memref<2000xi32, #tpu.memory_space<vmem>> -> memref<80xi32, #tpu.memory_space<vmem>>
        %dma_wait3A_72 = arith.constant 0 : i32
        %dma_wait3A_73 = arith.constant 0 : i32
        %dma_wait3A_74 = tpu.memref_slice %arg2[%dma_wait3A_72, %dma_wait3A_73] : memref<10000x160xf32, #tpu.memory_space<hbm>> -> memref<10000x160xf32, #tpu.memory_space<hbm>>
        tpu.wait_indirect_dma semaphore(%arg11 : memref<!tpu.dma_semaphore, #tpu.memory_space<semaphore_mem>>) src(%dma_wait3A_74 : memref<10000x160xf32, #tpu.memory_space<hbm>>) dst(%arg8 : memref<80x160xf32, #tpu.memory_space<vmem>>)
        %mul3A_75 = arith.constant 80 : i32
        %mul3A_76 = arith.muli %mul3A_66, %mul3A_75 : i32
        "tpu.region"() ({
          %run_scoped3A = tpu.sem_alloc : memref<!tpu.dma_semaphore, #tpu.memory_space<semaphore_mem>>
          %dma_start3A_95 = tpu.memref_slice %arg7[%mul3A_76] : memref<2000xi32, #tpu.memory_space<vmem>> -> memref<80xi32, #tpu.memory_space<vmem>>
          %dma_start3A_96 = arith.constant 0 : i32
          %dma_start3A_97 = arith.constant 0 : i32
          %dma_start3A_98 = tpu.memref_slice %arg10[%dma_start3A_96, %dma_start3A_97] : memref<10112x160xf32, #tpu.memory_space<vmem_shared>> -> memref<10112x160xf32, #tpu.memory_space<vmem_shared>>
          tpu.enqueue_indirect_dma source(%arg8 : memref<80x160xf32, #tpu.memory_space<vmem>>) target(%dma_start3A_98 : memref<10112x160xf32, #tpu.memory_space<vmem_shared>>) offsets(%dma_start3A_95 : memref<80xi32, #tpu.memory_space<vmem>>) semaphore(%run_scoped3A : memref<!tpu.dma_semaphore, #tpu.memory_space<semaphore_mem>>) {add = true}
          %dma_wait3A_99 = tpu.memref_slice %arg7[%mul3A_76] : memref<2000xi32, #tpu.memory_space<vmem>> -> memref<80xi32, #tpu.memory_space<vmem>>
          %dma_wait3A_100 = arith.constant 0 : i32
          %dma_wait3A_101 = arith.constant 0 : i32
          %dma_wait3A_102 = tpu.memref_slice %arg10[%dma_wait3A_100, %dma_wait3A_101] : memref<10112x160xf32, #tpu.memory_space<vmem_shared>> -> memref<10112x160xf32, #tpu.memory_space<vmem_shared>>
          tpu.wait_indirect_dma semaphore(%run_scoped3A : memref<!tpu.dma_semaphore, #tpu.memory_space<semaphore_mem>>) src(%arg8 : memref<80x160xf32, #tpu.memory_space<vmem>>) dst(%dma_wait3A_102 : memref<10112x160xf32, #tpu.memory_space<vmem_shared>>)
          tpu.yield
        }) : () -> ()
        %add3A_77 = arith.constant 2 : i32
        %add3A_78 = arith.addi %mul3A_66, %add3A_77 : i32
        %mul3A_79 = arith.constant 80 : i32
        %mul3A_80 = arith.muli %add3A_78, %mul3A_79 : i32
        %dma_start3A_81 = tpu.memref_slice %arg6[%mul3A_80] : memref<2000xi32, #tpu.memory_space<vmem>> -> memref<80xi32, #tpu.memory_space<vmem>>
        %dma_start3A_82 = arith.constant 0 : i32
        %dma_start3A_83 = arith.constant 0 : i32
        %dma_start3A_84 = tpu.memref_slice %arg2[%dma_start3A_82, %dma_start3A_83] : memref<10000x160xf32, #tpu.memory_space<hbm>> -> memref<10000x160xf32, #tpu.memory_space<hbm>>
        tpu.enqueue_indirect_dma source(%dma_start3A_84 : memref<10000x160xf32, #tpu.memory_space<hbm>>) target(%arg8 : memref<80x160xf32, #tpu.memory_space<vmem>>) offsets(%dma_start3A_81 : memref<80xi32, #tpu.memory_space<vmem>>) semaphore(%arg11 : memref<!tpu.dma_semaphore, #tpu.memory_space<semaphore_mem>>)
        %mul3A_85 = arith.constant 80 : i32
        %mul3A_86 = arith.muli %add3A_68, %mul3A_85 : i32
        %dma_wait3A_87 = tpu.memref_slice %arg6[%mul3A_86] : memref<2000xi32, #tpu.memory_space<vmem>> -> memref<80xi32, #tpu.memory_space<vmem>>
        %dma_wait3A_88 = arith.constant 0 : i32
        %dma_wait3A_89 = arith.constant 0 : i32
        %dma_wait3A_90 = tpu.memref_slice %arg2[%dma_wait3A_88, %dma_wait3A_89] : memref<10000x160xf32, #tpu.memory_space<hbm>> -> memref<10000x160xf32, #tpu.memory_space<hbm>>
        tpu.wait_indirect_dma semaphore(%arg12 : memref<!tpu.dma_semaphore, #tpu.memory_space<semaphore_mem>>) src(%dma_wait3A_90 : memref<10000x160xf32, #tpu.memory_space<hbm>>) dst(%arg9 : memref<80x160xf32, #tpu.memory_space<vmem>>)
        %mul3A_91 = arith.constant 80 : i32
        %mul3A_92 = arith.muli %add3A_68, %mul3A_91 : i32
        "tpu.region"() ({
          %run_scoped3A = tpu.sem_alloc : memref<!tpu.dma_semaphore, #tpu.memory_space<semaphore_mem>>
          %dma_start3A_95 = tpu.memref_slice %arg7[%mul3A_92] : memref<2000xi32, #tpu.memory_space<vmem>> -> memref<80xi32, #tpu.memory_space<vmem>>
          %dma_start3A_96 = arith.constant 0 : i32
          %dma_start3A_97 = arith.constant 0 : i32
          %dma_start3A_98 = tpu.memref_slice %arg10[%dma_start3A_96, %dma_start3A_97] : memref<10112x160xf32, #tpu.memory_space<vmem_shared>> -> memref<10112x160xf32, #tpu.memory_space<vmem_shared>>
          tpu.enqueue_indirect_dma source(%arg9 : memref<80x160xf32, #tpu.memory_space<vmem>>) target(%dma_start3A_98 : memref<10112x160xf32, #tpu.memory_space<vmem_shared>>) offsets(%dma_start3A_95 : memref<80xi32, #tpu.memory_space<vmem>>) semaphore(%run_scoped3A : memref<!tpu.dma_semaphore, #tpu.memory_space<semaphore_mem>>) {add = true}
          %dma_wait3A_99 = tpu.memref_slice %arg7[%mul3A_92] : memref<2000xi32, #tpu.memory_space<vmem>> -> memref<80xi32, #tpu.memory_space<vmem>>
          %dma_wait3A_100 = arith.constant 0 : i32
          %dma_wait3A_101 = arith.constant 0 : i32
          %dma_wait3A_102 = tpu.memref_slice %arg10[%dma_wait3A_100, %dma_wait3A_101] : memref<10112x160xf32, #tpu.memory_space<vmem_shared>> -> memref<10112x160xf32, #tpu.memory_space<vmem_shared>>
          tpu.wait_indirect_dma semaphore(%run_scoped3A : memref<!tpu.dma_semaphore, #tpu.memory_space<semaphore_mem>>) src(%arg9 : memref<80x160xf32, #tpu.memory_space<vmem>>) dst(%dma_wait3A_102 : memref<10112x160xf32, #tpu.memory_space<vmem_shared>>)
          tpu.yield
        }) : () -> ()
        %lt3A = arith.constant 11 : i32
        %lt3A_93 = arith.cmpi slt, %scan3A_64, %lt3A : i32
        %convert_element_type3A = arith.extui %lt3A_93 : i1 to i32
        %cond3A = arith.constant 0 : i32
        %cond3A_94 = arith.cmpi ne, %convert_element_type3A, %cond3A : i32
        scf.if %cond3A_94 {
          %add3A_95 = arith.constant 2 : i32
          %add3A_96 = arith.addi %add3A_68, %add3A_95 : i32
          %mul3A_97 = arith.constant 80 : i32
          %mul3A_98 = arith.muli %add3A_96, %mul3A_97 : i32
          %dma_start3A_99 = tpu.memref_slice %arg6[%mul3A_98] : memref<2000xi32, #tpu.memory_space<vmem>> -> memref<80xi32, #tpu.memory_space<vmem>>
          %dma_start3A_100 = arith.constant 0 : i32
          %dma_start3A_101 = arith.constant 0 : i32
          %dma_start3A_102 = tpu.memref_slice %arg2[%dma_start3A_100, %dma_start3A_101] : memref<10000x160xf32, #tpu.memory_space<hbm>> -> memref<10000x160xf32, #tpu.memory_space<hbm>>
          tpu.enqueue_indirect_dma source(%dma_start3A_102 : memref<10000x160xf32, #tpu.memory_space<hbm>>) target(%arg9 : memref<80x160xf32, #tpu.memory_space<vmem>>) offsets(%dma_start3A_99 : memref<80xi32, #tpu.memory_space<vmem>>) semaphore(%arg12 : memref<!tpu.dma_semaphore, #tpu.memory_space<semaphore_mem>>)
        } else {
        }
      }
      %scan3A_58 = arith.constant 12 : i32
      %dma_wait3A_59 = arith.constant 1920 : i32
      %dma_wait3A_60 = tpu.memref_slice %arg6[%dma_wait3A_59] : memref<2000xi32, #tpu.memory_space<vmem>> -> memref<80xi32, #tpu.memory_space<vmem>>
      %dma_wait3A_61 = arith.constant 0 : i32
      %dma_wait3A_62 = arith.constant 0 : i32
      %dma_wait3A_63 = tpu.memref_slice %arg2[%dma_wait3A_61, %dma_wait3A_62] : memref<10000x160xf32, #tpu.memory_space<hbm>> -> memref<10000x160xf32, #tpu.memory_space<hbm>>
      tpu.wait_indirect_dma semaphore(%arg11 : memref<!tpu.dma_semaphore, #tpu.memory_space<semaphore_mem>>) src(%dma_wait3A_63 : memref<10000x160xf32, #tpu.memory_space<hbm>>) dst(%arg8 : memref<80x160xf32, #tpu.memory_space<vmem>>)
      "tpu.region"() ({
        %run_scoped3A = tpu.sem_alloc : memref<!tpu.dma_semaphore, #tpu.memory_space<semaphore_mem>>
        %dma_start3A_64 = arith.constant 1920 : i32
        %dma_start3A_65 = tpu.memref_slice %arg7[%dma_start3A_64] : memref<2000xi32, #tpu.memory_space<vmem>> -> memref<80xi32, #tpu.memory_space<vmem>>
        %dma_start3A_66 = arith.constant 0 : i32
        %dma_start3A_67 = arith.constant 0 : i32
        %dma_start3A_68 = tpu.memref_slice %arg10[%dma_start3A_66, %dma_start3A_67] : memref<10112x160xf32, #tpu.memory_space<vmem_shared>> -> memref<10112x160xf32, #tpu.memory_space<vmem_shared>>
        tpu.enqueue_indirect_dma source(%arg8 : memref<80x160xf32, #tpu.memory_space<vmem>>) target(%dma_start3A_68 : memref<10112x160xf32, #tpu.memory_space<vmem_shared>>) offsets(%dma_start3A_65 : memref<80xi32, #tpu.memory_space<vmem>>) semaphore(%run_scoped3A : memref<!tpu.dma_semaphore, #tpu.memory_space<semaphore_mem>>) {add = true}
        %dma_wait3A_69 = arith.constant 1920 : i32
        %dma_wait3A_70 = tpu.memref_slice %arg7[%dma_wait3A_69] : memref<2000xi32, #tpu.memory_space<vmem>> -> memref<80xi32, #tpu.memory_space<vmem>>
        %dma_wait3A_71 = arith.constant 0 : i32
        %dma_wait3A_72 = arith.constant 0 : i32
        %dma_wait3A_73 = tpu.memref_slice %arg10[%dma_wait3A_71, %dma_wait3A_72] : memref<10112x160xf32, #tpu.memory_space<vmem_shared>> -> memref<10112x160xf32, #tpu.memory_space<vmem_shared>>
        tpu.wait_indirect_dma semaphore(%run_scoped3A : memref<!tpu.dma_semaphore, #tpu.memory_space<semaphore_mem>>) src(%arg8 : memref<80x160xf32, #tpu.memory_space<vmem>>) dst(%dma_wait3A_73 : memref<10112x160xf32, #tpu.memory_space<vmem_shared>>)
        tpu.yield
      }) : () -> ()
    }
    %scan3A_22 = arith.constant 5 : i32
    %barrier3A_23 = arith.constant 0 : index
    tpu.barrier barrier_id(%barrier3A_23)
    %mul3A_24 = arith.constant 632 : i32
    %mul3A_25 = arith.muli %arg1, %mul3A_24 : i32
    %mul3A_26 = arith.constant 10112 : i32
    %mul3A_27 = arith.muli %arg0, %mul3A_26 : i32
    %mul3A_28 = arith.constant 632 : i32
    %mul3A_29 = arith.muli %arg1, %mul3A_28 : i32
    %add3A_30 = arith.addi %mul3A_27, %mul3A_29 : i32
    "tpu.region"() ({
      %run_scoped3A = tpu.sem_alloc : memref<!tpu.dma_semaphore, #tpu.memory_space<semaphore_mem>>
      %dma_start3A = arith.constant 0 : i32
      %dma_start3A_31 = tpu.memref_slice %arg5[%add3A_30, %dma_start3A] : memref<20224x160xf32, #tpu.memory_space<hbm>> -> memref<632x160xf32, #tpu.memory_space<hbm>>
      %dma_start3A_32 = arith.constant 0 : i32
      %dma_start3A_33 = tpu.memref_slice %arg10[%mul3A_25, %dma_start3A_32] : memref<10112x160xf32, #tpu.memory_space<vmem_shared>> -> memref<632x160xf32, #tpu.memory_space<vmem_shared>>
      tpu.enqueue_dma source(%dma_start3A_33 : memref<632x160xf32, #tpu.memory_space<vmem_shared>>) target(%dma_start3A_31 : memref<632x160xf32, #tpu.memory_space<hbm>>) target_semaphore(%run_scoped3A : memref<!tpu.dma_semaphore, #tpu.memory_space<semaphore_mem>>)
      %dma_wait3A = arith.constant 0 : i32
      %dma_wait3A_34 = tpu.memref_slice %arg5[%add3A_30, %dma_wait3A] : memref<20224x160xf32, #tpu.memory_space<hbm>> -> memref<632x160xf32, #tpu.memory_space<hbm>>
      %dma_wait3A_35 = arith.constant 0 : i32
      %dma_wait3A_36 = tpu.memref_slice %arg10[%mul3A_25, %dma_wait3A_35] : memref<10112x160xf32, #tpu.memory_space<vmem_shared>> -> memref<632x160xf32, #tpu.memory_space<vmem_shared>>
      tpu.wait_dma2 semaphore(%run_scoped3A : memref<!tpu.dma_semaphore, #tpu.memory_space<semaphore_mem>>) src(%dma_wait3A_36 : memref<632x160xf32, #tpu.memory_space<vmem_shared>>) dst(%dma_wait3A_34 : memref<632x160xf32, #tpu.memory_space<hbm>>)
      tpu.yield
    }) : () -> ()
    return
  }
}

#map = affine_map<(d0, d1) -> (0, 0)>
#map1 = affine_map<(d0, d1) -> (0)>
module attributes {stable_mosaic.version = 14 : i64} {
  func.func @seg_sum(%arg0: i32, %arg1: i32, %arg2: memref<10000x160xf32, #tpu.memory_space<hbm>>, %arg3: memref<320000xi32, #tpu.memory_space<hbm>>, %arg4: memref<320000xi32, #tpu.memory_space<hbm>>, %arg5: memref<20224x160xf32, #tpu.memory_space<hbm>>, %arg6: memref<2000xi32, #tpu.memory_space<vmem>>, %arg7: memref<2000xi32, #tpu.memory_space<vmem>>, %arg8: memref<80x160xf32, #tpu.memory_space<vmem>>, %arg9: memref<80x160xf32, #tpu.memory_space<vmem>>, %arg10: memref<10112x160xf32, #tpu.memory_space<vmem_shared>>, %arg11: memref<!tpu.dma_semaphore, #tpu.memory_space<semaphore_mem>>, %arg12: memref<!tpu.dma_semaphore, #tpu.memory_space<semaphore_mem>>) attributes {dimension_semantics = [#tpu.dimension_semantics<core_parallel>, #tpu.dimension_semantics<subcore_parallel>], iteration_bounds = array<i64: 2, 16>, scalar_prefetch = 0 : i64, scratch_operands = 7 : i64, tpu.core_type = #tpu.core_type<sc_vector_subcore>, window_params = [{transform_indices = #map}, {transform_indices = #map1}, {transform_indices = #map1}, {transform_indices = #map}]} {
    %mul3A = arith.constant 2 : i32
    %mul3A_0 = arith.muli %arg1, %mul3A : i32
    %add3A = arith.addi %mul3A_0, %arg0 : i32
    %broadcast_in_dim3A = arith.constant 0.000000e+00 : f32
    %broadcast_in_dim3A_1 = vector.broadcast %broadcast_in_dim3A : f32 to vector<16xf32>
    %scan3A = arith.constant 0 : i32
    %scan3A_2 = arith.constant 0 : i32
    %scan3A_3 = arith.constant 80 : i32
    %scan3A_4 = arith.addi %scan3A_2, %scan3A_3 : i32
    %scan3A_5 = arith.constant 1 : i32
    scf.for %scan3A_31 = %scan3A_2 to %scan3A_4 step %scan3A_5  : i32 {
      %scan3A_32 = arith.constant 0 : i32
      %scan3A_33 = arith.constant 0 : i32
      %scan3A_34 = arith.constant 10 : i32
      %scan3A_35 = arith.addi %scan3A_33, %scan3A_34 : i32
      %scan3A_36 = arith.constant 1 : i32
      scf.for %scan3A_38 = %scan3A_33 to %scan3A_35 step %scan3A_36  : i32 {
        %mul3A_39 = arith.constant 16 : i32
        %mul3A_40 = arith.muli %scan3A_38, %mul3A_39 : i32
        %swap3A = arith.index_cast %scan3A_31 : i32 to index
        %swap3A_41 = arith.index_cast %mul3A_40 : i32 to index
        %swap3A_42 = tpu.vector_load %arg8[%swap3A, %swap3A_41] {strides = array<i32>} : memref<80x160xf32, #tpu.memory_space<vmem>>, vector<1x16xf32>,
        %swap3A_43 = vector.shape_cast %swap3A_42 : vector<1x16xf32> to vector<16xf32>
        %swap3A_44 = vector.shape_cast %broadcast_in_dim3A_1 : vector<16xf32> to vector<1x16xf32>
        tpu.vector_store %arg8[%swap3A, %swap3A_41], %swap3A_44 {strides = array<i32>} : memref<80x160xf32, #tpu.memory_space<vmem>>, vector<1x16xf32>,
      }
      %scan3A_37 = arith.constant 10 : i32
    }
    %scan3A_6 = arith.constant 80 : i32
    %scan3A_7 = arith.constant 0 : i32
    %scan3A_8 = arith.constant 0 : i32
    %scan3A_9 = arith.constant 7 : i32
    %scan3A_10 = arith.addi %scan3A_8, %scan3A_9 : i32
    %scan3A_11 = arith.constant 1 : i32
    scf.for %scan3A_31 = %scan3A_8 to %scan3A_10 step %scan3A_11  : i32 {
      %mul3A_32 = arith.constant 632 : i32
      %mul3A_33 = arith.muli %arg1, %mul3A_32 : i32
      %mul3A_34 = arith.constant 80 : i32
      %mul3A_35 = arith.muli %scan3A_31, %mul3A_34 : i32
      %add3A_36 = arith.addi %mul3A_33, %mul3A_35 : i32
      "tpu.region"() ({
        %run_scoped3A = tpu.sem_alloc : memref<!tpu.dma_semaphore, #tpu.memory_space<semaphore_mem>>
        %dma_start3A = arith.constant 0 : i32
        %dma_start3A_37 = tpu.memref_slice %arg10[%add3A_36, %dma_start3A] : memref<10112x160xf32, #tpu.memory_space<vmem_shared>> -> memref<80x160xf32, #tpu.memory_space<vmem_shared>>
        %dma_start3A_38 = arith.constant 0 : i32
        %dma_start3A_39 = tpu.memref_slice %arg10[%add3A_36, %dma_start3A_38] : memref<10112x160xf32, #tpu.memory_space<vmem_shared>> -> memref<80x160xf32, #tpu.memory_space<vmem_shared>>
        tpu.enqueue_dma source(%arg8 : memref<80x160xf32, #tpu.memory_space<vmem>>) target(%dma_start3A_39 : memref<80x160xf32, #tpu.memory_space<vmem_shared>>) target_semaphore(%run_scoped3A : memref<!tpu.dma_semaphore, #tpu.memory_space<semaphore_mem>>)
        %dma_wait3A = arith.constant 0 : i32
        %dma_wait3A_40 = tpu.memref_slice %arg10[%add3A_36, %dma_wait3A] : memref<10112x160xf32, #tpu.memory_space<vmem_shared>> -> memref<80x160xf32, #tpu.memory_space<vmem_shared>>
        %dma_wait3A_41 = arith.constant 0 : i32
        %dma_wait3A_42 = tpu.memref_slice %arg10[%add3A_36, %dma_wait3A_41] : memref<10112x160xf32, #tpu.memory_space<vmem_shared>> -> memref<80x160xf32, #tpu.memory_space<vmem_shared>>
        tpu.wait_dma2 semaphore(%run_scoped3A : memref<!tpu.dma_semaphore, #tpu.memory_space<semaphore_mem>>) src(%arg8 : memref<80x160xf32, #tpu.memory_space<vmem>>) dst(%dma_wait3A_42 : memref<80x160xf32, #tpu.memory_space<vmem_shared>>)
        tpu.yield
      }) : () -> ()
    }
    %scan3A_12 = arith.constant 7 : i32
    %mul3A_13 = arith.constant 632 : i32
    %mul3A_14 = arith.muli %arg1, %mul3A_13 : i32
    %add3A_15 = arith.constant 560 : i32
    %add3A_16 = arith.addi %mul3A_14, %add3A_15 : i32
    "tpu.region"() ({
      %run_scoped3A = tpu.sem_alloc : memref<!tpu.dma_semaphore, #tpu.memory_space<semaphore_mem>>
      %dma_start3A = arith.constant 0 : i32
      %dma_start3A_31 = arith.constant 0 : i32
      %dma_start3A_32 = tpu.memref_slice %arg8[%dma_start3A, %dma_start3A_31] : memref<80x160xf32, #tpu.memory_space<vmem>> -> memref<72x160xf32, #tpu.memory_space<vmem>>
      %dma_start3A_33 = arith.constant 0 : i32
      %dma_start3A_34 = tpu.memref_slice %arg10[%add3A_16, %dma_start3A_33] : memref<10112x160xf32, #tpu.memory_space<vmem_shared>> -> memref<72x160xf32, #tpu.memory_space<vmem_shared>>
      %dma_start3A_35 = arith.constant 0 : i32
      %dma_start3A_36 = tpu.memref_slice %arg10[%add3A_16, %dma_start3A_35] : memref<10112x160xf32, #tpu.memory_space<vmem_shared>> -> memref<72x160xf32, #tpu.memory_space<vmem_shared>>
      %dma_start3A_37 = arith.constant 0 : i32
      %dma_start3A_38 = arith.constant 0 : i32
      %dma_start3A_39 = tpu.memref_slice %arg8[%dma_start3A_37, %dma_start3A_38] : memref<80x160xf32, #tpu.memory_space<vmem>> -> memref<72x160xf32, #tpu.memory_space<vmem>>
      tpu.enqueue_dma source(%dma_start3A_39 : memref<72x160xf32, #tpu.memory_space<vmem>>) target(%dma_start3A_36 : memref<72x160xf32, #tpu.memory_space<vmem_shared>>) target_semaphore(%run_scoped3A : memref<!tpu.dma_semaphore, #tpu.memory_space<semaphore_mem>>)
      %dma_wait3A = arith.constant 0 : i32
      %dma_wait3A_40 = arith.constant 0 : i32
      %dma_wait3A_41 = tpu.memref_slice %arg8[%dma_wait3A, %dma_wait3A_40] : memref<80x160xf32, #tpu.memory_space<vmem>> -> memref<72x160xf32, #tpu.memory_space<vmem>>
      %dma_wait3A_42 = arith.constant 0 : i32
      %dma_wait3A_43 = tpu.memref_slice %arg10[%add3A_16, %dma_wait3A_42] : memref<10112x160xf32, #tpu.memory_space<vmem_shared>> -> memref<72x160xf32, #tpu.memory_space<vmem_shared>>
      %dma_wait3A_44 = arith.constant 0 : i32
      %dma_wait3A_45 = tpu.memref_slice %arg10[%add3A_16, %dma_wait3A_44] : memref<10112x160xf32, #tpu.memory_space<vmem_shared>> -> memref<72x160xf32, #tpu.memory_space<vmem_shared>>
      %dma_wait3A_46 = arith.constant 0 : i32
      %dma_wait3A_47 = arith.constant 0 : i32
      %dma_wait3A_48 = tpu.memref_slice %arg8[%dma_wait3A_46, %dma_wait3A_47] : memref<80x160xf32, #tpu.memory_space<vmem>> -> memref<72x160xf32, #tpu.memory_space<vmem>>
      tpu.wait_dma2 semaphore(%run_scoped3A : memref<!tpu.dma_semaphore, #tpu.memory_space<semaphore_mem>>) src(%dma_wait3A_48 : memref<72x160xf32, #tpu.memory_space<vmem>>) dst(%dma_wait3A_45 : memref<72x160xf32, #tpu.memory_space<vmem_shared>>)
      tpu.yield
    }) : () -> ()
    %barrier3A = arith.constant 0 : index
    tpu.barrier barrier_id(%barrier3A)
    %scan3A_17 = arith.constant 0 : i32
    %scan3A_18 = arith.constant 0 : i32
    %scan3A_19 = arith.constant 5 : i32
    %scan3A_20 = arith.addi %scan3A_18, %scan3A_19 : i32
    %scan3A_21 = arith.constant 1 : i32
    scf.for %scan3A_31 = %scan3A_18 to %scan3A_20 step %scan3A_21  : i32 {
      %mul3A_32 = arith.constant 10000 : i32
      %mul3A_33 = arith.muli %add3A, %mul3A_32 : i32
      %mul3A_34 = arith.constant 2000 : i32
      %mul3A_35 = arith.muli %scan3A_31, %mul3A_34 : i32
      %add3A_36 = arith.addi %mul3A_33, %mul3A_35 : i32
      %dma_start3A = tpu.memref_slice %arg3[%add3A_36] : memref<320000xi32, #tpu.memory_space<hbm>> -> memref<2000xi32, #tpu.memory_space<hbm>>
      %dma_start3A_37 = tpu.memref_slice %arg3[%add3A_36] : memref<320000xi32, #tpu.memory_space<hbm>> -> memref<2000xi32, #tpu.memory_space<hbm>>
      tpu.enqueue_dma source(%dma_start3A_37 : memref<2000xi32, #tpu.memory_space<hbm>>) target(%arg6 : memref<2000xi32, #tpu.memory_space<vmem>>) target_semaphore(%arg11 : memref<!tpu.dma_semaphore, #tpu.memory_space<semaphore_mem>>)
      %dma_start3A_38 = tpu.memref_slice %arg4[%add3A_36] : memref<320000xi32, #tpu.memory_space<hbm>> -> memref<2000xi32, #tpu.memory_space<hbm>>
      %dma_start3A_39 = tpu.memref_slice %arg4[%add3A_36] : memref<320000xi32, #tpu.memory_space<hbm>> -> memref<2000xi32, #tpu.memory_space<hbm>>
      tpu.enqueue_dma source(%dma_start3A_39 : memref<2000xi32, #tpu.memory_space<hbm>>) target(%arg7 : memref<2000xi32, #tpu.memory_space<vmem>>) target_semaphore(%arg12 : memref<!tpu.dma_semaphore, #tpu.memory_space<semaphore_mem>>)
      %dma_wait3A = tpu.memref_slice %arg3[%add3A_36] : memref<320000xi32, #tpu.memory_space<hbm>> -> memref<2000xi32, #tpu.memory_space<hbm>>
      %dma_wait3A_40 = tpu.memref_slice %arg3[%add3A_36] : memref<320000xi32, #tpu.memory_space<hbm>> -> memref<2000xi32, #tpu.memory_space<hbm>>
      tpu.wait_dma2 semaphore(%arg11 : memref<!tpu.dma_semaphore, #tpu.memory_space<semaphore_mem>>) src(%dma_wait3A_40 : memref<2000xi32, #tpu.memory_space<hbm>>) dst(%arg6 : memref<2000xi32, #tpu.memory_space<vmem>>)
      %dma_wait3A_41 = tpu.memref_slice %arg4[%add3A_36] : memref<320000xi32, #tpu.memory_space<hbm>> -> memref<2000xi32, #tpu.memory_space<hbm>>
      %dma_wait3A_42 = tpu.memref_slice %arg4[%add3A_36] : memref<320000xi32, #tpu.memory_space<hbm>> -> memref<2000xi32, #tpu.memory_space<hbm>>
      tpu.wait_dma2 semaphore(%arg12 : memref<!tpu.dma_semaphore, #tpu.memory_space<semaphore_mem>>) src(%dma_wait3A_42 : memref<2000xi32, #tpu.memory_space<hbm>>) dst(%arg7 : memref<2000xi32, #tpu.memory_space<vmem>>)
      %dma_start3A_43 = arith.constant 0 : i32
      %dma_start3A_44 = tpu.memref_slice %arg6[%dma_start3A_43] : memref<2000xi32, #tpu.memory_space<vmem>> -> memref<80xi32, #tpu.memory_space<vmem>>
      %dma_start3A_45 = arith.constant 0 : i32
      %dma_start3A_46 = arith.constant 0 : i32
      %dma_start3A_47 = tpu.memref_slice %arg2[%dma_start3A_45, %dma_start3A_46] : memref<10000x160xf32, #tpu.memory_space<hbm>> -> memref<10000x160xf32, #tpu.memory_space<hbm>>
      tpu.enqueue_indirect_dma source(%dma_start3A_47 : memref<10000x160xf32, #tpu.memory_space<hbm>>) target(%arg8 : memref<80x160xf32, #tpu.memory_space<vmem>>) offsets(%dma_start3A_44 : memref<80xi32, #tpu.memory_space<vmem>>) semaphore(%arg11 : memref<!tpu.dma_semaphore, #tpu.memory_space<semaphore_mem>>)
      %dma_start3A_48 = arith.constant 80 : i32
      %dma_start3A_49 = tpu.memref_slice %arg6[%dma_start3A_48] : memref<2000xi32, #tpu.memory_space<vmem>> -> memref<80xi32, #tpu.memory_space<vmem>>
      %dma_start3A_50 = arith.constant 0 : i32
      %dma_start3A_51 = arith.constant 0 : i32
      %dma_start3A_52 = tpu.memref_slice %arg2[%dma_start3A_50, %dma_start3A_51] : memref<10000x160xf32, #tpu.memory_space<hbm>> -> memref<10000x160xf32, #tpu.memory_space<hbm>>
      tpu.enqueue_indirect_dma source(%dma_start3A_52 : memref<10000x160xf32, #tpu.memory_space<hbm>>) target(%arg9 : memref<80x160xf32, #tpu.memory_space<vmem>>) offsets(%dma_start3A_49 : memref<80xi32, #tpu.memory_space<vmem>>) semaphore(%arg12 : memref<!tpu.dma_semaphore, #tpu.memory_space<semaphore_mem>>)
      %scan3A_53 = arith.constant 0 : i32
      %scan3A_54 = arith.constant 0 : i32
      %scan3A_55 = arith.constant 12 : i32
      %scan3A_56 = arith.addi %scan3A_54, %scan3A_55 : i32
      %scan3A_57 = arith.constant 1 : i32
      scf.for %scan3A_64 = %scan3A_54 to %scan3A_56 step %scan3A_57  : i32 {
        %mul3A_65 = arith.constant 2 : i32
        %mul3A_66 = arith.muli %mul3A_65, %scan3A_64 : i32
        %add3A_67 = arith.constant 1 : i32
        %add3A_68 = arith.addi %mul3A_66, %add3A_67 : i32
        %mul3A_69 = arith.constant 80 : i32
        %mul3A_70 = arith.muli %mul3A_66, %mul3A_69 : i32
        %dma_wait3A_71 = tpu.memref_slice %arg6[%mul3A_70] : memref<2000xi32, #tpu.memory_space<vmem>> -> memref<80xi32, #tpu.memory_space<vmem>>
        %dma_wait3A_72 = arith.constant 0 : i32
        %dma_wait3A_73 = arith.constant 0 : i32
        %dma_wait3A_74 = tpu.memref_slice %arg2[%dma_wait3A_72, %dma_wait3A_73] : memref<10000x160xf32, #tpu.memory_space<hbm>> -> memref<10000x160xf32, #tpu.memory_space<hbm>>
        tpu.wait_indirect_dma semaphore(%arg11 : memref<!tpu.dma_semaphore, #tpu.memory_space<semaphore_mem>>) src(%dma_wait3A_74 : memref<10000x160xf32, #tpu.memory_space<hbm>>) dst(%arg8 : memref<80x160xf32, #tpu.memory_space<vmem>>)
        %mul3A_75 = arith.constant 80 : i32
        %mul3A_76 = arith.muli %mul3A_66, %mul3A_75 : i32
        "tpu.region"() ({
          %run_scoped3A = tpu.sem_alloc : memref<!tpu.dma_semaphore, #tpu.memory_space<semaphore_mem>>
          %dma_start3A_95 = tpu.memref_slice %arg7[%mul3A_76] : memref<2000xi32, #tpu.memory_space<vmem>> -> memref<80xi32, #tpu.memory_space<vmem>>
          %dma_start3A_96 = arith.constant 0 : i32
          %dma_start3A_97 = arith.constant 0 : i32
          %dma_start3A_98 = tpu.memref_slice %arg10[%dma_start3A_96, %dma_start3A_97] : memref<10112x160xf32, #tpu.memory_space<vmem_shared>> -> memref<10112x160xf32, #tpu.memory_space<vmem_shared>>
          tpu.enqueue_indirect_dma source(%arg8 : memref<80x160xf32, #tpu.memory_space<vmem>>) target(%dma_start3A_98 : memref<10112x160xf32, #tpu.memory_space<vmem_shared>>) offsets(%dma_start3A_95 : memref<80xi32, #tpu.memory_space<vmem>>) semaphore(%run_scoped3A : memref<!tpu.dma_semaphore, #tpu.memory_space<semaphore_mem>>) {add = true}
          %dma_wait3A_99 = tpu.memref_slice %arg7[%mul3A_76] : memref<2000xi32, #tpu.memory_space<vmem>> -> memref<80xi32, #tpu.memory_space<vmem>>
          %dma_wait3A_100 = arith.constant 0 : i32
          %dma_wait3A_101 = arith.constant 0 : i32
          %dma_wait3A_102 = tpu.memref_slice %arg10[%dma_wait3A_100, %dma_wait3A_101] : memref<10112x160xf32, #tpu.memory_space<vmem_shared>> -> memref<10112x160xf32, #tpu.memory_space<vmem_shared>>
          tpu.wait_indirect_dma semaphore(%run_scoped3A : memref<!tpu.dma_semaphore, #tpu.memory_space<semaphore_mem>>) src(%arg8 : memref<80x160xf32, #tpu.memory_space<vmem>>) dst(%dma_wait3A_102 : memref<10112x160xf32, #tpu.memory_space<vmem_shared>>)
          tpu.yield
        }) : () -> ()
        %add3A_77 = arith.constant 2 : i32
        %add3A_78 = arith.addi %mul3A_66, %add3A_77 : i32
        %mul3A_79 = arith.constant 80 : i32
        %mul3A_80 = arith.muli %add3A_78, %mul3A_79 : i32
        %dma_start3A_81 = tpu.memref_slice %arg6[%mul3A_80] : memref<2000xi32, #tpu.memory_space<vmem>> -> memref<80xi32, #tpu.memory_space<vmem>>
        %dma_start3A_82 = arith.constant 0 : i32
        %dma_start3A_83 = arith.constant 0 : i32
        %dma_start3A_84 = tpu.memref_slice %arg2[%dma_start3A_82, %dma_start3A_83] : memref<10000x160xf32, #tpu.memory_space<hbm>> -> memref<10000x160xf32, #tpu.memory_space<hbm>>
        tpu.enqueue_indirect_dma source(%dma_start3A_84 : memref<10000x160xf32, #tpu.memory_space<hbm>>) target(%arg8 : memref<80x160xf32, #tpu.memory_space<vmem>>) offsets(%dma_start3A_81 : memref<80xi32, #tpu.memory_space<vmem>>) semaphore(%arg11 : memref<!tpu.dma_semaphore, #tpu.memory_space<semaphore_mem>>)
        %mul3A_85 = arith.constant 80 : i32
        %mul3A_86 = arith.muli %add3A_68, %mul3A_85 : i32
        %dma_wait3A_87 = tpu.memref_slice %arg6[%mul3A_86] : memref<2000xi32, #tpu.memory_space<vmem>> -> memref<80xi32, #tpu.memory_space<vmem>>
        %dma_wait3A_88 = arith.constant 0 : i32
        %dma_wait3A_89 = arith.constant 0 : i32
        %dma_wait3A_90 = tpu.memref_slice %arg2[%dma_wait3A_88, %dma_wait3A_89] : memref<10000x160xf32, #tpu.memory_space<hbm>> -> memref<10000x160xf32, #tpu.memory_space<hbm>>
        tpu.wait_indirect_dma semaphore(%arg12 : memref<!tpu.dma_semaphore, #tpu.memory_space<semaphore_mem>>) src(%dma_wait3A_90 : memref<10000x160xf32, #tpu.memory_space<hbm>>) dst(%arg9 : memref<80x160xf32, #tpu.memory_space<vmem>>)
        %mul3A_91 = arith.constant 80 : i32
        %mul3A_92 = arith.muli %add3A_68, %mul3A_91 : i32
        "tpu.region"() ({
          %run_scoped3A = tpu.sem_alloc : memref<!tpu.dma_semaphore, #tpu.memory_space<semaphore_mem>>
          %dma_start3A_95 = tpu.memref_slice %arg7[%mul3A_92] : memref<2000xi32, #tpu.memory_space<vmem>> -> memref<80xi32, #tpu.memory_space<vmem>>
          %dma_start3A_96 = arith.constant 0 : i32
          %dma_start3A_97 = arith.constant 0 : i32
          %dma_start3A_98 = tpu.memref_slice %arg10[%dma_start3A_96, %dma_start3A_97] : memref<10112x160xf32, #tpu.memory_space<vmem_shared>> -> memref<10112x160xf32, #tpu.memory_space<vmem_shared>>
          tpu.enqueue_indirect_dma source(%arg9 : memref<80x160xf32, #tpu.memory_space<vmem>>) target(%dma_start3A_98 : memref<10112x160xf32, #tpu.memory_space<vmem_shared>>) offsets(%dma_start3A_95 : memref<80xi32, #tpu.memory_space<vmem>>) semaphore(%run_scoped3A : memref<!tpu.dma_semaphore, #tpu.memory_space<semaphore_mem>>) {add = true}
          %dma_wait3A_99 = tpu.memref_slice %arg7[%mul3A_92] : memref<2000xi32, #tpu.memory_space<vmem>> -> memref<80xi32, #tpu.memory_space<vmem>>
          %dma_wait3A_100 = arith.constant 0 : i32
          %dma_wait3A_101 = arith.constant 0 : i32
          %dma_wait3A_102 = tpu.memref_slice %arg10[%dma_wait3A_100, %dma_wait3A_101] : memref<10112x160xf32, #tpu.memory_space<vmem_shared>> -> memref<10112x160xf32, #tpu.memory_space<vmem_shared>>
          tpu.wait_indirect_dma semaphore(%run_scoped3A : memref<!tpu.dma_semaphore, #tpu.memory_space<semaphore_mem>>) src(%arg9 : memref<80x160xf32, #tpu.memory_space<vmem>>) dst(%dma_wait3A_102 : memref<10112x160xf32, #tpu.memory_space<vmem_shared>>)
          tpu.yield
        }) : () -> ()
        %lt3A = arith.constant 11 : i32
        %lt3A_93 = arith.cmpi slt, %scan3A_64, %lt3A : i32
        %convert_element_type3A = arith.extui %lt3A_93 : i1 to i32
        %cond3A = arith.constant 0 : i32
        %cond3A_94 = arith.cmpi ne, %convert_element_type3A, %cond3A : i32
        scf.if %cond3A_94 {
          %add3A_95 = arith.constant 2 : i32
          %add3A_96 = arith.addi %add3A_68, %add3A_95 : i32
          %mul3A_97 = arith.constant 80 : i32
          %mul3A_98 = arith.muli %add3A_96, %mul3A_97 : i32
          %dma_start3A_99 = tpu.memref_slice %arg6[%mul3A_98] : memref<2000xi32, #tpu.memory_space<vmem>> -> memref<80xi32, #tpu.memory_space<vmem>>
          %dma_start3A_100 = arith.constant 0 : i32
          %dma_start3A_101 = arith.constant 0 : i32
          %dma_start3A_102 = tpu.memref_slice %arg2[%dma_start3A_100, %dma_start3A_101] : memref<10000x160xf32, #tpu.memory_space<hbm>> -> memref<10000x160xf32, #tpu.memory_space<hbm>>
          tpu.enqueue_indirect_dma source(%dma_start3A_102 : memref<10000x160xf32, #tpu.memory_space<hbm>>) target(%arg9 : memref<80x160xf32, #tpu.memory_space<vmem>>) offsets(%dma_start3A_99 : memref<80xi32, #tpu.memory_space<vmem>>) semaphore(%arg12 : memref<!tpu.dma_semaphore, #tpu.memory_space<semaphore_mem>>)
        } else {
        }
      }
      %scan3A_58 = arith.constant 12 : i32
      %dma_wait3A_59 = arith.constant 1920 : i32
      %dma_wait3A_60 = tpu.memref_slice %arg6[%dma_wait3A_59] : memref<2000xi32, #tpu.memory_space<vmem>> -> memref<80xi32, #tpu.memory_space<vmem>>
      %dma_wait3A_61 = arith.constant 0 : i32
      %dma_wait3A_62 = arith.constant 0 : i32
      %dma_wait3A_63 = tpu.memref_slice %arg2[%dma_wait3A_61, %dma_wait3A_62] : memref<10000x160xf32, #tpu.memory_space<hbm>> -> memref<10000x160xf32, #tpu.memory_space<hbm>>
      tpu.wait_indirect_dma semaphore(%arg11 : memref<!tpu.dma_semaphore, #tpu.memory_space<semaphore_mem>>) src(%dma_wait3A_63 : memref<10000x160xf32, #tpu.memory_space<hbm>>) dst(%arg8 : memref<80x160xf32, #tpu.memory_space<vmem>>)
      "tpu.region"() ({
        %run_scoped3A = tpu.sem_alloc : memref<!tpu.dma_semaphore, #tpu.memory_space<semaphore_mem>>
        %dma_start3A_64 = arith.constant 1920 : i32
        %dma_start3A_65 = tpu.memref_slice %arg7[%dma_start3A_64] : memref<2000xi32, #tpu.memory_space<vmem>> -> memref<80xi32, #tpu.memory_space<vmem>>
        %dma_start3A_66 = arith.constant 0 : i32
        %dma_start3A_67 = arith.constant 0 : i32
        %dma_start3A_68 = tpu.memref_slice %arg10[%dma_start3A_66, %dma_start3A_67] : memref<10112x160xf32, #tpu.memory_space<vmem_shared>> -> memref<10112x160xf32, #tpu.memory_space<vmem_shared>>
        tpu.enqueue_indirect_dma source(%arg8 : memref<80x160xf32, #tpu.memory_space<vmem>>) target(%dma_start3A_68 : memref<10112x160xf32, #tpu.memory_space<vmem_shared>>) offsets(%dma_start3A_65 : memref<80xi32, #tpu.memory_space<vmem>>) semaphore(%run_scoped3A : memref<!tpu.dma_semaphore, #tpu.memory_space<semaphore_mem>>) {add = true}
        %dma_wait3A_69 = arith.constant 1920 : i32
        %dma_wait3A_70 = tpu.memref_slice %arg7[%dma_wait3A_69] : memref<2000xi32, #tpu.memory_space<vmem>> -> memref<80xi32, #tpu.memory_space<vmem>>
        %dma_wait3A_71 = arith.constant 0 : i32
        %dma_wait3A_72 = arith.constant 0 : i32
        %dma_wait3A_73 = tpu.memref_slice %arg10[%dma_wait3A_71, %dma_wait3A_72] : memref<10112x160xf32, #tpu.memory_space<vmem_shared>> -> memref<10112x160xf32, #tpu.memory_space<vmem_shared>>
        tpu.wait_indirect_dma semaphore(%run_scoped3A : memref<!tpu.dma_semaphore, #tpu.memory_space<semaphore_mem>>) src(%arg8 : memref<80x160xf32, #tpu.memory_space<vmem>>) dst(%dma_wait3A_73 : memref<10112x160xf32, #tpu.memory_space<vmem_shared>>)
        tpu.yield
      }) : () -> ()
    }
    %scan3A_22 = arith.constant 5 : i32
    %barrier3A_23 = arith.constant 0 : index
    tpu.barrier barrier_id(%barrier3A_23)
    %mul3A_24 = arith.constant 632 : i32
    %mul3A_25 = arith.muli %arg1, %mul3A_24 : i32
    %mul3A_26 = arith.constant 10112 : i32
    %mul3A_27 = arith.muli %arg0, %mul3A_26 : i32
    %mul3A_28 = arith.constant 632 : i32
    %mul3A_29 = arith.muli %arg1, %mul3A_28 : i32
    %add3A_30 = arith.addi %mul3A_27, %mul3A_29 : i32
    "tpu.region"() ({
      %run_scoped3A = tpu.sem_alloc : memref<!tpu.dma_semaphore, #tpu.memory_space<semaphore_mem>>
      %dma_start3A = arith.constant 0 : i32
      %dma_start3A_31 = tpu.memref_slice %arg5[%add3A_30, %dma_start3A] : memref<20224x160xf32, #tpu.memory_space<hbm>> -> memref<632x160xf32, #tpu.memory_space<hbm>>
      %dma_start3A_32 = arith.constant 0 : i32
      %dma_start3A_33 = tpu.memref_slice %arg10[%mul3A_25, %dma_start3A_32] : memref<10112x160xf32, #tpu.memory_space<vmem_shared>> -> memref<632x160xf32, #tpu.memory_space<vmem_shared>>
      tpu.enqueue_dma source(%dma_start3A_33 : memref<632x160xf32, #tpu.memory_space<vmem_shared>>) target(%dma_start3A_31 : memref<632x160xf32, #tpu.memory_space<hbm>>) target_semaphore(%run_scoped3A : memref<!tpu.dma_semaphore, #tpu.memory_space<semaphore_mem>>)
      %dma_wait3A = arith.constant 0 : i32
      %dma_wait3A_34 = tpu.memref_slice %arg5[%add3A_30, %dma_wait3A] : memref<20224x160xf32, #tpu.memory_space<hbm>> -> memref<632x160xf32, #tpu.memory_space<hbm>>
      %dma_wait3A_35 = arith.constant 0 : i32
      %dma_wait3A_36 = tpu.memref_slice %arg10[%mul3A_25, %dma_wait3A_35] : memref<10112x160xf32, #tpu.memory_space<vmem_shared>> -> memref<632x160xf32, #tpu.memory_space<vmem_shared>>
      tpu.wait_dma2 semaphore(%run_scoped3A : memref<!tpu.dma_semaphore, #tpu.memory_space<semaphore_mem>>) src(%dma_wait3A_36 : memref<632x160xf32, #tpu.memory_space<vmem_shared>>) dst(%dma_wait3A_34 : memref<632x160xf32, #tpu.memory_space<hbm>>)
      tpu.yield
    }) : () -> ()
    return
  }
}

#map = affine_map<(d0, d1) -> (0, 0)>
#map1 = affine_map<(d0, d1) -> (0)>
module attributes {stable_mosaic.version = 14 : i64} {
  func.func @seg_sum(%arg0: i32, %arg1: i32, %arg2: memref<10000x160xf32, #tpu.memory_space<hbm>>, %arg3: memref<320000xi32, #tpu.memory_space<hbm>>, %arg4: memref<320000xi32, #tpu.memory_space<hbm>>, %arg5: memref<20224x160xf32, #tpu.memory_space<hbm>>, %arg6: memref<2000xi32, #tpu.memory_space<vmem>>, %arg7: memref<2000xi32, #tpu.memory_space<vmem>>, %arg8: memref<80x160xf32, #tpu.memory_space<vmem>>, %arg9: memref<80x160xf32, #tpu.memory_space<vmem>>, %arg10: memref<10112x160xf32, #tpu.memory_space<vmem_shared>>, %arg11: memref<!tpu.dma_semaphore, #tpu.memory_space<semaphore_mem>>, %arg12: memref<!tpu.dma_semaphore, #tpu.memory_space<semaphore_mem>>) attributes {dimension_semantics = [#tpu.dimension_semantics<core_parallel>, #tpu.dimension_semantics<subcore_parallel>], iteration_bounds = array<i64: 2, 16>, scalar_prefetch = 0 : i64, scratch_operands = 7 : i64, tpu.core_type = #tpu.core_type<sc_vector_subcore>, window_params = [{transform_indices = #map}, {transform_indices = #map1}, {transform_indices = #map1}, {transform_indices = #map}]} {
    %mul3A = arith.constant 2 : i32
    %mul3A_0 = arith.muli %arg1, %mul3A : i32
    %add3A = arith.addi %mul3A_0, %arg0 : i32
    %broadcast_in_dim3A = arith.constant 0.000000e+00 : f32
    %broadcast_in_dim3A_1 = vector.broadcast %broadcast_in_dim3A : f32 to vector<16xf32>
    %scan3A = arith.constant 0 : i32
    %scan3A_2 = arith.constant 0 : i32
    %scan3A_3 = arith.constant 80 : i32
    %scan3A_4 = arith.addi %scan3A_2, %scan3A_3 : i32
    %scan3A_5 = arith.constant 1 : i32
    scf.for %scan3A_31 = %scan3A_2 to %scan3A_4 step %scan3A_5  : i32 {
      %scan3A_32 = arith.constant 0 : i32
      %scan3A_33 = arith.constant 0 : i32
      %scan3A_34 = arith.constant 10 : i32
      %scan3A_35 = arith.addi %scan3A_33, %scan3A_34 : i32
      %scan3A_36 = arith.constant 1 : i32
      scf.for %scan3A_38 = %scan3A_33 to %scan3A_35 step %scan3A_36  : i32 {
        %mul3A_39 = arith.constant 16 : i32
        %mul3A_40 = arith.muli %scan3A_38, %mul3A_39 : i32
        %swap3A = arith.index_cast %scan3A_31 : i32 to index
        %swap3A_41 = arith.index_cast %mul3A_40 : i32 to index
        %swap3A_42 = tpu.vector_load %arg8[%swap3A, %swap3A_41] {strides = array<i32>} : memref<80x160xf32, #tpu.memory_space<vmem>>, vector<1x16xf32>,
        %swap3A_43 = vector.shape_cast %swap3A_42 : vector<1x16xf32> to vector<16xf32>
        %swap3A_44 = vector.shape_cast %broadcast_in_dim3A_1 : vector<16xf32> to vector<1x16xf32>
        tpu.vector_store %arg8[%swap3A, %swap3A_41], %swap3A_44 {strides = array<i32>} : memref<80x160xf32, #tpu.memory_space<vmem>>, vector<1x16xf32>,
      }
      %scan3A_37 = arith.constant 10 : i32
    }
    %scan3A_6 = arith.constant 80 : i32
    %scan3A_7 = arith.constant 0 : i32
    %scan3A_8 = arith.constant 0 : i32
    %scan3A_9 = arith.constant 7 : i32
    %scan3A_10 = arith.addi %scan3A_8, %scan3A_9 : i32
    %scan3A_11 = arith.constant 1 : i32
    scf.for %scan3A_31 = %scan3A_8 to %scan3A_10 step %scan3A_11  : i32 {
      %mul3A_32 = arith.constant 632 : i32
      %mul3A_33 = arith.muli %arg1, %mul3A_32 : i32
      %mul3A_34 = arith.constant 80 : i32
      %mul3A_35 = arith.muli %scan3A_31, %mul3A_34 : i32
      %add3A_36 = arith.addi %mul3A_33, %mul3A_35 : i32
      "tpu.region"() ({
        %run_scoped3A = tpu.sem_alloc : memref<!tpu.dma_semaphore, #tpu.memory_space<semaphore_mem>>
        %dma_start3A = arith.constant 0 : i32
        %dma_start3A_37 = tpu.memref_slice %arg10[%add3A_36, %dma_start3A] : memref<10112x160xf32, #tpu.memory_space<vmem_shared>> -> memref<80x160xf32, #tpu.memory_space<vmem_shared>>
        %dma_start3A_38 = arith.constant 0 : i32
        %dma_start3A_39 = tpu.memref_slice %arg10[%add3A_36, %dma_start3A_38] : memref<10112x160xf32, #tpu.memory_space<vmem_shared>> -> memref<80x160xf32, #tpu.memory_space<vmem_shared>>
        tpu.enqueue_dma source(%arg8 : memref<80x160xf32, #tpu.memory_space<vmem>>) target(%dma_start3A_39 : memref<80x160xf32, #tpu.memory_space<vmem_shared>>) target_semaphore(%run_scoped3A : memref<!tpu.dma_semaphore, #tpu.memory_space<semaphore_mem>>)
        %dma_wait3A = arith.constant 0 : i32
        %dma_wait3A_40 = tpu.memref_slice %arg10[%add3A_36, %dma_wait3A] : memref<10112x160xf32, #tpu.memory_space<vmem_shared>> -> memref<80x160xf32, #tpu.memory_space<vmem_shared>>
        %dma_wait3A_41 = arith.constant 0 : i32
        %dma_wait3A_42 = tpu.memref_slice %arg10[%add3A_36, %dma_wait3A_41] : memref<10112x160xf32, #tpu.memory_space<vmem_shared>> -> memref<80x160xf32, #tpu.memory_space<vmem_shared>>
        tpu.wait_dma2 semaphore(%run_scoped3A : memref<!tpu.dma_semaphore, #tpu.memory_space<semaphore_mem>>) src(%arg8 : memref<80x160xf32, #tpu.memory_space<vmem>>) dst(%dma_wait3A_42 : memref<80x160xf32, #tpu.memory_space<vmem_shared>>)
        tpu.yield
      }) : () -> ()
    }
    %scan3A_12 = arith.constant 7 : i32
    %mul3A_13 = arith.constant 632 : i32
    %mul3A_14 = arith.muli %arg1, %mul3A_13 : i32
    %add3A_15 = arith.constant 560 : i32
    %add3A_16 = arith.addi %mul3A_14, %add3A_15 : i32
    "tpu.region"() ({
      %run_scoped3A = tpu.sem_alloc : memref<!tpu.dma_semaphore, #tpu.memory_space<semaphore_mem>>
      %dma_start3A = arith.constant 0 : i32
      %dma_start3A_31 = arith.constant 0 : i32
      %dma_start3A_32 = tpu.memref_slice %arg8[%dma_start3A, %dma_start3A_31] : memref<80x160xf32, #tpu.memory_space<vmem>> -> memref<72x160xf32, #tpu.memory_space<vmem>>
      %dma_start3A_33 = arith.constant 0 : i32
      %dma_start3A_34 = tpu.memref_slice %arg10[%add3A_16, %dma_start3A_33] : memref<10112x160xf32, #tpu.memory_space<vmem_shared>> -> memref<72x160xf32, #tpu.memory_space<vmem_shared>>
      %dma_start3A_35 = arith.constant 0 : i32
      %dma_start3A_36 = tpu.memref_slice %arg10[%add3A_16, %dma_start3A_35] : memref<10112x160xf32, #tpu.memory_space<vmem_shared>> -> memref<72x160xf32, #tpu.memory_space<vmem_shared>>
      %dma_start3A_37 = arith.constant 0 : i32
      %dma_start3A_38 = arith.constant 0 : i32
      %dma_start3A_39 = tpu.memref_slice %arg8[%dma_start3A_37, %dma_start3A_38] : memref<80x160xf32, #tpu.memory_space<vmem>> -> memref<72x160xf32, #tpu.memory_space<vmem>>
      tpu.enqueue_dma source(%dma_start3A_39 : memref<72x160xf32, #tpu.memory_space<vmem>>) target(%dma_start3A_36 : memref<72x160xf32, #tpu.memory_space<vmem_shared>>) target_semaphore(%run_scoped3A : memref<!tpu.dma_semaphore, #tpu.memory_space<semaphore_mem>>)
      %dma_wait3A = arith.constant 0 : i32
      %dma_wait3A_40 = arith.constant 0 : i32
      %dma_wait3A_41 = tpu.memref_slice %arg8[%dma_wait3A, %dma_wait3A_40] : memref<80x160xf32, #tpu.memory_space<vmem>> -> memref<72x160xf32, #tpu.memory_space<vmem>>
      %dma_wait3A_42 = arith.constant 0 : i32
      %dma_wait3A_43 = tpu.memref_slice %arg10[%add3A_16, %dma_wait3A_42] : memref<10112x160xf32, #tpu.memory_space<vmem_shared>> -> memref<72x160xf32, #tpu.memory_space<vmem_shared>>
      %dma_wait3A_44 = arith.constant 0 : i32
      %dma_wait3A_45 = tpu.memref_slice %arg10[%add3A_16, %dma_wait3A_44] : memref<10112x160xf32, #tpu.memory_space<vmem_shared>> -> memref<72x160xf32, #tpu.memory_space<vmem_shared>>
      %dma_wait3A_46 = arith.constant 0 : i32
      %dma_wait3A_47 = arith.constant 0 : i32
      %dma_wait3A_48 = tpu.memref_slice %arg8[%dma_wait3A_46, %dma_wait3A_47] : memref<80x160xf32, #tpu.memory_space<vmem>> -> memref<72x160xf32, #tpu.memory_space<vmem>>
      tpu.wait_dma2 semaphore(%run_scoped3A : memref<!tpu.dma_semaphore, #tpu.memory_space<semaphore_mem>>) src(%dma_wait3A_48 : memref<72x160xf32, #tpu.memory_space<vmem>>) dst(%dma_wait3A_45 : memref<72x160xf32, #tpu.memory_space<vmem_shared>>)
      tpu.yield
    }) : () -> ()
    %barrier3A = arith.constant 0 : index
    tpu.barrier barrier_id(%barrier3A)
    %scan3A_17 = arith.constant 0 : i32
    %scan3A_18 = arith.constant 0 : i32
    %scan3A_19 = arith.constant 5 : i32
    %scan3A_20 = arith.addi %scan3A_18, %scan3A_19 : i32
    %scan3A_21 = arith.constant 1 : i32
    scf.for %scan3A_31 = %scan3A_18 to %scan3A_20 step %scan3A_21  : i32 {
      %mul3A_32 = arith.constant 10000 : i32
      %mul3A_33 = arith.muli %add3A, %mul3A_32 : i32
      %mul3A_34 = arith.constant 2000 : i32
      %mul3A_35 = arith.muli %scan3A_31, %mul3A_34 : i32
      %add3A_36 = arith.addi %mul3A_33, %mul3A_35 : i32
      %dma_start3A = tpu.memref_slice %arg3[%add3A_36] : memref<320000xi32, #tpu.memory_space<hbm>> -> memref<2000xi32, #tpu.memory_space<hbm>>
      %dma_start3A_37 = tpu.memref_slice %arg3[%add3A_36] : memref<320000xi32, #tpu.memory_space<hbm>> -> memref<2000xi32, #tpu.memory_space<hbm>>
      tpu.enqueue_dma source(%dma_start3A_37 : memref<2000xi32, #tpu.memory_space<hbm>>) target(%arg6 : memref<2000xi32, #tpu.memory_space<vmem>>) target_semaphore(%arg11 : memref<!tpu.dma_semaphore, #tpu.memory_space<semaphore_mem>>)
      %dma_start3A_38 = tpu.memref_slice %arg4[%add3A_36] : memref<320000xi32, #tpu.memory_space<hbm>> -> memref<2000xi32, #tpu.memory_space<hbm>>
      %dma_start3A_39 = tpu.memref_slice %arg4[%add3A_36] : memref<320000xi32, #tpu.memory_space<hbm>> -> memref<2000xi32, #tpu.memory_space<hbm>>
      tpu.enqueue_dma source(%dma_start3A_39 : memref<2000xi32, #tpu.memory_space<hbm>>) target(%arg7 : memref<2000xi32, #tpu.memory_space<vmem>>) target_semaphore(%arg12 : memref<!tpu.dma_semaphore, #tpu.memory_space<semaphore_mem>>)
      %dma_wait3A = tpu.memref_slice %arg3[%add3A_36] : memref<320000xi32, #tpu.memory_space<hbm>> -> memref<2000xi32, #tpu.memory_space<hbm>>
      %dma_wait3A_40 = tpu.memref_slice %arg3[%add3A_36] : memref<320000xi32, #tpu.memory_space<hbm>> -> memref<2000xi32, #tpu.memory_space<hbm>>
      tpu.wait_dma2 semaphore(%arg11 : memref<!tpu.dma_semaphore, #tpu.memory_space<semaphore_mem>>) src(%dma_wait3A_40 : memref<2000xi32, #tpu.memory_space<hbm>>) dst(%arg6 : memref<2000xi32, #tpu.memory_space<vmem>>)
      %dma_wait3A_41 = tpu.memref_slice %arg4[%add3A_36] : memref<320000xi32, #tpu.memory_space<hbm>> -> memref<2000xi32, #tpu.memory_space<hbm>>
      %dma_wait3A_42 = tpu.memref_slice %arg4[%add3A_36] : memref<320000xi32, #tpu.memory_space<hbm>> -> memref<2000xi32, #tpu.memory_space<hbm>>
      tpu.wait_dma2 semaphore(%arg12 : memref<!tpu.dma_semaphore, #tpu.memory_space<semaphore_mem>>) src(%dma_wait3A_42 : memref<2000xi32, #tpu.memory_space<hbm>>) dst(%arg7 : memref<2000xi32, #tpu.memory_space<vmem>>)
      %dma_start3A_43 = arith.constant 0 : i32
      %dma_start3A_44 = tpu.memref_slice %arg6[%dma_start3A_43] : memref<2000xi32, #tpu.memory_space<vmem>> -> memref<80xi32, #tpu.memory_space<vmem>>
      %dma_start3A_45 = arith.constant 0 : i32
      %dma_start3A_46 = arith.constant 0 : i32
      %dma_start3A_47 = tpu.memref_slice %arg2[%dma_start3A_45, %dma_start3A_46] : memref<10000x160xf32, #tpu.memory_space<hbm>> -> memref<10000x160xf32, #tpu.memory_space<hbm>>
      tpu.enqueue_indirect_dma source(%dma_start3A_47 : memref<10000x160xf32, #tpu.memory_space<hbm>>) target(%arg8 : memref<80x160xf32, #tpu.memory_space<vmem>>) offsets(%dma_start3A_44 : memref<80xi32, #tpu.memory_space<vmem>>) semaphore(%arg11 : memref<!tpu.dma_semaphore, #tpu.memory_space<semaphore_mem>>)
      %dma_start3A_48 = arith.constant 80 : i32
      %dma_start3A_49 = tpu.memref_slice %arg6[%dma_start3A_48] : memref<2000xi32, #tpu.memory_space<vmem>> -> memref<80xi32, #tpu.memory_space<vmem>>
      %dma_start3A_50 = arith.constant 0 : i32
      %dma_start3A_51 = arith.constant 0 : i32
      %dma_start3A_52 = tpu.memref_slice %arg2[%dma_start3A_50, %dma_start3A_51] : memref<10000x160xf32, #tpu.memory_space<hbm>> -> memref<10000x160xf32, #tpu.memory_space<hbm>>
      tpu.enqueue_indirect_dma source(%dma_start3A_52 : memref<10000x160xf32, #tpu.memory_space<hbm>>) target(%arg9 : memref<80x160xf32, #tpu.memory_space<vmem>>) offsets(%dma_start3A_49 : memref<80xi32, #tpu.memory_space<vmem>>) semaphore(%arg12 : memref<!tpu.dma_semaphore, #tpu.memory_space<semaphore_mem>>)
      %scan3A_53 = arith.constant 0 : i32
      %scan3A_54 = arith.constant 0 : i32
      %scan3A_55 = arith.constant 12 : i32
      %scan3A_56 = arith.addi %scan3A_54, %scan3A_55 : i32
      %scan3A_57 = arith.constant 1 : i32
      scf.for %scan3A_64 = %scan3A_54 to %scan3A_56 step %scan3A_57  : i32 {
        %mul3A_65 = arith.constant 2 : i32
        %mul3A_66 = arith.muli %mul3A_65, %scan3A_64 : i32
        %add3A_67 = arith.constant 1 : i32
        %add3A_68 = arith.addi %mul3A_66, %add3A_67 : i32
        %mul3A_69 = arith.constant 80 : i32
        %mul3A_70 = arith.muli %mul3A_66, %mul3A_69 : i32
        %dma_wait3A_71 = tpu.memref_slice %arg6[%mul3A_70] : memref<2000xi32, #tpu.memory_space<vmem>> -> memref<80xi32, #tpu.memory_space<vmem>>
        %dma_wait3A_72 = arith.constant 0 : i32
        %dma_wait3A_73 = arith.constant 0 : i32
        %dma_wait3A_74 = tpu.memref_slice %arg2[%dma_wait3A_72, %dma_wait3A_73] : memref<10000x160xf32, #tpu.memory_space<hbm>> -> memref<10000x160xf32, #tpu.memory_space<hbm>>
        tpu.wait_indirect_dma semaphore(%arg11 : memref<!tpu.dma_semaphore, #tpu.memory_space<semaphore_mem>>) src(%dma_wait3A_74 : memref<10000x160xf32, #tpu.memory_space<hbm>>) dst(%arg8 : memref<80x160xf32, #tpu.memory_space<vmem>>)
        %mul3A_75 = arith.constant 80 : i32
        %mul3A_76 = arith.muli %mul3A_66, %mul3A_75 : i32
        "tpu.region"() ({
          %run_scoped3A = tpu.sem_alloc : memref<!tpu.dma_semaphore, #tpu.memory_space<semaphore_mem>>
          %dma_start3A_95 = tpu.memref_slice %arg7[%mul3A_76] : memref<2000xi32, #tpu.memory_space<vmem>> -> memref<80xi32, #tpu.memory_space<vmem>>
          %dma_start3A_96 = arith.constant 0 : i32
          %dma_start3A_97 = arith.constant 0 : i32
          %dma_start3A_98 = tpu.memref_slice %arg10[%dma_start3A_96, %dma_start3A_97] : memref<10112x160xf32, #tpu.memory_space<vmem_shared>> -> memref<10112x160xf32, #tpu.memory_space<vmem_shared>>
          tpu.enqueue_indirect_dma source(%arg8 : memref<80x160xf32, #tpu.memory_space<vmem>>) target(%dma_start3A_98 : memref<10112x160xf32, #tpu.memory_space<vmem_shared>>) offsets(%dma_start3A_95 : memref<80xi32, #tpu.memory_space<vmem>>) semaphore(%run_scoped3A : memref<!tpu.dma_semaphore, #tpu.memory_space<semaphore_mem>>) {add = true}
          %dma_wait3A_99 = tpu.memref_slice %arg7[%mul3A_76] : memref<2000xi32, #tpu.memory_space<vmem>> -> memref<80xi32, #tpu.memory_space<vmem>>
          %dma_wait3A_100 = arith.constant 0 : i32
          %dma_wait3A_101 = arith.constant 0 : i32
          %dma_wait3A_102 = tpu.memref_slice %arg10[%dma_wait3A_100, %dma_wait3A_101] : memref<10112x160xf32, #tpu.memory_space<vmem_shared>> -> memref<10112x160xf32, #tpu.memory_space<vmem_shared>>
          tpu.wait_indirect_dma semaphore(%run_scoped3A : memref<!tpu.dma_semaphore, #tpu.memory_space<semaphore_mem>>) src(%arg8 : memref<80x160xf32, #tpu.memory_space<vmem>>) dst(%dma_wait3A_102 : memref<10112x160xf32, #tpu.memory_space<vmem_shared>>)
          tpu.yield
        }) : () -> ()
        %add3A_77 = arith.constant 2 : i32
        %add3A_78 = arith.addi %mul3A_66, %add3A_77 : i32
        %mul3A_79 = arith.constant 80 : i32
        %mul3A_80 = arith.muli %add3A_78, %mul3A_79 : i32
        %dma_start3A_81 = tpu.memref_slice %arg6[%mul3A_80] : memref<2000xi32, #tpu.memory_space<vmem>> -> memref<80xi32, #tpu.memory_space<vmem>>
        %dma_start3A_82 = arith.constant 0 : i32
        %dma_start3A_83 = arith.constant 0 : i32
        %dma_start3A_84 = tpu.memref_slice %arg2[%dma_start3A_82, %dma_start3A_83] : memref<10000x160xf32, #tpu.memory_space<hbm>> -> memref<10000x160xf32, #tpu.memory_space<hbm>>
        tpu.enqueue_indirect_dma source(%dma_start3A_84 : memref<10000x160xf32, #tpu.memory_space<hbm>>) target(%arg8 : memref<80x160xf32, #tpu.memory_space<vmem>>) offsets(%dma_start3A_81 : memref<80xi32, #tpu.memory_space<vmem>>) semaphore(%arg11 : memref<!tpu.dma_semaphore, #tpu.memory_space<semaphore_mem>>)
        %mul3A_85 = arith.constant 80 : i32
        %mul3A_86 = arith.muli %add3A_68, %mul3A_85 : i32
        %dma_wait3A_87 = tpu.memref_slice %arg6[%mul3A_86] : memref<2000xi32, #tpu.memory_space<vmem>> -> memref<80xi32, #tpu.memory_space<vmem>>
        %dma_wait3A_88 = arith.constant 0 : i32
        %dma_wait3A_89 = arith.constant 0 : i32
        %dma_wait3A_90 = tpu.memref_slice %arg2[%dma_wait3A_88, %dma_wait3A_89] : memref<10000x160xf32, #tpu.memory_space<hbm>> -> memref<10000x160xf32, #tpu.memory_space<hbm>>
        tpu.wait_indirect_dma semaphore(%arg12 : memref<!tpu.dma_semaphore, #tpu.memory_space<semaphore_mem>>) src(%dma_wait3A_90 : memref<10000x160xf32, #tpu.memory_space<hbm>>) dst(%arg9 : memref<80x160xf32, #tpu.memory_space<vmem>>)
        %mul3A_91 = arith.constant 80 : i32
        %mul3A_92 = arith.muli %add3A_68, %mul3A_91 : i32
        "tpu.region"() ({
          %run_scoped3A = tpu.sem_alloc : memref<!tpu.dma_semaphore, #tpu.memory_space<semaphore_mem>>
          %dma_start3A_95 = tpu.memref_slice %arg7[%mul3A_92] : memref<2000xi32, #tpu.memory_space<vmem>> -> memref<80xi32, #tpu.memory_space<vmem>>
          %dma_start3A_96 = arith.constant 0 : i32
          %dma_start3A_97 = arith.constant 0 : i32
          %dma_start3A_98 = tpu.memref_slice %arg10[%dma_start3A_96, %dma_start3A_97] : memref<10112x160xf32, #tpu.memory_space<vmem_shared>> -> memref<10112x160xf32, #tpu.memory_space<vmem_shared>>
          tpu.enqueue_indirect_dma source(%arg9 : memref<80x160xf32, #tpu.memory_space<vmem>>) target(%dma_start3A_98 : memref<10112x160xf32, #tpu.memory_space<vmem_shared>>) offsets(%dma_start3A_95 : memref<80xi32, #tpu.memory_space<vmem>>) semaphore(%run_scoped3A : memref<!tpu.dma_semaphore, #tpu.memory_space<semaphore_mem>>) {add = true}
          %dma_wait3A_99 = tpu.memref_slice %arg7[%mul3A_92] : memref<2000xi32, #tpu.memory_space<vmem>> -> memref<80xi32, #tpu.memory_space<vmem>>
          %dma_wait3A_100 = arith.constant 0 : i32
          %dma_wait3A_101 = arith.constant 0 : i32
          %dma_wait3A_102 = tpu.memref_slice %arg10[%dma_wait3A_100, %dma_wait3A_101] : memref<10112x160xf32, #tpu.memory_space<vmem_shared>> -> memref<10112x160xf32, #tpu.memory_space<vmem_shared>>
          tpu.wait_indirect_dma semaphore(%run_scoped3A : memref<!tpu.dma_semaphore, #tpu.memory_space<semaphore_mem>>) src(%arg9 : memref<80x160xf32, #tpu.memory_space<vmem>>) dst(%dma_wait3A_102 : memref<10112x160xf32, #tpu.memory_space<vmem_shared>>)
          tpu.yield
        }) : () -> ()
        %lt3A = arith.constant 11 : i32
        %lt3A_93 = arith.cmpi slt, %scan3A_64, %lt3A : i32
        %convert_element_type3A = arith.extui %lt3A_93 : i1 to i32
        %cond3A = arith.constant 0 : i32
        %cond3A_94 = arith.cmpi ne, %convert_element_type3A, %cond3A : i32
        scf.if %cond3A_94 {
          %add3A_95 = arith.constant 2 : i32
          %add3A_96 = arith.addi %add3A_68, %add3A_95 : i32
          %mul3A_97 = arith.constant 80 : i32
          %mul3A_98 = arith.muli %add3A_96, %mul3A_97 : i32
          %dma_start3A_99 = tpu.memref_slice %arg6[%mul3A_98] : memref<2000xi32, #tpu.memory_space<vmem>> -> memref<80xi32, #tpu.memory_space<vmem>>
          %dma_start3A_100 = arith.constant 0 : i32
          %dma_start3A_101 = arith.constant 0 : i32
          %dma_start3A_102 = tpu.memref_slice %arg2[%dma_start3A_100, %dma_start3A_101] : memref<10000x160xf32, #tpu.memory_space<hbm>> -> memref<10000x160xf32, #tpu.memory_space<hbm>>
          tpu.enqueue_indirect_dma source(%dma_start3A_102 : memref<10000x160xf32, #tpu.memory_space<hbm>>) target(%arg9 : memref<80x160xf32, #tpu.memory_space<vmem>>) offsets(%dma_start3A_99 : memref<80xi32, #tpu.memory_space<vmem>>) semaphore(%arg12 : memref<!tpu.dma_semaphore, #tpu.memory_space<semaphore_mem>>)
        } else {
        }
      }
      %scan3A_58 = arith.constant 12 : i32
      %dma_wait3A_59 = arith.constant 1920 : i32
      %dma_wait3A_60 = tpu.memref_slice %arg6[%dma_wait3A_59] : memref<2000xi32, #tpu.memory_space<vmem>> -> memref<80xi32, #tpu.memory_space<vmem>>
      %dma_wait3A_61 = arith.constant 0 : i32
      %dma_wait3A_62 = arith.constant 0 : i32
      %dma_wait3A_63 = tpu.memref_slice %arg2[%dma_wait3A_61, %dma_wait3A_62] : memref<10000x160xf32, #tpu.memory_space<hbm>> -> memref<10000x160xf32, #tpu.memory_space<hbm>>
      tpu.wait_indirect_dma semaphore(%arg11 : memref<!tpu.dma_semaphore, #tpu.memory_space<semaphore_mem>>) src(%dma_wait3A_63 : memref<10000x160xf32, #tpu.memory_space<hbm>>) dst(%arg8 : memref<80x160xf32, #tpu.memory_space<vmem>>)
      "tpu.region"() ({
        %run_scoped3A = tpu.sem_alloc : memref<!tpu.dma_semaphore, #tpu.memory_space<semaphore_mem>>
        %dma_start3A_64 = arith.constant 1920 : i32
        %dma_start3A_65 = tpu.memref_slice %arg7[%dma_start3A_64] : memref<2000xi32, #tpu.memory_space<vmem>> -> memref<80xi32, #tpu.memory_space<vmem>>
        %dma_start3A_66 = arith.constant 0 : i32
        %dma_start3A_67 = arith.constant 0 : i32
        %dma_start3A_68 = tpu.memref_slice %arg10[%dma_start3A_66, %dma_start3A_67] : memref<10112x160xf32, #tpu.memory_space<vmem_shared>> -> memref<10112x160xf32, #tpu.memory_space<vmem_shared>>
        tpu.enqueue_indirect_dma source(%arg8 : memref<80x160xf32, #tpu.memory_space<vmem>>) target(%dma_start3A_68 : memref<10112x160xf32, #tpu.memory_space<vmem_shared>>) offsets(%dma_start3A_65 : memref<80xi32, #tpu.memory_space<vmem>>) semaphore(%run_scoped3A : memref<!tpu.dma_semaphore, #tpu.memory_space<semaphore_mem>>) {add = true}
        %dma_wait3A_69 = arith.constant 1920 : i32
        %dma_wait3A_70 = tpu.memref_slice %arg7[%dma_wait3A_69] : memref<2000xi32, #tpu.memory_space<vmem>> -> memref<80xi32, #tpu.memory_space<vmem>>
        %dma_wait3A_71 = arith.constant 0 : i32
        %dma_wait3A_72 = arith.constant 0 : i32
        %dma_wait3A_73 = tpu.memref_slice %arg10[%dma_wait3A_71, %dma_wait3A_72] : memref<10112x160xf32, #tpu.memory_space<vmem_shared>> -> memref<10112x160xf32, #tpu.memory_space<vmem_shared>>
        tpu.wait_indirect_dma semaphore(%run_scoped3A : memref<!tpu.dma_semaphore, #tpu.memory_space<semaphore_mem>>) src(%arg8 : memref<80x160xf32, #tpu.memory_space<vmem>>) dst(%dma_wait3A_73 : memref<10112x160xf32, #tpu.memory_space<vmem_shared>>)
        tpu.yield
      }) : () -> ()
    }
    %scan3A_22 = arith.constant 5 : i32
    %barrier3A_23 = arith.constant 0 : index
    tpu.barrier barrier_id(%barrier3A_23)
    %mul3A_24 = arith.constant 632 : i32
    %mul3A_25 = arith.muli %arg1, %mul3A_24 : i32
    %mul3A_26 = arith.constant 10112 : i32
    %mul3A_27 = arith.muli %arg0, %mul3A_26 : i32
    %mul3A_28 = arith.constant 632 : i32
    %mul3A_29 = arith.muli %arg1, %mul3A_28 : i32
    %add3A_30 = arith.addi %mul3A_27, %mul3A_29 : i32
    "tpu.region"() ({
      %run_scoped3A = tpu.sem_alloc : memref<!tpu.dma_semaphore, #tpu.memory_space<semaphore_mem>>
      %dma_start3A = arith.constant 0 : i32
      %dma_start3A_31 = tpu.memref_slice %arg5[%add3A_30, %dma_start3A] : memref<20224x160xf32, #tpu.memory_space<hbm>> -> memref<632x160xf32, #tpu.memory_space<hbm>>
      %dma_start3A_32 = arith.constant 0 : i32
      %dma_start3A_33 = tpu.memref_slice %arg10[%mul3A_25, %dma_start3A_32] : memref<10112x160xf32, #tpu.memory_space<vmem_shared>> -> memref<632x160xf32, #tpu.memory_space<vmem_shared>>
      tpu.enqueue_dma source(%dma_start3A_33 : memref<632x160xf32, #tpu.memory_space<vmem_shared>>) target(%dma_start3A_31 : memref<632x160xf32, #tpu.memory_space<hbm>>) target_semaphore(%run_scoped3A : memref<!tpu.dma_semaphore, #tpu.memory_space<semaphore_mem>>)
      %dma_wait3A = arith.constant 0 : i32
      %dma_wait3A_34 = tpu.memref_slice %arg5[%add3A_30, %dma_wait3A] : memref<20224x160xf32, #tpu.memory_space<hbm>> -> memref<632x160xf32, #tpu.memory_space<hbm>>
      %dma_wait3A_35 = arith.constant 0 : i32
      %dma_wait3A_36 = tpu.memref_slice %arg10[%mul3A_25, %dma_wait3A_35] : memref<10112x160xf32, #tpu.memory_space<vmem_shared>> -> memref<632x160xf32, #tpu.memory_space<vmem_shared>>
      tpu.wait_dma2 semaphore(%run_scoped3A : memref<!tpu.dma_semaphore, #tpu.memory_space<semaphore_mem>>) src(%dma_wait3A_36 : memref<632x160xf32, #tpu.memory_space<vmem_shared>>) dst(%dma_wait3A_34 : memref<632x160xf32, #tpu.memory_space<hbm>>)
      tpu.yield
    }) : () -> ()
    return
  }
}

module attributes {stable_mosaic.version = 14 : i64} {
  func.func @_gru_body(%arg0: i32, %arg1: memref<2x2000x160xf32, #tpu.memory_space<vmem>>, %arg2: memref<2000x160xf32, #tpu.memory_space<vmem>>, %arg3: memref<160x480xf32, #tpu.memory_space<vmem>>, %arg4: memref<160x480xf32, #tpu.memory_space<vmem>>, %arg5: memref<1x480xf32, #tpu.memory_space<vmem>>, %arg6: memref<1x480xf32, #tpu.memory_space<vmem>>, %arg7: memref<2000x160xf32, #tpu.memory_space<vmem>>) attributes {dimension_semantics = [#tpu.dimension_semantics<arbitrary>], iteration_bounds = array<i64: 5>, scalar_prefetch = 0 : i64, scratch_operands = 0 : i64, tpu.core_type = #tpu.core_type<tc>, window_params = [{transform_indices = @transform_0, window_bounds = array<i64: 2, 2000, 160>}, {transform_indices = @transform_1, window_bounds = array<i64: 2000, 160>}, {pipeline_mode = #tpu.pipeline_mode<synchronous>, transform_indices = @transform_2, window_bounds = array<i64: 160, 480>}, {pipeline_mode = #tpu.pipeline_mode<synchronous>, transform_indices = @transform_3, window_bounds = array<i64: 160, 480>}, {pipeline_mode = #tpu.pipeline_mode<synchronous>, transform_indices = @transform_4, window_bounds = array<i64: 1, 480>}, {pipeline_mode = #tpu.pipeline_mode<synchronous>, transform_indices = @transform_5, window_bounds = array<i64: 1, 480>}, {transform_indices = @transform_6, window_bounds = array<i64: 2000, 160>}]} {
    %get3A = arith.constant 0 : index
    %get3A_0 = arith.constant 0 : index
    %get3A_1 = arith.constant 0 : index
    %get3A_2 = vector.load %arg1[%get3A, %get3A_0, %get3A_1] : memref<2x2000x160xf32, #tpu.memory_space<vmem>>, vector<1x2000x160xf32>
    %get3A_3 = vector.shape_cast %get3A_2 : vector<1x2000x160xf32> to vector<2000x160xf32>
    %get3A_4 = arith.constant 1 : index
    %get3A_5 = arith.constant 0 : index
    %get3A_6 = arith.constant 0 : index
    %get3A_7 = vector.load %arg1[%get3A_4, %get3A_5, %get3A_6] : memref<2x2000x160xf32, #tpu.memory_space<vmem>>, vector<1x2000x160xf32>
    %get3A_8 = vector.shape_cast %get3A_7 : vector<1x2000x160xf32> to vector<2000x160xf32>
    %add3A = arith.addf %get3A_3, %get3A_8 : vector<2000x160xf32>
    %get3A_9 = arith.constant 0 : index
    %get3A_10 = arith.constant 0 : index
    %get3A_11 = vector.load %arg2[%get3A_9, %get3A_10] : memref<2000x160xf32, #tpu.memory_space<vmem>>, vector<2000x160xf32>
    %get3A_12 = arith.constant 0 : index
    %get3A_13 = arith.constant 0 : index
    %get3A_14 = vector.load %arg3[%get3A_12, %get3A_13] : memref<160x480xf32, #tpu.memory_space<vmem>>, vector<160x480xf32>
    %dot_general3A = arith.constant dense<0.000000e+00> : vector<2000x480xf32>
    %dot_general3A_15 = tpu.matmul %add3A, %get3A_14, %dot_general3A {dimension_numbers = #tpu.dot_dimension_numbers<[1], [0], [0], [1], [0, 0, 1, 1], [], []>, transpose_lhs_hint = false} : vector<2000x160xf32>, vector<160x480xf32>, vector<2000x480xf32> -> vector<2000x480xf32>
    %get3A_16 = arith.constant 0 : index
    %get3A_17 = arith.constant 0 : index
    %get3A_18 = vector.load %arg5[%get3A_16, %get3A_17] : memref<1x480xf32, #tpu.memory_space<vmem>>, vector<1x480xf32>
    %add3A_19 = vector.broadcast %get3A_18 : vector<1x480xf32> to vector<2000x480xf32>
    %add3A_20 = arith.addf %dot_general3A_15, %add3A_19 : vector<2000x480xf32>
    %get3A_21 = arith.constant 0 : index
    %get3A_22 = arith.constant 0 : index
    %get3A_23 = vector.load %arg4[%get3A_21, %get3A_22] : memref<160x480xf32, #tpu.memory_space<vmem>>, vector<160x480xf32>
    %dot_general3A_24 = arith.constant dense<0.000000e+00> : vector<2000x480xf32>
    %dot_general3A_25 = tpu.matmul %get3A_11, %get3A_23, %dot_general3A_24 {dimension_numbers = #tpu.dot_dimension_numbers<[1], [0], [0], [1], [0, 0, 1, 1], [], []>, transpose_lhs_hint = false} : vector<2000x160xf32>, vector<160x480xf32>, vector<2000x480xf32> -> vector<2000x480xf32>
    %get3A_26 = arith.constant 0 : index
    %get3A_27 = arith.constant 0 : index
    %get3A_28 = vector.load %arg6[%get3A_26, %get3A_27] : memref<1x480xf32, #tpu.memory_space<vmem>>, vector<1x480xf32>
    %add3A_29 = vector.broadcast %get3A_28 : vector<1x480xf32> to vector<2000x480xf32>
    %add3A_30 = arith.addf %dot_general3A_25, %add3A_29 : vector<2000x480xf32>
    %slice3A = vector.extract_strided_slice %add3A_20 {offsets = [0, 0], sizes = [2000, 160], strides = [1, 1]} : vector<2000x480xf32> to vector<2000x160xf32>
    %slice3A_31 = vector.extract_strided_slice %add3A_20 {offsets = [0, 160], sizes = [2000, 160], strides = [1, 1]} : vector<2000x480xf32> to vector<2000x160xf32>
    %slice3A_32 = vector.extract_strided_slice %add3A_20 {offsets = [0, 320], sizes = [2000, 160], strides = [1, 1]} : vector<2000x480xf32> to vector<2000x160xf32>
    %slice3A_33 = vector.extract_strided_slice %add3A_30 {offsets = [0, 0], sizes = [2000, 160], strides = [1, 1]} : vector<2000x480xf32> to vector<2000x160xf32>
    %slice3A_34 = vector.extract_strided_slice %add3A_30 {offsets = [0, 160], sizes = [2000, 160], strides = [1, 1]} : vector<2000x480xf32> to vector<2000x160xf32>
    %slice3A_35 = vector.extract_strided_slice %add3A_30 {offsets = [0, 320], sizes = [2000, 160], strides = [1, 1]} : vector<2000x480xf32> to vector<2000x160xf32>
    %add3A_36 = arith.addf %slice3A, %slice3A_33 : vector<2000x160xf32>
    %logistic3A = arith.negf %add3A_36 : vector<2000x160xf32>
    %logistic3A_37 = math.exp %logistic3A : vector<2000x160xf32>
    %logistic3A_38 = arith.constant 1.000000e+00 : f32
    %logistic3A_39 = vector.broadcast %logistic3A_38 : f32 to vector<2000x160xf32>
    %logistic3A_40 = arith.addf %logistic3A_39, %logistic3A_37 : vector<2000x160xf32>
    %logistic3A_41 = arith.divf %logistic3A_39, %logistic3A_40 : vector<2000x160xf32>
    %add3A_42 = arith.addf %slice3A_31, %slice3A_34 : vector<2000x160xf32>
    %logistic3A_43 = arith.negf %add3A_42 : vector<2000x160xf32>
    %logistic3A_44 = math.exp %logistic3A_43 : vector<2000x160xf32>
    %logistic3A_45 = arith.constant 1.000000e+00 : f32
    %logistic3A_46 = vector.broadcast %logistic3A_45 : f32 to vector<2000x160xf32>
    %logistic3A_47 = arith.addf %logistic3A_46, %logistic3A_44 : vector<2000x160xf32>
    %logistic3A_48 = arith.divf %logistic3A_46, %logistic3A_47 : vector<2000x160xf32>
    %mul3A = arith.mulf %logistic3A_41, %slice3A_35 : vector<2000x160xf32>
    %add3A_49 = arith.addf %slice3A_32, %mul3A : vector<2000x160xf32>
    %tanh3A = math.tanh %add3A_49 : vector<2000x160xf32>
    %sub3A = arith.constant 1.000000e+00 : f32
    %sub3A_50 = vector.broadcast %sub3A : f32 to vector<2000x160xf32>
    %sub3A_51 = arith.subf %sub3A_50, %logistic3A_48 : vector<2000x160xf32>
    %mul3A_52 = arith.mulf %sub3A_51, %tanh3A : vector<2000x160xf32>
    %mul3A_53 = arith.mulf %logistic3A_48, %get3A_11 : vector<2000x160xf32>
    %add3A_54 = arith.addf %mul3A_52, %mul3A_53 : vector<2000x160xf32>
    %swap3A = arith.constant 0 : index
    %swap3A_55 = arith.constant 0 : index
    %swap3A_56 = vector.load %arg7[%swap3A, %swap3A_55] : memref<2000x160xf32, #tpu.memory_space<vmem>>, vector<2000x160xf32>
    tpu.vector_store %arg7[%swap3A, %swap3A_55], %add3A_54 {strides = array<i32>} : memref<2000x160xf32, #tpu.memory_space<vmem>>, vector<2000x160xf32>,
    return
  }
  func.func @transform_0(%arg0: i32) -> (i32, i32, i32) {
    %c0_i32 = arith.constant 0 : i32
    %c0_i32_0 = arith.constant 0 : i32
    %c0_i32_1 = arith.constant 0 : i32
    return %c0_i32, %arg0, %c0_i32_0 : i32, i32, i32
  }
  func.func @transform_1(%arg0: i32) -> (i32, i32) {
    %c0_i32 = arith.constant 0 : i32
    %c0_i32_0 = arith.constant 0 : i32
    return %arg0, %c0_i32 : i32, i32
  }
  func.func @transform_2(%arg0: i32) -> (i32, i32) {
    %c0_i32 = arith.constant 0 : i32
    %c0_i32_0 = arith.constant 0 : i32
    %c0_i32_1 = arith.constant 0 : i32
    return %c0_i32, %c0_i32_0 : i32, i32
  }
  func.func @transform_3(%arg0: i32) -> (i32, i32) {
    %c0_i32 = arith.constant 0 : i32
    %c0_i32_0 = arith.constant 0 : i32
    %c0_i32_1 = arith.constant 0 : i32
    return %c0_i32, %c0_i32_0 : i32, i32
  }
  func.func @transform_4(%arg0: i32) -> (i32, i32) {
    %c0_i32 = arith.constant 0 : i32
    %c0_i32_0 = arith.constant 0 : i32
    %c0_i32_1 = arith.constant 0 : i32
    return %c0_i32, %c0_i32_0 : i32, i32
  }
  func.func @transform_5(%arg0: i32) -> (i32, i32) {
    %c0_i32 = arith.constant 0 : i32
    %c0_i32_0 = arith.constant 0 : i32
    %c0_i32_1 = arith.constant 0 : i32
    return %c0_i32, %c0_i32_0 : i32, i32
  }
  func.func @transform_6(%arg0: i32) -> (i32, i32) {
    %c0_i32 = arith.constant 0 : i32
    %c0_i32_0 = arith.constant 0 : i32
    return %arg0, %c0_i32 : i32, i32
  }
}

module attributes {stable_mosaic.version = 14 : i64} {
  func.func @_gru_last_body(%arg0: i32, %arg1: memref<632x160xf32, #tpu.memory_space<vmem>>, %arg2: memref<632x160xf32, #tpu.memory_space<vmem>>, %arg3: memref<632x160xf32, #tpu.memory_space<vmem>>, %arg4: memref<160x480xf32, #tpu.memory_space<vmem>>, %arg5: memref<160x480xf32, #tpu.memory_space<vmem>>, %arg6: memref<1x480xf32, #tpu.memory_space<vmem>>, %arg7: memref<1x480xf32, #tpu.memory_space<vmem>>, %arg8: memref<160x80xf32, #tpu.memory_space<vmem>>, %arg9: memref<1x80xf32, #tpu.memory_space<vmem>>, %arg10: memref<80x80xf32, #tpu.memory_space<vmem>>, %arg11: memref<1x80xf32, #tpu.memory_space<vmem>>, %arg12: memref<80x16xf32, #tpu.memory_space<vmem>>, %arg13: memref<1x16xf32, #tpu.memory_space<vmem>>, %arg14: memref<1x16xf32, #tpu.memory_space<vmem>>, %arg15: memref<1x160xf32, #tpu.memory_space<vmem>>) attributes {dimension_semantics = [#tpu.dimension_semantics<arbitrary>], iteration_bounds = array<i64: 16>, scalar_prefetch = 0 : i64, scratch_operands = 1 : i64, tpu.core_type = #tpu.core_type<tc>, window_params = [{transform_indices = @transform_0, window_bounds = array<i64: 632, 160>}, {transform_indices = @transform_1, window_bounds = array<i64: 632, 160>}, {transform_indices = @transform_2, window_bounds = array<i64: 632, 160>}, {pipeline_mode = #tpu.pipeline_mode<synchronous>, transform_indices = @transform_3, window_bounds = array<i64: 160, 480>}, {pipeline_mode = #tpu.pipeline_mode<synchronous>, transform_indices = @transform_4, window_bounds = array<i64: 160, 480>}, {pipeline_mode = #tpu.pipeline_mode<synchronous>, transform_indices = @transform_5, window_bounds = array<i64: 1, 480>}, {pipeline_mode = #tpu.pipeline_mode<synchronous>, transform_indices = @transform_6, window_bounds = array<i64: 1, 480>}, {pipeline_mode = #tpu.pipeline_mode<synchronous>, transform_indices = @transform_7, window_bounds = array<i64: 160, 80>}, {pipeline_mode = #tpu.pipeline_mode<synchronous>, transform_indices = @transform_8, window_bounds = array<i64: 1, 80>}, {pipeline_mode = #tpu.pipeline_mode<synchronous>, transform_indices = @transform_9, window_bounds = array<i64: 80, 80>}, {pipeline_mode = #tpu.pipeline_mode<synchronous>, transform_indices = @transform_10, window_bounds = array<i64: 1, 80>}, {pipeline_mode = #tpu.pipeline_mode<synchronous>, transform_indices = @transform_11, window_bounds = array<i64: 80, 16>}, {pipeline_mode = #tpu.pipeline_mode<synchronous>, transform_indices = @transform_12, window_bounds = array<i64: 1, 16>}, {pipeline_mode = #tpu.pipeline_mode<synchronous>, transform_indices = @transform_13, window_bounds = array<i64: 1, 16>}]} {
    %get3A = arith.constant 0 : index
    %get3A_0 = arith.constant 0 : index
    %get3A_1 = vector.load %arg1[%get3A, %get3A_0] : memref<632x160xf32, #tpu.memory_space<vmem>>, vector<632x160xf32>
    %get3A_2 = arith.constant 0 : index
    %get3A_3 = arith.constant 0 : index
    %get3A_4 = vector.load %arg2[%get3A_2, %get3A_3] : memref<632x160xf32, #tpu.memory_space<vmem>>, vector<632x160xf32>
    %add3A = arith.addf %get3A_1, %get3A_4 : vector<632x160xf32>
    %get3A_5 = arith.constant 0 : index
    %get3A_6 = arith.constant 0 : index
    %get3A_7 = vector.load %arg3[%get3A_5, %get3A_6] : memref<632x160xf32, #tpu.memory_space<vmem>>, vector<632x160xf32>
    %get3A_8 = arith.constant 0 : index
    %get3A_9 = arith.constant 0 : index
    %get3A_10 = vector.load %arg4[%get3A_8, %get3A_9] : memref<160x480xf32, #tpu.memory_space<vmem>>, vector<160x480xf32>
    %dot_general3A = arith.constant dense<0.000000e+00> : vector<632x480xf32>
    %dot_general3A_11 = tpu.matmul %add3A, %get3A_10, %dot_general3A {dimension_numbers = #tpu.dot_dimension_numbers<[1], [0], [0], [1], [0, 0, 1, 1], [], []>, transpose_lhs_hint = false} : vector<632x160xf32>, vector<160x480xf32>, vector<632x480xf32> -> vector<632x480xf32>
    %get3A_12 = arith.constant 0 : index
    %get3A_13 = arith.constant 0 : index
    %get3A_14 = vector.load %arg6[%get3A_12, %get3A_13] : memref<1x480xf32, #tpu.memory_space<vmem>>, vector<1x480xf32>
    %add3A_15 = vector.broadcast %get3A_14 : vector<1x480xf32> to vector<632x480xf32>
    %add3A_16 = arith.addf %dot_general3A_11, %add3A_15 : vector<632x480xf32>
    %get3A_17 = arith.constant 0 : index
    %get3A_18 = arith.constant 0 : index
    %get3A_19 = vector.load %arg5[%get3A_17, %get3A_18] : memref<160x480xf32, #tpu.memory_space<vmem>>, vector<160x480xf32>
    %dot_general3A_20 = arith.constant dense<0.000000e+00> : vector<632x480xf32>
    %dot_general3A_21 = tpu.matmul %get3A_7, %get3A_19, %dot_general3A_20 {dimension_numbers = #tpu.dot_dimension_numbers<[1], [0], [0], [1], [0, 0, 1, 1], [], []>, transpose_lhs_hint = false} : vector<632x160xf32>, vector<160x480xf32>, vector<632x480xf32> -> vector<632x480xf32>
    %get3A_22 = arith.constant 0 : index
    %get3A_23 = arith.constant 0 : index
    %get3A_24 = vector.load %arg7[%get3A_22, %get3A_23] : memref<1x480xf32, #tpu.memory_space<vmem>>, vector<1x480xf32>
    %add3A_25 = vector.broadcast %get3A_24 : vector<1x480xf32> to vector<632x480xf32>
    %add3A_26 = arith.addf %dot_general3A_21, %add3A_25 : vector<632x480xf32>
    %slice3A = vector.extract_strided_slice %add3A_16 {offsets = [0, 0], sizes = [632, 160], strides = [1, 1]} : vector<632x480xf32> to vector<632x160xf32>
    %slice3A_27 = vector.extract_strided_slice %add3A_16 {offsets = [0, 160], sizes = [632, 160], strides = [1, 1]} : vector<632x480xf32> to vector<632x160xf32>
    %slice3A_28 = vector.extract_strided_slice %add3A_16 {offsets = [0, 320], sizes = [632, 160], strides = [1, 1]} : vector<632x480xf32> to vector<632x160xf32>
    %slice3A_29 = vector.extract_strided_slice %add3A_26 {offsets = [0, 0], sizes = [632, 160], strides = [1, 1]} : vector<632x480xf32> to vector<632x160xf32>
    %slice3A_30 = vector.extract_strided_slice %add3A_26 {offsets = [0, 160], sizes = [632, 160], strides = [1, 1]} : vector<632x480xf32> to vector<632x160xf32>
    %slice3A_31 = vector.extract_strided_slice %add3A_26 {offsets = [0, 320], sizes = [632, 160], strides = [1, 1]} : vector<632x480xf32> to vector<632x160xf32>
    %add3A_32 = arith.addf %slice3A, %slice3A_29 : vector<632x160xf32>
    %logistic3A = arith.negf %add3A_32 : vector<632x160xf32>
    %logistic3A_33 = math.exp %logistic3A : vector<632x160xf32>
    %logistic3A_34 = arith.constant 1.000000e+00 : f32
    %logistic3A_35 = vector.broadcast %logistic3A_34 : f32 to vector<632x160xf32>
    %logistic3A_36 = arith.addf %logistic3A_35, %logistic3A_33 : vector<632x160xf32>
    %logistic3A_37 = arith.divf %logistic3A_35, %logistic3A_36 : vector<632x160xf32>
    %add3A_38 = arith.addf %slice3A_27, %slice3A_30 : vector<632x160xf32>
    %logistic3A_39 = arith.negf %add3A_38 : vector<632x160xf32>
    %logistic3A_40 = math.exp %logistic3A_39 : vector<632x160xf32>
    %logistic3A_41 = arith.constant 1.000000e+00 : f32
    %logistic3A_42 = vector.broadcast %logistic3A_41 : f32 to vector<632x160xf32>
    %logistic3A_43 = arith.addf %logistic3A_42, %logistic3A_40 : vector<632x160xf32>
    %logistic3A_44 = arith.divf %logistic3A_42, %logistic3A_43 : vector<632x160xf32>
    %mul3A = arith.mulf %logistic3A_37, %slice3A_31 : vector<632x160xf32>
    %add3A_45 = arith.addf %slice3A_28, %mul3A : vector<632x160xf32>
    %tanh3A = math.tanh %add3A_45 : vector<632x160xf32>
    %sub3A = arith.constant 1.000000e+00 : f32
    %sub3A_46 = vector.broadcast %sub3A : f32 to vector<632x160xf32>
    %sub3A_47 = arith.subf %sub3A_46, %logistic3A_44 : vector<632x160xf32>
    %mul3A_48 = arith.mulf %sub3A_47, %tanh3A : vector<632x160xf32>
    %mul3A_49 = arith.mulf %logistic3A_44, %get3A_7 : vector<632x160xf32>
    %add3A_50 = arith.addf %mul3A_48, %mul3A_49 : vector<632x160xf32>
    %iota3A = tpu.iota {dimensions = array<i32: 0>} : vector<632x1xi32>
    %mul3A_51 = arith.constant 632 : i32
    %mul3A_52 = arith.muli %arg0, %mul3A_51 : i32
    %add3A_53 = vector.broadcast %mul3A_52 : i32 to vector<632x1xi32>
    %add3A_54 = arith.addi %iota3A, %add3A_53 : vector<632x1xi32>
    %lt3A = arith.constant 10000 : i32
    %lt3A_55 = vector.broadcast %lt3A : i32 to vector<632x1xi32>
    %lt3A_56 = arith.cmpi slt, %add3A_54, %lt3A_55 : vector<632x1xi32>
    %jit3A = arith.constant 0.000000e+00 : f32
    %broadcast_in_dim3A = vector.shape_cast %lt3A_56 : vector<632x1xi1> to vector<632x1xi1>
    %broadcast_in_dim3A_57 = vector.broadcast %broadcast_in_dim3A : vector<632x1xi1> to vector<632x160xi1>
    %broadcast_in_dim3A_58 = vector.broadcast %jit3A : f32 to vector<632x160xf32>
    %select_n3A = arith.select %broadcast_in_dim3A_57, %add3A_50, %broadcast_in_dim3A_58 : vector<632x160xi1>, vector<632x160xf32>
    %eq3A = arith.constant 0 : i32
    %eq3A_59 = arith.cmpi eq, %arg0, %eq3A : i32
    %convert_element_type3A = arith.extui %eq3A_59 : i1 to i32
    %cond3A = arith.constant 0 : i32
    %cond3A_60 = arith.cmpi ne, %convert_element_type3A, %cond3A : i32
    scf.if %cond3A_60 {
      %broadcast_in_dim3A_74 = arith.constant 0.000000e+00 : f32
      %broadcast_in_dim3A_75 = vector.broadcast %broadcast_in_dim3A_74 : f32 to vector<1x160xf32>
      %swap3A_76 = arith.constant 0 : index
      %swap3A_77 = arith.constant 0 : index
      %swap3A_78 = vector.load %arg15[%swap3A_76, %swap3A_77] : memref<1x160xf32, #tpu.memory_space<vmem>>, vector<1x160xf32>
      tpu.vector_store %arg15[%swap3A_76, %swap3A_77], %broadcast_in_dim3A_75 {strides = array<i32>} : memref<1x160xf32, #tpu.memory_space<vmem>>, vector<1x160xf32>,
    } else {
    }
    %get3A_61 = arith.constant 0 : index
    %get3A_62 = arith.constant 0 : index
    %get3A_63 = vector.load %arg15[%get3A_61, %get3A_62] : memref<1x160xf32, #tpu.memory_space<vmem>>, vector<1x160xf32>
    %reduce_sum3A = arith.constant dense<0.000000e+00> : vector<160xf32>
    %reduce_sum3A_64 = vector.multi_reduction <add>, %select_n3A, %reduce_sum3A [0] : vector<632x160xf32> to vector<160xf32>
    %broadcast_in_dim3A_65 = vector.shape_cast %reduce_sum3A_64 : vector<160xf32> to vector<1x160xf32>
    %add3A_66 = arith.addf %get3A_63, %broadcast_in_dim3A_65 : vector<1x160xf32>
    %swap3A = arith.constant 0 : index
    %swap3A_67 = arith.constant 0 : index
    %swap3A_68 = vector.load %arg15[%swap3A, %swap3A_67] : memref<1x160xf32, #tpu.memory_space<vmem>>, vector<1x160xf32>
    tpu.vector_store %arg15[%swap3A, %swap3A_67], %add3A_66 {strides = array<i32>} : memref<1x160xf32, #tpu.memory_space<vmem>>, vector<1x160xf32>,
    %eq3A_69 = arith.constant 15 : i32
    %eq3A_70 = arith.cmpi eq, %arg0, %eq3A_69 : i32
    %convert_element_type3A_71 = arith.extui %eq3A_70 : i1 to i32
    %cond3A_72 = arith.constant 0 : i32
    %cond3A_73 = arith.cmpi ne, %convert_element_type3A_71, %cond3A_72 : i32
    scf.if %cond3A_73 {
      %get3A_74 = arith.constant 0 : index
      %get3A_75 = arith.constant 0 : index
      %get3A_76 = vector.load %arg15[%get3A_74, %get3A_75] : memref<1x160xf32, #tpu.memory_space<vmem>>, vector<1x160xf32>
      %log3A = math.log %get3A_76 : vector<1x160xf32>
      %ne3A = arith.cmpf one, %log3A, %log3A : vector<1x160xf32>
      %jit3A_77 = arith.constant 0.000000e+00 : f32
      %broadcast_in_dim3A_78 = vector.broadcast %jit3A_77 : f32 to vector<1x160xf32>
      %select_n3A_79 = arith.select %ne3A, %broadcast_in_dim3A_78, %log3A : vector<1x160xi1>, vector<1x160xf32>
      %max3A = arith.constant 0.000000e+00 : f32
      %max3A_80 = vector.broadcast %max3A : f32 to vector<1x160xf32>
      %max3A_81 = arith.maximumf %select_n3A_79, %max3A_80 : vector<1x160xf32>
      %get3A_82 = arith.constant 0 : index
      %get3A_83 = arith.constant 0 : index
      %get3A_84 = vector.load %arg8[%get3A_82, %get3A_83] : memref<160x80xf32, #tpu.memory_space<vmem>>, vector<160x80xf32>
      %dot_general3A_85 = arith.constant dense<0.000000e+00> : vector<1x80xf32>
      %dot_general3A_86 = tpu.matmul %max3A_81, %get3A_84, %dot_general3A_85 {dimension_numbers = #tpu.dot_dimension_numbers<[1], [0], [0], [1], [0, 0, 1, 1], [], []>, transpose_lhs_hint = false} : vector<1x160xf32>, vector<160x80xf32>, vector<1x80xf32> -> vector<1x80xf32>
      %get3A_87 = arith.constant 0 : index
      %get3A_88 = arith.constant 0 : index
      %get3A_89 = vector.load %arg9[%get3A_87, %get3A_88] : memref<1x80xf32, #tpu.memory_space<vmem>>, vector<1x80xf32>
      %add3A_90 = arith.addf %dot_general3A_86, %get3A_89 : vector<1x80xf32>
      %ge3A = arith.constant 0.000000e+00 : f32
      %ge3A_91 = vector.broadcast %ge3A : f32 to vector<1x80xf32>
      %ge3A_92 = arith.cmpf oge, %add3A_90, %ge3A_91 : vector<1x80xf32>
      %mul3A_93 = arith.constant 0.00999999977 : f32
      %mul3A_94 = vector.broadcast %mul3A_93 : f32 to vector<1x80xf32>
      %mul3A_95 = arith.mulf %mul3A_94, %add3A_90 : vector<1x80xf32>
      %select_n3A_96 = arith.select %ge3A_92, %add3A_90, %mul3A_95 : vector<1x80xi1>, vector<1x80xf32>
      %get3A_97 = arith.constant 0 : index
      %get3A_98 = arith.constant 0 : index
      %get3A_99 = vector.load %arg10[%get3A_97, %get3A_98] : memref<80x80xf32, #tpu.memory_space<vmem>>, vector<80x80xf32>
      %dot_general3A_100 = arith.constant dense<0.000000e+00> : vector<1x80xf32>
      %dot_general3A_101 = tpu.matmul %select_n3A_96, %get3A_99, %dot_general3A_100 {dimension_numbers = #tpu.dot_dimension_numbers<[1], [0], [0], [1], [0, 0, 1, 1], [], []>, transpose_lhs_hint = false} : vector<1x80xf32>, vector<80x80xf32>, vector<1x80xf32> -> vector<1x80xf32>
      %get3A_102 = arith.constant 0 : index
      %get3A_103 = arith.constant 0 : index
      %get3A_104 = vector.load %arg11[%get3A_102, %get3A_103] : memref<1x80xf32, #tpu.memory_space<vmem>>, vector<1x80xf32>
      %add3A_105 = arith.addf %dot_general3A_101, %get3A_104 : vector<1x80xf32>
      %ge3A_106 = arith.constant 0.000000e+00 : f32
      %ge3A_107 = vector.broadcast %ge3A_106 : f32 to vector<1x80xf32>
      %ge3A_108 = arith.cmpf oge, %add3A_105, %ge3A_107 : vector<1x80xf32>
      %mul3A_109 = arith.constant 0.00999999977 : f32
      %mul3A_110 = vector.broadcast %mul3A_109 : f32 to vector<1x80xf32>
      %mul3A_111 = arith.mulf %mul3A_110, %add3A_105 : vector<1x80xf32>
      %select_n3A_112 = arith.select %ge3A_108, %add3A_105, %mul3A_111 : vector<1x80xi1>, vector<1x80xf32>
      %get3A_113 = arith.constant 0 : index
      %get3A_114 = arith.constant 0 : index
      %get3A_115 = vector.load %arg12[%get3A_113, %get3A_114] : memref<80x16xf32, #tpu.memory_space<vmem>>, vector<80x16xf32>
      %dot_general3A_116 = arith.constant dense<0.000000e+00> : vector<1x16xf32>
      %dot_general3A_117 = tpu.matmul %select_n3A_112, %get3A_115, %dot_general3A_116 {dimension_numbers = #tpu.dot_dimension_numbers<[1], [0], [0], [1], [0, 0, 1, 1], [], []>, transpose_lhs_hint = false} : vector<1x80xf32>, vector<80x16xf32>, vector<1x16xf32> -> vector<1x16xf32>
      %get3A_118 = arith.constant 0 : index
      %get3A_119 = arith.constant 0 : index
      %get3A_120 = vector.load %arg13[%get3A_118, %get3A_119] : memref<1x16xf32, #tpu.memory_space<vmem>>, vector<1x16xf32>
      %add3A_121 = arith.addf %dot_general3A_117, %get3A_120 : vector<1x16xf32>
      %swap3A_122 = arith.constant 0 : index
      %swap3A_123 = arith.constant 0 : index
      %swap3A_124 = vector.load %arg14[%swap3A_122, %swap3A_123] : memref<1x16xf32, #tpu.memory_space<vmem>>, vector<1x16xf32>
      tpu.vector_store %arg14[%swap3A_122, %swap3A_123], %add3A_121 {strides = array<i32>} : memref<1x16xf32, #tpu.memory_space<vmem>>, vector<1x16xf32>,
    } else {
    }
    return
  }
  func.func @transform_0(%arg0: i32) -> (i32, i32) {
    %c0_i32 = arith.constant 0 : i32
    %c0_i32_0 = arith.constant 0 : i32
    return %arg0, %c0_i32 : i32, i32
  }
  func.func @transform_1(%arg0: i32) -> (i32, i32) {
    %add3A = arith.constant 16 : i32
    %add3A_0 = arith.addi %add3A, %arg0 : i32
    %c0_i32 = arith.constant 0 : i32
    %c0_i32_1 = arith.constant 0 : i32
    return %add3A_0, %c0_i32 : i32, i32
  }
  func.func @transform_2(%arg0: i32) -> (i32, i32) {
    %c0_i32 = arith.constant 0 : i32
    %c0_i32_0 = arith.constant 0 : i32
    return %arg0, %c0_i32 : i32, i32
  }
  func.func @transform_3(%arg0: i32) -> (i32, i32) {
    %c0_i32 = arith.constant 0 : i32
    %c0_i32_0 = arith.constant 0 : i32
    %c0_i32_1 = arith.constant 0 : i32
    return %c0_i32, %c0_i32_0 : i32, i32
  }
  func.func @transform_4(%arg0: i32) -> (i32, i32) {
    %c0_i32 = arith.constant 0 : i32
    %c0_i32_0 = arith.constant 0 : i32
    %c0_i32_1 = arith.constant 0 : i32
    return %c0_i32, %c0_i32_0 : i32, i32
  }
  func.func @transform_5(%arg0: i32) -> (i32, i32) {
    %c0_i32 = arith.constant 0 : i32
    %c0_i32_0 = arith.constant 0 : i32
    %c0_i32_1 = arith.constant 0 : i32
    return %c0_i32, %c0_i32_0 : i32, i32
  }
  func.func @transform_6(%arg0: i32) -> (i32, i32) {
    %c0_i32 = arith.constant 0 : i32
    %c0_i32_0 = arith.constant 0 : i32
    %c0_i32_1 = arith.constant 0 : i32
    return %c0_i32, %c0_i32_0 : i32, i32
  }
  func.func @transform_7(%arg0: i32) -> (i32, i32) {
    %c0_i32 = arith.constant 0 : i32
    %c0_i32_0 = arith.constant 0 : i32
    %c0_i32_1 = arith.constant 0 : i32
    return %c0_i32, %c0_i32_0 : i32, i32
  }
  func.func @transform_8(%arg0: i32) -> (i32, i32) {
    %c0_i32 = arith.constant 0 : i32
    %c0_i32_0 = arith.constant 0 : i32
    %c0_i32_1 = arith.constant 0 : i32
    return %c0_i32, %c0_i32_0 : i32, i32
  }
  func.func @transform_9(%arg0: i32) -> (i32, i32) {
    %c0_i32 = arith.constant 0 : i32
    %c0_i32_0 = arith.constant 0 : i32
    %c0_i32_1 = arith.constant 0 : i32
    return %c0_i32, %c0_i32_0 : i32, i32
  }
  func.func @transform_10(%arg0: i32) -> (i32, i32) {
    %c0_i32 = arith.constant 0 : i32
    %c0_i32_0 = arith.constant 0 : i32
    %c0_i32_1 = arith.constant 0 : i32
    return %c0_i32, %c0_i32_0 : i32, i32
  }
  func.func @transform_11(%arg0: i32) -> (i32, i32) {
    %c0_i32 = arith.constant 0 : i32
    %c0_i32_0 = arith.constant 0 : i32
    %c0_i32_1 = arith.constant 0 : i32
    return %c0_i32, %c0_i32_0 : i32, i32
  }
  func.func @transform_12(%arg0: i32) -> (i32, i32) {
    %c0_i32 = arith.constant 0 : i32
    %c0_i32_0 = arith.constant 0 : i32
    %c0_i32_1 = arith.constant 0 : i32
    return %c0_i32, %c0_i32_0 : i32, i32
  }
  func.func @transform_13(%arg0: i32) -> (i32, i32) {
    %c0_i32 = arith.constant 0 : i32
    %c0_i32_0 = arith.constant 0 : i32
    %c0_i32_1 = arith.constant 0 : i32
    return %c0_i32, %c0_i32_0 : i32, i32
  }
}

</mosaic_0001>

<sc_bundles>
// kernel: kernel.10.cloned.1.call-start
scs
__scs_entry_jumppad:
0x0: {  	(pc) =	sbr.rel $0x88, $3  }
0x1: {  	(tag) =	ssettag $0x0;
	lr =	simm.s32 $0x1  }
0x2: {  	[smem:$0x3F95] =	sst lr;
	_ =	strace $0xD0000000  }
0x3: {  	_ = 	snop  }
0x4: {  	_ = 	snop  }
0x5: {  	_ = 	snop  }
0x6: {  	_ = 	snop  }
0x7: {  	_ = 	snop  }
__scs_overlays_trampoline_lowered:
0x8: {  	[smem:$0x3FA4] =	sst s0  }
0x9: {  	[smem:$0x3FA5] =	sst s1  }
0xa: {  	[smem:$0x3FA6] =	sst s2  }
0xb: {  	[smem:$0x3FA7] =	sst s3  }
0xc: {  	[smem:$0x3FA8] =	sst s4  }
0xd: {  	[smem:$0x3FA9] =	sst s5  }
0xe: {  	[smem:$0x3FAA] =	sst s6  }
0xf: {  	[smem:$0x3FAB] =	sst s7  }
0x10: {  	[smem:$0x3FAC] =	sst s8  }
0x11: {  	[smem:$0x3FAD] =	sst s9;
	s0 =	simm.s32 @!p0 $0x0  }
0x12: {  	s1 =	sld [smem:$0x3F93];
	s0 =	simm.s32 @p0 $0x1  }
0x13: {  	[smem:$0x3FAE] =	sst s0;
	s0 =	simm.s32 @!p1 $0x0  }
0x14: {  	s2 =	sld [smem:$0x3F92];
	s0 =	simm.s32 @p1 $0x1  }
0x15: {  	[smem:$0x3FAF] =	sst s0;
	s0 =	simm.s32 @!p2 $0x0  }
0x16: {  	s3 =	sld [smem:$0x3FDB];
	s0 =	simm.s32 @p2 $0x1  }
0x17: {  	s4 =	simm.s32 $0x1BF5;
	[smem:$0x3FB1] =	sst s0  }
0x18: {  	s0 =	sld [smem:$0x3F94];
	_ =	swait.ge [sflag:s4], $0x0  }
0x19: {  	s7 =	sld [smem:$0x3F95]  }
0x1a: {  	s8 =	sadd.s32 $0xFFFFE003, lr  }
0x1b: {  	s9 =	sadd.s32 $0xFFFFFEF7, lr;
	s5 =	simm.s32 $0xFFFFFFFF;
	p2 =	slt.u32 s8, $0xFFFFF086  }
0x1c: {  	p1 =	slt.u32 s9, $0xF7A;
	s5 =	simm.s32 @!p2 $0x0  }
0x1d: {  	s5 =	simm.s32 @p1 $0x1;
	p0 =	seq.s32 s7, s2  }
0x1e: {  	s7 =	smul.u32 @!p0 $0xF7A, s2;
	p2 =	seq.s32 @!p0 s5, $0x0  }
0x1f: {  	s9 =	smul.u32 $0xF7A, s1;
	s8 =	simm.s32 @!p0 $0x1BF5;
	p2 =	por !p2, p0  }
0x20: {  	[sflag:s8] =	ssyncset.s32 @!p0 $0xFFFFF086;
	s6 =	sadd.s32 @!p0 s3, s7;
	s7 =	simm.s32 @!p0 $0x108  }
0x21: {  	s3 =	sadd.s32 s3, s9;
	s6 =	sadd.s32 @!p0 $0x88, s6;
	s7 =	simm.s32 @p2 $0x1082  }
0x22: {  	[simem:s7], [sflag:s8] =	dma.local @!p0 [hbm:s6], $0xF7A  }
0x23: {  	s9 =	sor.u32 $0xD0000000, s2;
	s6 =	simm.s32 $0x108;
	_ =	swait.ge @!p0 [sflag:s8], $0x0  }
0x24: {  	s3 =	sadd.s32 $0x88, s3;
	s6 =	simm.s32 @!p1 $0x1082;
	[sflag:s4] =	ssyncset.s32 $0xFFFFF086  }
0x25: {  	[simem:s6], [sflag:s4] =	dma.local [hbm:s3], $0xF7A  }
0x26: {  	[smem:$0x3F95] =	sst s1;
	(tag) =	ssettag s2;
	_ =	strace s9  }
0x27: {  	s1 =	sld [smem:$0x3FA5]  }
0x28: {  	s2 =	sld [smem:$0x3FA6]  }
0x29: {  	s4 =	sld [smem:$0x3FA8]  }
0x2a: {  	p0 =	seq.s32 s5, $0x0;
	s5 =	sld [smem:$0x3FA9]  }
0x2b: {  	s6 =	sld [smem:$0x3FAA]  }
0x2c: {  	s7 =	sld [smem:$0x3FAB]  }
0x2d: {  	s3 =	simm.s32 $0x108;
	s8 =	sld [smem:$0x3FAC]  }
0x2e: {  	s3 =	simm.s32 @!p0 $0x1082;
	s9 =	sld [smem:$0x3FAD]  }
0x2f: {  	lr =	sadd.s32 s0, s3;
	s0 =	sld [smem:$0x3FA4]  }
0x30: {  	s3 =	sld [smem:$0x3FA7]  }
0x31: {  	[smem:$0x3FB0] =	sst s10  }
0x32: {  	s10 =	sld [smem:$0x3FAE];
	_ =	sdelay $0x3  }
0x33: {  	p0 =	seq.s32 s10, $0x1;
	s10 =	sld [smem:$0x3FB0];
	_ =	sdelay $0x3  }
0x34: {  	[smem:$0x3FB0] =	sst s10  }
0x35: {  	s10 =	sld [smem:$0x3FAF];
	_ =	sdelay $0x3  }
0x36: {  	p1 =	seq.s32 s10, $0x1;
	s10 =	sld [smem:$0x3FB0];
	_ =	sdelay $0x3  }
0x37: {  	[smem:$0x3FB0] =	sst s10  }
0x38: {  	s10 =	sld [smem:$0x3FB1]  }
0x39: {  	_ = 	snop;
	(pc) =	sbr.ind lr, $3  }
0x3a: {  	_ = 	snop  }
0x3b: {  	_ = 	snop  }
0x3c: {  	p2 =	seq.s32 s10, $0x1;
	s10 =	sld [smem:$0x3FB0]  }
0x3d: {  	_ =	shalt  }
0x3e: {  	_ =	shalt  }
0x3f: {  	_ =	shalt  }
0x40: {  	_ =	shalt  }
0x41: {  	_ =	shalt  }
0x42: {  	_ =	shalt  }
0x43: {  	_ =	shalt  }
0x44: {  	_ =	shalt  }
0x45: {  	_ =	shalt  }
0x46: {  	_ =	shalt  }
0x47: {  	_ =	shalt  }
0x48: {  	_ =	shalt  }
0x49: {  	_ =	shalt  }
0x4a: {  	_ =	shalt  }
0x4b: {  	_ =	shalt  }
0x4c: {  	_ =	shalt  }
0x4d: {  	_ =	shalt  }
0x4e: {  	_ =	shalt  }
0x4f: {  	_ =	shalt  }
0x50: {  	_ =	shalt  }
0x51: {  	_ =	shalt  }
0x52: {  	_ =	shalt  }
0x53: {  	_ =	shalt  }
0x54: {  	_ =	shalt  }
0x55: {  	_ =	shalt  }
0x56: {  	_ =	shalt  }
0x57: {  	_ =	shalt  }
0x58: {  	_ =	shalt  }
0x59: {  	_ =	shalt  }
0x5a: {  	_ =	shalt  }
0x5b: {  	_ =	shalt  }
0x5c: {  	_ =	shalt  }
0x5d: {  	_ =	shalt  }
0x5e: {  	_ =	shalt  }
0x5f: {  	_ =	shalt  }
0x60: {  	_ =	shalt  }
0x61: {  	_ =	shalt  }
0x62: {  	_ =	shalt  }
0x63: {  	_ =	shalt  }
0x64: {  	_ =	shalt  }
0x65: {  	_ =	shalt  }
0x66: {  	_ =	shalt  }
0x67: {  	_ =	shalt  }
0x68: {  	_ =	shalt  }
0x69: {  	_ =	shalt  }
0x6a: {  	_ =	shalt  }
0x6b: {  	_ =	shalt  }
0x6c: {  	_ =	shalt  }
0x6d: {  	_ =	shalt  }
0x6e: {  	_ =	shalt  }
0x6f: {  	_ =	shalt  }
0x70: {  	_ =	shalt  }
0x71: {  	_ =	shalt  }
0x72: {  	_ =	shalt  }
0x73: {  	_ =	shalt  }
0x74: {  	_ =	shalt  }
0x75: {  	_ =	shalt  }
0x76: {  	_ =	shalt  }
0x77: {  	_ =	shalt  }
0x78: {  	_ =	shalt  }
0x79: {  	_ =	shalt  }
0x7a: {  	_ =	shalt  }
0x7b: {  	_ =	shalt  }
0x7c: {  	_ =	shalt  }
0x7d: {  	_ =	shalt  }
0x7e: {  	_ =	shalt  }
0x7f: {  	_ =	shalt  }
0x80: {  	_ =	shalt  }
0x81: {  	_ =	shalt  }
0x82: {  	_ =	shalt  }
0x83: {  	_ =	shalt  }
0x84: {  	_ =	shalt  }
0x85: {  	_ =	shalt  }
0x86: {  	_ =	shalt  }
0x87: {  	_ =	shalt  }
.Lfunc_end0:
.L_simem_size_0:
called_computation_lowered:
.L_overlay_start_0:
0x88: {  	s2 =	sld [smem:$0x3FD9]  }
0x89: {  	s3 =	sld [smem:$0x3FFE];
	_ =	sdelay $0x1  }
0x8a: {  	s1 =	srdreg.scid  }
0x8b: {  	s0 =	sand.u32 $0x1, s1  }
0x8c: {  	s16 =	sshll.u32 s0, $0xA;
	s2 =	sadd.s32 s3, s2  }
0x8d: {  	s2 =	sadd.s32 s2, s16  }
0x8e: {  	[smem:$0x3FBC] =	sst s2  }
0x8f: {  	_ = 	snop  }
0x90: {  	(tm) =	ssettm $0x1  }
0x91: {  	s17 =	sld [smem:$0x3FFB];
	_ =	sdelay $0x3  }
0x92: {  	_ =	strace s17  }
0x93: {  	s2 =	sld [smem:$0x3FFC];
	_ =	sdelay $0x3  }
0x94: {  	_ =	strace s2  }
0x95: {  	s2 =	sld [smem:$0x3FFD];
	_ =	sdelay $0x3  }
0x96: {  	_ =	strace s2  }
0x97: {  	_ =	strace $0x8FFFFFFF  }
0x98: {  	s18 =	sld [smem:$0x3FDB];
	_ =	sdelay $0x1  }
0x99: {  	s19 =	simm.s32 $_scs_section_size  }
0x9a: {  	s4 =	simm.s32 $_size__tile_overlayer_lowered;
	s5 =	simm.s32 $_tile_overlayer_lowered  }
0x9b: {  	s22 =	simm.s32 $0x1BFF;
	s21 =	sshll.u32 s5, $0x1;
	s2 =	sadd.s32 s19, s18  }
0x9c: {  	s6 =	simm.s32 $0x0;
	s20 =	sshll.u32 s4, $0x1;
	s4 =	sadd.s32 s21, s2  }
0x9d: {  	[timem:s6], [sflag:s22] =	dma.local [hbm:s4], s20  }
0x9e: {  	_ =	swait.ge [sflag:s22], s20  }
0x9f: {  	s3 =	ssub.s32 $0x0, s20;
	[sflag:s22] =	ssyncset.done $0x0  }
0xa0: {  	[sflag:s22] =	ssyncadd.s32 s3;
	_ =	sdelay $0x1  }
0xa1: {  	s23 =	simm.s32 $0x1B8B  }
0xa2: {  	_ =	swait.ge [sflag:s23], $0x1  }
0xa3: {  	[sflag:s23] =	ssyncset.done $0x0  }
0xa4: {  	s25 =	simm.s32 $0x1B8E;
	s24 =	sld [smem:$0x3FFE];
	[sflag:s23] =	ssyncadd.s32 $0xFFFFFFFF  }
0xa5: {  	s26 =	simm.s32 $execute0_lowered;
	[smem:$0x3FD2] =	sst s25  }
0xa6: {  	s4 =	sshll.u32 s26, $0x1;
	_ =	strace $0x80000046;
	[dreg:$0x1] =	wrdreg $0xFFFFFFFF  }
0xa7: {  	s28 =	simm.s32 $_size_execute0_lowered;
	s2 =	sadd.s32 s2, s4;
	[dreg:$0x0] =	wrdreg $0x0  }
0xa8: {  	s4 =	sshll.u32 s28, $0x1;
	[dreg:$0x2] =	wrdreg s2  }
0xa9: {  	[dreg:$0x3] =	wrdreg s4  }
0xaa: {  	[dreg:$0x4] =	wrdreg $0xC0  }
0xab: {  	_ =	task [dreg:s6], $0x5FFFF  }
0xac: {  	[dreg:$0x1] =	wrdreg $0xFFFFFFFF  }
0xad: {  	[dreg:$0x0] =	wrdreg $0x60  }
0xae: {  	[dreg:$0x2] =	wrdreg s24  }
0xaf: {  	[dreg:$0x3] =	wrdreg $0x73A00  }
0xb0: {  	[dreg:$0x4] =	wrdreg $0x9  }
0xb1: {  	_ =	task.clear_ibuf [dreg:s6], $0x5FFFF;
	_ =	strace $0x90000046  }
0xb2: {  	s29 =	simm.s32 $0x9;
	_ =	strace $0x80000048  }
0xb3: {  	_ =	swait.ge [sflag:s29], $0x1  }
0xb4: {  	[sflag:s29] =	ssyncadd.s32 $0xFFFFFFFF  }
0xb5: {  	_ =	strace $0x90000048  }
0xb6: {  	_ =	sfence  }
0xb7: {  	s30 =	sld [smem:$0x0];
	_ =	sdelay $0x2  }
0xb8: {  	s31 =	sshll.u32 s1, $0xD;
	s1 =	sshrl.u32 s1, $0x2  }
0xb9: {  	s3 =	sand.u32 $0x4000, s31;
	s1 =	sadd.s32 s1, s30  }
0xba: {  	s0 =	sor.u32 s3, s0;
	s1 =	sshll.u32 s1, $0x11  }
0xbb: {  	s0 =	sor.u32 s1, s0  }
0xbc: {  	s0 =	sadd.s32 $0x8F2B, s0  }
0xbd: {  	[sflag:s0] =	ssyncadd.remote.s32 $0x1  }
0xbe: {  	_ =	sfence.sel $0xFFFF  }
0xbf: {  	[dreg:$0x0] =	wrdreg $0xFFFFFFFF;
	(pc) =	sbr.abs _section_cstart, $3  }
0xc0: {  	[dreg:$0x1] =	wrdreg $0xFFFFFFFF  }
0xc1: {  	_ =	task.clear_ibuf [dreg:s6], $0x2FFFF;
	_ =	strace $0x9FFFFFFF  }
0xc2: {  	(tm) =	ssettm $0x7FFFFFFF  }
0xc3: {  	_ =	shalt  }
tec
execute0_lowered:
.L_overlay_start_1:
0x0: {  	(tag) =	ssettag $0x1  }
0x1: {  	s0 =	rddreg [dreg:$0x0]  }
0x2: {  	s2 =	rddreg [dreg:$0x1];
	s1 =	srdreg.scid  }
0x3: {  	s10 =	stileid.u32;
	s3 =	simm.s32 $0x0;
	s18 =	simm.s32 $0xFA0  }
0x4: {  	s19 =	simm.s32 $0x3;
	s20 =	simm.s32 $0x7D0;
	s21 =	simm.s32 $0x1  }
0x5: {  	s22 =	simm.s32 $0x2;
	s23 =	simm.s32 $0x50;
	s24 =	simm.s32 $0x41A0  }
0x6: {  	s25 =	simm.s32 $0xEB0;
	s26 =	simm.s32 $0x780;
	s28 =	simm.s32 $0xF00  }
0x7: {  	s29 =	simm.s32 $0xF50;
	s1 =	sand.u32 $0x1, s1;
	s6 =	smul.u32 $0x3160, s10  }
0x8: {  	[smem:$0x7FF] =	sst s3;
	s4 =	sadd.s32 $0x14E00, s0;
	s8 =	smul.u32 $0x62C00, s10  }
0x9: {  	s5 =	sadd.s32 $0xB000, s0;
	s10 =	sshll.u32 s10, $0x1;
	s7 =	smul.u32 $0x31600, s1  }
0xa: {  	_ =	strace $0x80000047;
	s31 =	ssub.s32 $0x2, s1;
	s1 =	sor.u32 s1, s10  }
0xb: {  	s9 =	sshrl.u32 s31, $0x1;
	s8 =	sshrl.u32 s8, $0x2;
	s7 =	sadd.s32 s6, s7  }
0xc: {  	s6 =	sadd.s32 $0x1200, s0;
	s11 =	ssub.s32 s31, s9;
	s9 =	smul.u32 $0x2710, s1  }
0xd: {  	s0 =	sadd.s32 s7, s0;
	s7 =	sadd.s32 s8, s2;
	s11 =	smax.u32 s11, $0x1  }
0xe: {  	s8 =	sadd.s32 $0x15E00, s7;
	s10 =	sadd.s32 $0x45C00, s0;
	s12 =	sadd.s32 $0x3200, s7  }
0xf: {  	s13 =	sadd.s32 $0x6400, s7;
	s14 =	sadd.s32 $0x9600, s7;
	s15 =	sadd.s32 $0xC800, s7  }
0x10: {  	v0 =	vimm.f32 $0.0e+00;
	s16 =	sadd.s32 $0xFA00, s7;
	s17 =	sadd.s32 $0x12C00, s7;
	[dreg:$0x3] =	wrdreg s8  }
.LBB2_1:
0x11: {  	s0 =	simm.s32 $0x90;
	s30 =	simm.s32 $0x4C0  }
.LBB2_2:
0x12: {  	p0 =	sne.s32 s30, $0xC7C0;
	[tilespmem:s0+$0xFA0] =	vst v0  }
0x13: {  	[tilespmem:s0+$0xF10] =	vst v0  }
0x14: {  	[tilespmem:s0+$0xF20] =	vst v0  }
0x15: {  	[tilespmem:s0+$0xF30] =	vst v0  }
0x16: {  	[tilespmem:s0+$0xF40] =	vst v0  }
.Ltmp0:
0x17: {  	[tilespmem:s0+$0xF50] =	vst v0;
	(pc) =	sbr.rel @p0 .LBB2_2-.Ltmp0, $4  }
0x18: {  	[tilespmem:s0+$0xF60] =	vst v0  }
0x19: {  	[tilespmem:s0+$0xF70] =	vst v0  }
0x1a: {  	[tilespmem:s0+$0xF80] =	vst v0  }
0x1b: {  	[tilespmem:s0+$0xF90] =	vst v0;
	s0 =	sshra.s32 s30, $0x2;
	s30 =	sadd.s32 $0x280, s30  }
0x1c: {  	[tilespmem:s0+$0xFA0] =	vst v0  }
0x1d: {  	[tilespmem:s0+$0xF10] =	vst v0  }
0x1e: {  	[tilespmem:s0+$0xF20] =	vst v0  }
0x1f: {  	[tilespmem:s0+$0xF30] =	vst v0  }
0x20: {  	[tilespmem:s0+$0xF40] =	vst v0  }
0x21: {  	[tilespmem:s0+$0xF50] =	vst v0  }
0x22: {  	[tilespmem:s0+$0xF60] =	vst v0  }
0x23: {  	[tilespmem:s0+$0xF70] =	vst v0  }
0x24: {  	[tilespmem:s0+$0xF80] =	vst v0  }
0x25: {  	[tilespmem:s0+$0xF90] =	vst v0  }
0x26: {  	[spmem:s7] =	stream.linear.scatter [tilespmem:s18], [sflag:$0x3], $0x3200, $0x38;
	[tilespmem:$0x1FEA0] =	vst v63  }
0x27: {  	_ =	swait.ge [sflag:s19], $0x3200  }
0x28: {  	[sflag:s19] =	ssyncset.done $0x0  }
0x29: {  	[sflag:s19] =	ssyncadd.s32 $0xFFFFCE00  }
0x2a: {  	[spmem:s12] =	stream.linear.scatter [tilespmem:s18], [sflag:$0x3], $0x3200, $0x38;
	[tilespmem:$0x1FEA0] =	vst v63  }
0x2b: {  	_ =	swait.ge [sflag:s19], $0x3200  }
0x2c: {  	[sflag:s19] =	ssyncset.done $0x0  }
0x2d: {  	[sflag:s19] =	ssyncadd.s32 $0xFFFFCE00  }
0x2e: {  	[spmem:s13] =	stream.linear.scatter [tilespmem:s18], [sflag:$0x3], $0x3200, $0x38;
	[tilespmem:$0x1FEA0] =	vst v63  }
0x2f: {  	_ =	swait.ge [sflag:s19], $0x3200  }
0x30: {  	[sflag:s19] =	ssyncset.done $0x0  }
0x31: {  	[sflag:s19] =	ssyncadd.s32 $0xFFFFCE00  }
0x32: {  	[spmem:s14] =	stream.linear.scatter [tilespmem:s18], [sflag:$0x3], $0x3200, $0x38;
	[tilespmem:$0x1FEA0] =	vst v63  }
0x33: {  	_ =	swait.ge [sflag:s19], $0x3200  }
0x34: {  	[sflag:s19] =	ssyncset.done $0x0  }
0x35: {  	[sflag:s19] =	ssyncadd.s32 $0xFFFFCE00  }
0x36: {  	[spmem:s15] =	stream.linear.scatter [tilespmem:s18], [sflag:$0x3], $0x3200, $0x38;
	[tilespmem:$0x1FEA0] =	vst v63  }
0x37: {  	_ =	swait.ge [sflag:s19], $0x3200  }
0x38: {  	[sflag:s19] =	ssyncset.done $0x0  }
0x39: {  	[sflag:s19] =	ssyncadd.s32 $0xFFFFCE00  }
0x3a: {  	[spmem:s16] =	stream.linear.scatter [tilespmem:s18], [sflag:$0x3], $0x3200, $0x38;
	[tilespmem:$0x1FEA0] =	vst v63  }
0x3b: {  	_ =	swait.ge [sflag:s19], $0x3200  }
0x3c: {  	[sflag:s19] =	ssyncset.done $0x0  }
0x3d: {  	[sflag:s19] =	ssyncadd.s32 $0xFFFFCE00  }
0x3e: {  	[spmem:s17] =	stream.linear.scatter [tilespmem:s18], [sflag:$0x3], $0x3200, $0x38;
	[tilespmem:$0x1FEA0] =	vst v63  }
0x3f: {  	_ =	swait.ge [sflag:s19], $0x3200  }
0x40: {  	[sflag:s19] =	ssyncset.done $0x0  }
0x41: {  	s8 =	rddreg [dreg:$0x3];
	[sflag:s19] =	ssyncadd.s32 $0xFFFFCE00  }
0x42: {  	[spmem:s8] =	stream.linear.scatter [tilespmem:s18], [sflag:$0x3], $0x2D00, $0x38;
	[tilespmem:$0x1FEA0] =	vst v63  }
0x43: {  	_ =	swait.ge [sflag:s19], $0x2D00  }
0x44: {  	[sflag:s19] =	ssyncset.done $0x0  }
0x45: {  	[sflag:s19] =	ssyncadd.s32 $0xFFFFD300  }
0x46: {  	s30 =	simm.s32 $0x0;
	s31 =	simm.s32 $0x0;
	[bflag:$0x0] =	sbarrier.arrive $0xFFFF  }
.LBB2_4:
0x47: {  	s0 =	smul.u32 $0x7D0, s31;
	_ =	sdelay $0x1  }
0x48: {  	s0 =	sadd.s32 s9, s0  }
0x49: {  	s0 =	sshrl.u32 s0, $0x3  }
0x4a: {  	s1 =	sadd.s32 s5, s0  }
0x4b: {  	[tilespmem:s30], [sflag:$0x1] =	stream.linear.gather [hbm4b:s1+s30], $0x7D0, $0x38;
	[tilespmem:$0x1FEA0] =	vst v63  }
0x4c: {  	s0 =	sadd.s32 s6, s0  }
0x4d: {  	[tilespmem:s20], [sflag:$0x2] =	stream.linear.gather [hbm4b:s0+s30], $0x7D0, $0x38;
	[tilespmem:$0x1FEA0] =	vst v63  }
0x4e: {  	_ =	swait.ge [sflag:s21], $0x7D0  }
0x4f: {  	[sflag:s21] =	ssyncset.done $0x0  }
0x50: {  	[sflag:s21] =	ssyncadd.s32 $0xFFFFF830  }
0x51: {  	_ =	swait.ge [sflag:s22], $0x7D0  }
0x52: {  	[sflag:s22] =	ssyncset.done $0x0  }
0x53: {  	[sflag:s22] =	ssyncadd.s32 $0xFFFFF830  }
0x54: {  	[tilespmem:s18], [sflag:$0x1] =	stream.indirect.gather [hbm4b:s4+s23], $0xA0, s30, s23, $0xb8;
	[tilespmem:$0x1FEA0] =	vst v63  }
0x55: {  	_ = 	snop  }
0x56: {  	[tilespmem:s24], [sflag:$0x2] =	stream.indirect.gather [hbm4b:s4+s23], $0xA0, s23, s23, $0xb8;
	[tilespmem:$0x1FEA0] =	vst v63  }
0x57: {  	_ =	swait.ge [sflag:s21], $0x3200  }
0x58: {  	[sflag:s21] =	ssyncset.done $0x0  }
0x59: {  	s8 =	simm.s32 $0x7D0;
	[sflag:s21] =	ssyncadd.s32 $0xFFFFCE00  }
0x5a: {  	[spmem:s2] =	stream.indirect.scatter.add.f32 [tilespmem:s18], [sflag:$0x3], $0xA0, s8, s23, $0xb8;
	[tilespmem:$0x1FEA0] =	vst v63  }
0x5b: {  	_ =	swait.ge [sflag:s19], $0x3200  }
0x5c: {  	[sflag:s19] =	ssyncset.done $0x0  }
0x5d: {  	s1 =	simm.s32 $0xA0;
	[sflag:s19] =	ssyncadd.s32 $0xFFFFCE00  }
0x5e: {  	[tilespmem:s18], [sflag:$0x1] =	stream.indirect.gather [hbm4b:s4+s23], $0xA0, s1, s23, $0xb8;
	[tilespmem:$0x1FEA0] =	vst v63  }
0x5f: {  	_ =	swait.ge [sflag:s22], $0x3200  }
0x60: {  	[sflag:s22] =	ssyncset.done $0x0  }
0x61: {  	s8 =	simm.s32 $0x820;
	[sflag:s22] =	ssyncadd.s32 $0xFFFFCE00  }
0x62: {  	[spmem:s2] =	stream.indirect.scatter.add.f32 [tilespmem:s24], [sflag:$0x3], $0xA0, s8, s23, $0xb8;
	[tilespmem:$0x1FEA0] =	vst v63  }
0x63: {  	_ =	swait.ge [sflag:s19], $0x3200  }
0x64: {  	[sflag:s19] =	ssyncset.done $0x0  }
0x65: {  	s0 =	simm.s32 $0x280;
	s1 =	simm.s32 $0xF0;
	[sflag:s19] =	ssyncadd.s32 $0xFFFFCE00  }
.LBB2_5:
0x66: {  	[tilespmem:s24], [sflag:$0x2] =	stream.indirect.gather [hbm4b:s4+s23], $0xA0, s1, s23, $0xb8;
	[tilespmem:$0x1FEA0] =	vst v63  }
0x67: {  	s1 =	smov.u32 s0  }
0x68: {  	p0 =	sne.s32 s0, $0x1900;
	s0 =	sadd.s32 $0x280, s0;
	_ =	swait.ge [sflag:s21], $0x3200  }
0x69: {  	s1 =	sshra.s32 s1, $0x2;
	[sflag:s21] =	ssyncset.done $0x0  }
0x6a: {  	s8 =	sadd.s32 $0x7D0, s1;
	[sflag:s21] =	ssyncadd.s32 $0xFFFFCE00  }
0x6b: {  	[spmem:s2] =	stream.indirect.scatter.add.f32 [tilespmem:s18], [sflag:$0x3], $0xA0, s8, s23, $0xb8;
	[tilespmem:$0x1FEA0] =	vst v63  }
0x6c: {  	_ =	swait.ge [sflag:s19], $0x3200  }
0x6d: {  	[sflag:s19] =	ssyncset.done $0x0  }
0x6e: {  	s8 =	sadd.s32 $0xA0, s1;
	[sflag:s19] =	ssyncadd.s32 $0xFFFFCE00  }
0x6f: {  	[tilespmem:s18], [sflag:$0x1] =	stream.indirect.gather [hbm4b:s4+s23], $0xA0, s8, s23, $0xb8;
	[tilespmem:$0x1FEA0] =	vst v63  }
0x70: {  	_ =	swait.ge [sflag:s22], $0x3200  }
0x71: {  	[sflag:s22] =	ssyncset.done $0x0  }
.Ltmp1:
0x72: {  	s8 =	sadd.s32 $0x820, s1;
	[sflag:s22] =	ssyncadd.s32 $0xFFFFCE00;
	(pc) =	sbr.rel @p0 .LBB2_5-.Ltmp1, $4  }
0x73: {  	[spmem:s2] =	stream.indirect.scatter.add.f32 [tilespmem:s24], [sflag:$0x3], $0xA0, s8, s23, $0xb8;
	[tilespmem:$0x1FEA0] =	vst v63  }
0x74: {  	_ =	swait.ge [sflag:s19], $0x3200  }
0x75: {  	[sflag:s19] =	ssyncset.done $0x0  }
0x76: {  	s1 =	sadd.s32 $0xF0, s1;
	[sflag:s19] =	ssyncadd.s32 $0xFFFFCE00  }
0x77: {  	[tilespmem:s24], [sflag:$0x2] =	stream.indirect.gather [hbm4b:s4+s23], $0xA0, s1, s23, $0xb8;
	[tilespmem:$0x1FEA0] =	vst v63  }
0x78: {  	_ =	swait.ge [sflag:s21], $0x3200  }
0x79: {  	[sflag:s21] =	ssyncset.done $0x0  }
0x7a: {  	[sflag:s21] =	ssyncadd.s32 $0xFFFFCE00  }
0x7b: {  	[spmem:s2] =	stream.indirect.scatter.add.f32 [tilespmem:s18], [sflag:$0x3], $0xA0, s25, s23, $0xb8;
	[tilespmem:$0x1FEA0] =	vst v63  }
0x7c: {  	_ =	swait.ge [sflag:s19], $0x3200  }
0x7d: {  	[sflag:s19] =	ssyncset.done $0x0  }
0x7e: {  	[sflag:s19] =	ssyncadd.s32 $0xFFFFCE00  }
0x7f: {  	[tilespmem:s18], [sflag:$0x1] =	stream.indirect.gather [hbm4b:s4+s23], $0xA0, s26, s23, $0xb8;
	[tilespmem:$0x1FEA0] =	vst v63  }
0x80: {  	_ =	swait.ge [sflag:s22], $0x3200  }
0x81: {  	[sflag:s22] =	ssyncset.done $0x0  }
0x82: {  	[sflag:s22] =	ssyncadd.s32 $0xFFFFCE00  }
0x83: {  	[spmem:s2] =	stream.indirect.scatter.add.f32 [tilespmem:s24], [sflag:$0x3], $0xA0, s28, s23, $0xb8;
	[tilespmem:$0x1FEA0] =	vst v63  }
0x84: {  	_ =	swait.ge [sflag:s19], $0x3200  }
0x85: {  	[sflag:s19] =	ssyncset.done $0x0  }
0x86: {  	[sflag:s19] =	ssyncadd.s32 $0xFFFFCE00  }
0x87: {  	s31 =	sadd.s32 $0x1, s31;
	_ =	swait.ge [sflag:s21], $0x3200  }
0x88: {  	p0 =	sne.s32 s31, $0x5;
	[sflag:s21] =	ssyncset.done $0x0  }
.Ltmp2:
0x89: {  	[sflag:s21] =	ssyncadd.s32 $0xFFFFCE00;
	(pc) =	sbr.rel @p0 .LBB2_4-.Ltmp2, $4  }
0x8a: {  	[spmem:s2] =	stream.indirect.scatter.add.f32 [tilespmem:s18], [sflag:$0x3], $0xA0, s29, s23, $0xb8;
	[tilespmem:$0x1FEA0] =	vst v63  }
0x8b: {  	_ =	swait.ge [sflag:s19], $0x3200  }
0x8c: {  	[sflag:s19] =	ssyncset.done $0x0  }
0x8d: {  	[sflag:s19] =	ssyncadd.s32 $0xFFFFCE00  }
0x8e: {  	s0 =	stileid.u32;
	s3 =	sadd.s32 $0x1, s3  }
0x8f: {  	[bflag:$0x0] =	sbarrier.arrive $0xFFFF;
	s0 =	sshll.u32 s0, $0x6;
	p0 =	sne.s32 s3, s11  }
.Ltmp3:
0x90: {  	s1 =	sshrl.u32 s7, $0x3;
	s0 =	sor.u32 $0x1C03, s0;
	(pc) =	sbr.rel @p0 .LBB2_1-.Ltmp3, $4  }
0x91: {  	[hbm:s10], [sflag:s0] =	dma.local [spmem:s1], $0x3160  }
0x92: {  	_ =	swait.ge [sflag:s19], $0x3160  }
0x93: {  	[sflag:s19] =	ssyncset.done $0x0  }
0x94: {  	[sflag:s19] =	ssyncadd.s32 $0xFFFFCEA0  }
0x95: {  	_ =	sfence.sel $0x180000  }
0x96: {  	[bflag:$0x0] =	sbarrier.arrive $0xFFFF  }
0x97: {  	_ =	strace $0x90000047  }
0x98: {  	s0 =	stileid.u32;
	[bflag:$0x2] =	sbarrier.arrive $0xFFFF  }
0x99: {  	p0 =	sne.s32 s0, $0x0;
	s0 =	rddreg [dreg:$0x2]  }
0x9a: {  	s0 =	sadd.s32 @!p0 $0x100000, s0  }
0x9b: {  	[sflag:s0] =	ssyncadd.tile.s32 @!p0 $0x1;
	_ =	shalt  }
.Lfunc_end2:
_tile_overlayer_lowered:
.L_overlay_start_2:
0x9c: {  	(tag) =	ssettag $0x2  }
0x9d: {  	s0 =	rddreg [dreg:$0x0];
	s2 =	stileid.u32  }
0x9e: {  	s1 =	rddreg [dreg:$0x1];
	p0 =	sne.s32 s2, $0x0  }
0x9f: {  	s3 =	rddreg [dreg:$0x2];
	[bflag:$0x3] =	sbarrier.arrive $0xFFFF;
	s2 =	simm.s32 @!p0 $0x1C03  }
0xa0: {  	[timem:s3], [sflag:s2] =	dma.local @!p0 [hbm:s0], s1  }
0xa1: {  	s0 =	simm.s32 @!p0 $0x3  }
0xa2: {  	_ =	swait.ge @!p0 [sflag:s0], s1  }
0xa3: {  	s1 =	ssub.s32 @!p0 $0x0, s1;
	[sflag:s0] =	ssyncset.done @!p0 $0x0  }
0xa4: {  	[sflag:s0] =	ssyncadd.s32 @!p0 s1  }
0xa5: {  	[bflag:$0x3] =	sbarrier.arrive $0xFFFF  }
0xa6: {  	_ =	shalt  }

// kernel: kernel.13.cloned.1.call-start
scs
__scs_entry_jumppad:
0x0: {  	(pc) =	sbr.rel $0x88, $3  }
0x1: {  	(tag) =	ssettag $0x0;
	lr =	simm.s32 $0x1  }
0x2: {  	[smem:$0x3F95] =	sst lr;
	_ =	strace $0xD0000000  }
0x3: {  	_ = 	snop  }
0x4: {  	_ = 	snop  }
0x5: {  	_ = 	snop  }
0x6: {  	_ = 	snop  }
0x7: {  	_ = 	snop  }
__scs_overlays_trampoline_lowered:
0x8: {  	[smem:$0x3FA4] =	sst s0  }
0x9: {  	[smem:$0x3FA5] =	sst s1  }
0xa: {  	[smem:$0x3FA6] =	sst s2  }
0xb: {  	[smem:$0x3FA7] =	sst s3  }
0xc: {  	[smem:$0x3FA8] =	sst s4  }
0xd: {  	[smem:$0x3FA9] =	sst s5  }
0xe: {  	[smem:$0x3FAA] =	sst s6  }
0xf: {  	[smem:$0x3FAB] =	sst s7  }
0x10: {  	[smem:$0x3FAC] =	sst s8  }
0x11: {  	[smem:$0x3FAD] =	sst s9;
	s0 =	simm.s32 @!p0 $0x0  }
0x12: {  	s1 =	sld [smem:$0x3F93];
	s0 =	simm.s32 @p0 $0x1  }
0x13: {  	[smem:$0x3FAE] =	sst s0;
	s0 =	simm.s32 @!p1 $0x0  }
0x14: {  	s2 =	sld [smem:$0x3F92];
	s0 =	simm.s32 @p1 $0x1  }
0x15: {  	[smem:$0x3FAF] =	sst s0;
	s0 =	simm.s32 @!p2 $0x0  }
0x16: {  	s3 =	sld [smem:$0x3FDB];
	s0 =	simm.s32 @p2 $0x1  }
0x17: {  	s4 =	simm.s32 $0x1BF5;
	[smem:$0x3FB1] =	sst s0  }
0x18: {  	s0 =	sld [smem:$0x3F94];
	_ =	swait.ge [sflag:s4], $0x0  }
0x19: {  	s7 =	sld [smem:$0x3F95]  }
0x1a: {  	s8 =	sadd.s32 $0xFFFFE003, lr  }
0x1b: {  	s9 =	sadd.s32 $0xFFFFFEF7, lr;
	s5 =	simm.s32 $0xFFFFFFFF;
	p2 =	slt.u32 s8, $0xFFFFF086  }
0x1c: {  	p1 =	slt.u32 s9, $0xF7A;
	s5 =	simm.s32 @!p2 $0x0  }
0x1d: {  	s5 =	simm.s32 @p1 $0x1;
	p0 =	seq.s32 s7, s2  }
0x1e: {  	s7 =	smul.u32 @!p0 $0xF7A, s2;
	p2 =	seq.s32 @!p0 s5, $0x0  }
0x1f: {  	s9 =	smul.u32 $0xF7A, s1;
	s8 =	simm.s32 @!p0 $0x1BF5;
	p2 =	por !p2, p0  }
0x20: {  	[sflag:s8] =	ssyncset.s32 @!p0 $0xFFFFF086;
	s6 =	sadd.s32 @!p0 s3, s7;
	s7 =	simm.s32 @!p0 $0x108  }
0x21: {  	s3 =	sadd.s32 s3, s9;
	s6 =	sadd.s32 @!p0 $0x88, s6;
	s7 =	simm.s32 @p2 $0x1082  }
0x22: {  	[simem:s7], [sflag:s8] =	dma.local @!p0 [hbm:s6], $0xF7A  }
0x23: {  	s9 =	sor.u32 $0xD0000000, s2;
	s6 =	simm.s32 $0x108;
	_ =	swait.ge @!p0 [sflag:s8], $0x0  }
0x24: {  	s3 =	sadd.s32 $0x88, s3;
	s6 =	simm.s32 @!p1 $0x1082;
	[sflag:s4] =	ssyncset.s32 $0xFFFFF086  }
0x25: {  	[simem:s6], [sflag:s4] =	dma.local [hbm:s3], $0xF7A  }
0x26: {  	[smem:$0x3F95] =	sst s1;
	(tag) =	ssettag s2;
	_ =	strace s9  }
0x27: {  	s1 =	sld [smem:$0x3FA5]  }
0x28: {  	s2 =	sld [smem:$0x3FA6]  }
0x29: {  	s4 =	sld [smem:$0x3FA8]  }
0x2a: {  	p0 =	seq.s32 s5, $0x0;
	s5 =	sld [smem:$0x3FA9]  }
0x2b: {  	s6 =	sld [smem:$0x3FAA]  }
0x2c: {  	s7 =	sld [smem:$0x3FAB]  }
0x2d: {  	s3 =	simm.s32 $0x108;
	s8 =	sld [smem:$0x3FAC]  }
0x2e: {  	s3 =	simm.s32 @!p0 $0x1082;
	s9 =	sld [smem:$0x3FAD]  }
0x2f: {  	lr =	sadd.s32 s0, s3;
	s0 =	sld [smem:$0x3FA4]  }
0x30: {  	s3 =	sld [smem:$0x3FA7]  }
0x31: {  	[smem:$0x3FB0] =	sst s10  }
0x32: {  	s10 =	sld [smem:$0x3FAE];
	_ =	sdelay $0x3  }
0x33: {  	p0 =	seq.s32 s10, $0x1;
	s10 =	sld [smem:$0x3FB0];
	_ =	sdelay $0x3  }
0x34: {  	[smem:$0x3FB0] =	sst s10  }
0x35: {  	s10 =	sld [smem:$0x3FAF];
	_ =	sdelay $0x3  }
0x36: {  	p1 =	seq.s32 s10, $0x1;
	s10 =	sld [smem:$0x3FB0];
	_ =	sdelay $0x3  }
0x37: {  	[smem:$0x3FB0] =	sst s10  }
0x38: {  	s10 =	sld [smem:$0x3FB1]  }
0x39: {  	_ = 	snop;
	(pc) =	sbr.ind lr, $3  }
0x3a: {  	_ = 	snop  }
0x3b: {  	_ = 	snop  }
0x3c: {  	p2 =	seq.s32 s10, $0x1;
	s10 =	sld [smem:$0x3FB0]  }
0x3d: {  	_ =	shalt  }
0x3e: {  	_ =	shalt  }
0x3f: {  	_ =	shalt  }
0x40: {  	_ =	shalt  }
0x41: {  	_ =	shalt  }
0x42: {  	_ =	shalt  }
0x43: {  	_ =	shalt  }
0x44: {  	_ =	shalt  }
0x45: {  	_ =	shalt  }
0x46: {  	_ =	shalt  }
0x47: {  	_ =	shalt  }
0x48: {  	_ =	shalt  }
0x49: {  	_ =	shalt  }
0x4a: {  	_ =	shalt  }
0x4b: {  	_ =	shalt  }
0x4c: {  	_ =	shalt  }
0x4d: {  	_ =	shalt  }
0x4e: {  	_ =	shalt  }
0x4f: {  	_ =	shalt  }
0x50: {  	_ =	shalt  }
0x51: {  	_ =	shalt  }
0x52: {  	_ =	shalt  }
0x53: {  	_ =	shalt  }
0x54: {  	_ =	shalt  }
0x55: {  	_ =	shalt  }
0x56: {  	_ =	shalt  }
0x57: {  	_ =	shalt  }
0x58: {  	_ =	shalt  }
0x59: {  	_ =	shalt  }
0x5a: {  	_ =	shalt  }
0x5b: {  	_ =	shalt  }
0x5c: {  	_ =	shalt  }
0x5d: {  	_ =	shalt  }
0x5e: {  	_ =	shalt  }
0x5f: {  	_ =	shalt  }
0x60: {  	_ =	shalt  }
0x61: {  	_ =	shalt  }
0x62: {  	_ =	shalt  }
0x63: {  	_ =	shalt  }
0x64: {  	_ =	shalt  }
0x65: {  	_ =	shalt  }
0x66: {  	_ =	shalt  }
0x67: {  	_ =	shalt  }
0x68: {  	_ =	shalt  }
0x69: {  	_ =	shalt  }
0x6a: {  	_ =	shalt  }
0x6b: {  	_ =	shalt  }
0x6c: {  	_ =	shalt  }
0x6d: {  	_ =	shalt  }
0x6e: {  	_ =	shalt  }
0x6f: {  	_ =	shalt  }
0x70: {  	_ =	shalt  }
0x71: {  	_ =	shalt  }
0x72: {  	_ =	shalt  }
0x73: {  	_ =	shalt  }
0x74: {  	_ =	shalt  }
0x75: {  	_ =	shalt  }
0x76: {  	_ =	shalt  }
0x77: {  	_ =	shalt  }
0x78: {  	_ =	shalt  }
0x79: {  	_ =	shalt  }
0x7a: {  	_ =	shalt  }
0x7b: {  	_ =	shalt  }
0x7c: {  	_ =	shalt  }
0x7d: {  	_ =	shalt  }
0x7e: {  	_ =	shalt  }
0x7f: {  	_ =	shalt  }
0x80: {  	_ =	shalt  }
0x81: {  	_ =	shalt  }
0x82: {  	_ =	shalt  }
0x83: {  	_ =	shalt  }
0x84: {  	_ =	shalt  }
0x85: {  	_ =	shalt  }
0x86: {  	_ =	shalt  }
0x87: {  	_ =	shalt  }
.Lfunc_end0:
.L_simem_size_0:
called_computation.1_lowered:
.L_overlay_start_0:
0x88: {  	s2 =	sld [smem:$0x3FD9]  }
0x89: {  	s3 =	sld [smem:$0x3FFE];
	_ =	sdelay $0x1  }
0x8a: {  	s1 =	srdreg.scid  }
0x8b: {  	s0 =	sand.u32 $0x1, s1  }
0x8c: {  	s16 =	sshll.u32 s0, $0xA;
	s2 =	sadd.s32 s3, s2  }
0x8d: {  	s2 =	sadd.s32 s2, s16  }
0x8e: {  	[smem:$0x3FBC] =	sst s2  }
0x8f: {  	_ = 	snop  }
0x90: {  	(tm) =	ssettm $0x1  }
0x91: {  	s17 =	sld [smem:$0x3FFB];
	_ =	sdelay $0x3  }
0x92: {  	_ =	strace s17  }
0x93: {  	s2 =	sld [smem:$0x3FFC];
	_ =	sdelay $0x3  }
0x94: {  	_ =	strace s2  }
0x95: {  	s2 =	sld [smem:$0x3FFD];
	_ =	sdelay $0x3  }
0x96: {  	_ =	strace s2  }
0x97: {  	_ =	strace $0x8FFFFFFF  }
0x98: {  	s18 =	sld [smem:$0x3FDB];
	_ =	sdelay $0x1  }
0x99: {  	s19 =	simm.s32 $_scs_section_size  }
0x9a: {  	s4 =	simm.s32 $_size__tile_overlayer_lowered;
	s5 =	simm.s32 $_tile_overlayer_lowered  }
0x9b: {  	s22 =	simm.s32 $0x1BFF;
	s21 =	sshll.u32 s5, $0x1;
	s2 =	sadd.s32 s19, s18  }
0x9c: {  	s6 =	simm.s32 $0x0;
	s20 =	sshll.u32 s4, $0x1;
	s4 =	sadd.s32 s21, s2  }
0x9d: {  	[timem:s6], [sflag:s22] =	dma.local [hbm:s4], s20  }
0x9e: {  	_ =	swait.ge [sflag:s22], s20  }
0x9f: {  	s3 =	ssub.s32 $0x0, s20;
	[sflag:s22] =	ssyncset.done $0x0  }
0xa0: {  	[sflag:s22] =	ssyncadd.s32 s3;
	_ =	sdelay $0x1  }
0xa1: {  	s23 =	simm.s32 $0x1B8B  }
0xa2: {  	_ =	swait.ge [sflag:s23], $0x1  }
0xa3: {  	[sflag:s23] =	ssyncset.done $0x0  }
0xa4: {  	s25 =	simm.s32 $0x1B8E;
	s24 =	sld [smem:$0x3FFE];
	[sflag:s23] =	ssyncadd.s32 $0xFFFFFFFF  }
0xa5: {  	s26 =	simm.s32 $execute0_lowered;
	[smem:$0x3FD2] =	sst s25  }
0xa6: {  	s4 =	sshll.u32 s26, $0x1;
	_ =	strace $0x80000049;
	[dreg:$0x1] =	wrdreg $0xFFFFFFFF  }
0xa7: {  	s28 =	simm.s32 $_size_execute0_lowered;
	s2 =	sadd.s32 s2, s4;
	[dreg:$0x0] =	wrdreg $0x0  }
0xa8: {  	s4 =	sshll.u32 s28, $0x1;
	[dreg:$0x2] =	wrdreg s2  }
0xa9: {  	[dreg:$0x3] =	wrdreg s4  }
0xaa: {  	[dreg:$0x4] =	wrdreg $0xC0  }
0xab: {  	_ =	task [dreg:s6], $0x5FFFF  }
0xac: {  	[dreg:$0x1] =	wrdreg $0xFFFFFFFF  }
0xad: {  	[dreg:$0x0] =	wrdreg $0x60  }
0xae: {  	[dreg:$0x2] =	wrdreg s24  }
0xaf: {  	[dreg:$0x3] =	wrdreg $0x73A00  }
0xb0: {  	[dreg:$0x4] =	wrdreg $0x9  }
0xb1: {  	_ =	task.clear_ibuf [dreg:s6], $0x5FFFF;
	_ =	strace $0x90000049  }
0xb2: {  	s29 =	simm.s32 $0x9;
	_ =	strace $0x8000004B  }
0xb3: {  	_ =	swait.ge [sflag:s29], $0x1  }
0xb4: {  	[sflag:s29] =	ssyncadd.s32 $0xFFFFFFFF  }
0xb5: {  	_ =	strace $0x9000004B  }
0xb6: {  	_ =	sfence  }
0xb7: {  	s30 =	sld [smem:$0x0];
	_ =	sdelay $0x2  }
0xb8: {  	s31 =	sshll.u32 s1, $0xD;
	s1 =	sshrl.u32 s1, $0x2  }
0xb9: {  	s3 =	sand.u32 $0x4000, s31;
	s1 =	sadd.s32 s1, s30  }
0xba: {  	s0 =	sor.u32 s3, s0;
	s1 =	sshll.u32 s1, $0x11  }
0xbb: {  	s0 =	sor.u32 s1, s0  }
0xbc: {  	s0 =	sadd.s32 $0x8F2B, s0  }
0xbd: {  	[sflag:s0] =	ssyncadd.remote.s32 $0x1  }
0xbe: {  	_ =	sfence.sel $0xFFFF  }
0xbf: {  	[dreg:$0x0] =	wrdreg $0xFFFFFFFF;
	(pc) =	sbr.abs _section_cstart, $3  }
0xc0: {  	[dreg:$0x1] =	wrdreg $0xFFFFFFFF  }
0xc1: {  	_ =	task.clear_ibuf [dreg:s6], $0x2FFFF;
	_ =	strace $0x9FFFFFFF  }
0xc2: {  	(tm) =	ssettm $0x7FFFFFFF  }
0xc3: {  	_ =	shalt  }
tec
execute0_lowered:
.L_overlay_start_1:
0x0: {  	(tag) =	ssettag $0x1  }
0x1: {  	s0 =	rddreg [dreg:$0x0]  }
0x2: {  	s2 =	rddreg [dreg:$0x1];
	s1 =	srdreg.scid  }
0x3: {  	s10 =	stileid.u32;
	s3 =	simm.s32 $0x0;
	s18 =	simm.s32 $0xFA0  }
0x4: {  	s19 =	simm.s32 $0x3;
	s20 =	simm.s32 $0x7D0;
	s21 =	simm.s32 $0x1  }
0x5: {  	s22 =	simm.s32 $0x2;
	s23 =	simm.s32 $0x50;
	s24 =	simm.s32 $0x41A0  }
0x6: {  	s25 =	simm.s32 $0xEB0;
	s26 =	simm.s32 $0x780;
	s28 =	simm.s32 $0xF00  }
0x7: {  	s29 =	simm.s32 $0xF50;
	s1 =	sand.u32 $0x1, s1;
	s6 =	smul.u32 $0x3160, s10  }
0x8: {  	[smem:$0x7FF] =	sst s3;
	s4 =	sadd.s32 $0x14E00, s0;
	s8 =	smul.u32 $0x62C00, s10  }
0x9: {  	s5 =	sadd.s32 $0xB000, s0;
	s10 =	sshll.u32 s10, $0x1;
	s7 =	smul.u32 $0x31600, s1  }
0xa: {  	_ =	strace $0x8000004A;
	s31 =	ssub.s32 $0x2, s1;
	s1 =	sor.u32 s1, s10  }
0xb: {  	s9 =	sshrl.u32 s31, $0x1;
	s8 =	sshrl.u32 s8, $0x2;
	s7 =	sadd.s32 s6, s7  }
0xc: {  	s6 =	sadd.s32 $0x1200, s0;
	s11 =	ssub.s32 s31, s9;
	s9 =	smul.u32 $0x2710, s1  }
0xd: {  	s0 =	sadd.s32 s7, s0;
	s7 =	sadd.s32 s8, s2;
	s11 =	smax.u32 s11, $0x1  }
0xe: {  	s8 =	sadd.s32 $0x15E00, s7;
	s10 =	sadd.s32 $0x45C00, s0;
	s12 =	sadd.s32 $0x3200, s7  }
0xf: {  	s13 =	sadd.s32 $0x6400, s7;
	s14 =	sadd.s32 $0x9600, s7;
	s15 =	sadd.s32 $0xC800, s7  }
0x10: {  	v0 =	vimm.f32 $0.0e+00;
	s16 =	sadd.s32 $0xFA00, s7;
	s17 =	sadd.s32 $0x12C00, s7;
	[dreg:$0x3] =	wrdreg s8  }
.LBB2_1:
0x11: {  	s0 =	simm.s32 $0x90;
	s30 =	simm.s32 $0x4C0  }
.LBB2_2:
0x12: {  	p0 =	sne.s32 s30, $0xC7C0;
	[tilespmem:s0+$0xFA0] =	vst v0  }
0x13: {  	[tilespmem:s0+$0xF10] =	vst v0  }
0x14: {  	[tilespmem:s0+$0xF20] =	vst v0  }
0x15: {  	[tilespmem:s0+$0xF30] =	vst v0  }
0x16: {  	[tilespmem:s0+$0xF40] =	vst v0  }
.Ltmp0:
0x17: {  	[tilespmem:s0+$0xF50] =	vst v0;
	(pc) =	sbr.rel @p0 .LBB2_2-.Ltmp0, $4  }
0x18: {  	[tilespmem:s0+$0xF60] =	vst v0  }
0x19: {  	[tilespmem:s0+$0xF70] =	vst v0  }
0x1a: {  	[tilespmem:s0+$0xF80] =	vst v0  }
0x1b: {  	[tilespmem:s0+$0xF90] =	vst v0;
	s0 =	sshra.s32 s30, $0x2;
	s30 =	sadd.s32 $0x280, s30  }
0x1c: {  	[tilespmem:s0+$0xFA0] =	vst v0  }
0x1d: {  	[tilespmem:s0+$0xF10] =	vst v0  }
0x1e: {  	[tilespmem:s0+$0xF20] =	vst v0  }
0x1f: {  	[tilespmem:s0+$0xF30] =	vst v0  }
0x20: {  	[tilespmem:s0+$0xF40] =	vst v0  }
0x21: {  	[tilespmem:s0+$0xF50] =	vst v0  }
0x22: {  	[tilespmem:s0+$0xF60] =	vst v0  }
0x23: {  	[tilespmem:s0+$0xF70] =	vst v0  }
0x24: {  	[tilespmem:s0+$0xF80] =	vst v0  }
0x25: {  	[tilespmem:s0+$0xF90] =	vst v0  }
0x26: {  	[spmem:s7] =	stream.linear.scatter [tilespmem:s18], [sflag:$0x3], $0x3200, $0x38;
	[tilespmem:$0x1FEA0] =	vst v63  }
0x27: {  	_ =	swait.ge [sflag:s19], $0x3200  }
0x28: {  	[sflag:s19] =	ssyncset.done $0x0  }
0x29: {  	[sflag:s19] =	ssyncadd.s32 $0xFFFFCE00  }
0x2a: {  	[spmem:s12] =	stream.linear.scatter [tilespmem:s18], [sflag:$0x3], $0x3200, $0x38;
	[tilespmem:$0x1FEA0] =	vst v63  }
0x2b: {  	_ =	swait.ge [sflag:s19], $0x3200  }
0x2c: {  	[sflag:s19] =	ssyncset.done $0x0  }
0x2d: {  	[sflag:s19] =	ssyncadd.s32 $0xFFFFCE00  }
0x2e: {  	[spmem:s13] =	stream.linear.scatter [tilespmem:s18], [sflag:$0x3], $0x3200, $0x38;
	[tilespmem:$0x1FEA0] =	vst v63  }
0x2f: {  	_ =	swait.ge [sflag:s19], $0x3200  }
0x30: {  	[sflag:s19] =	ssyncset.done $0x0  }
0x31: {  	[sflag:s19] =	ssyncadd.s32 $0xFFFFCE00  }
0x32: {  	[spmem:s14] =	stream.linear.scatter [tilespmem:s18], [sflag:$0x3], $0x3200, $0x38;
	[tilespmem:$0x1FEA0] =	vst v63  }
0x33: {  	_ =	swait.ge [sflag:s19], $0x3200  }
0x34: {  	[sflag:s19] =	ssyncset.done $0x0  }
0x35: {  	[sflag:s19] =	ssyncadd.s32 $0xFFFFCE00  }
0x36: {  	[spmem:s15] =	stream.linear.scatter [tilespmem:s18], [sflag:$0x3], $0x3200, $0x38;
	[tilespmem:$0x1FEA0] =	vst v63  }
0x37: {  	_ =	swait.ge [sflag:s19], $0x3200  }
0x38: {  	[sflag:s19] =	ssyncset.done $0x0  }
0x39: {  	[sflag:s19] =	ssyncadd.s32 $0xFFFFCE00  }
0x3a: {  	[spmem:s16] =	stream.linear.scatter [tilespmem:s18], [sflag:$0x3], $0x3200, $0x38;
	[tilespmem:$0x1FEA0] =	vst v63  }
0x3b: {  	_ =	swait.ge [sflag:s19], $0x3200  }
0x3c: {  	[sflag:s19] =	ssyncset.done $0x0  }
0x3d: {  	[sflag:s19] =	ssyncadd.s32 $0xFFFFCE00  }
0x3e: {  	[spmem:s17] =	stream.linear.scatter [tilespmem:s18], [sflag:$0x3], $0x3200, $0x38;
	[tilespmem:$0x1FEA0] =	vst v63  }
0x3f: {  	_ =	swait.ge [sflag:s19], $0x3200  }
0x40: {  	[sflag:s19] =	ssyncset.done $0x0  }
0x41: {  	s8 =	rddreg [dreg:$0x3];
	[sflag:s19] =	ssyncadd.s32 $0xFFFFCE00  }
0x42: {  	[spmem:s8] =	stream.linear.scatter [tilespmem:s18], [sflag:$0x3], $0x2D00, $0x38;
	[tilespmem:$0x1FEA0] =	vst v63  }
0x43: {  	_ =	swait.ge [sflag:s19], $0x2D00  }
0x44: {  	[sflag:s19] =	ssyncset.done $0x0  }
0x45: {  	[sflag:s19] =	ssyncadd.s32 $0xFFFFD300  }
0x46: {  	s30 =	simm.s32 $0x0;
	s31 =	simm.s32 $0x0;
	[bflag:$0x0] =	sbarrier.arrive $0xFFFF  }
.LBB2_4:
0x47: {  	s0 =	smul.u32 $0x7D0, s31;
	_ =	sdelay $0x1  }
0x48: {  	s0 =	sadd.s32 s9, s0  }
0x49: {  	s0 =	sshrl.u32 s0, $0x3  }
0x4a: {  	s1 =	sadd.s32 s5, s0  }
0x4b: {  	[tilespmem:s30], [sflag:$0x1] =	stream.linear.gather [hbm4b:s1+s30], $0x7D0, $0x38;
	[tilespmem:$0x1FEA0] =	vst v63  }
0x4c: {  	s0 =	sadd.s32 s6, s0  }
0x4d: {  	[tilespmem:s20], [sflag:$0x2] =	stream.linear.gather [hbm4b:s0+s30], $0x7D0, $0x38;
	[tilespmem:$0x1FEA0] =	vst v63  }
0x4e: {  	_ =	swait.ge [sflag:s21], $0x7D0  }
0x4f: {  	[sflag:s21] =	ssyncset.done $0x0  }
0x50: {  	[sflag:s21] =	ssyncadd.s32 $0xFFFFF830  }
0x51: {  	_ =	swait.ge [sflag:s22], $0x7D0  }
0x52: {  	[sflag:s22] =	ssyncset.done $0x0  }
0x53: {  	[sflag:s22] =	ssyncadd.s32 $0xFFFFF830  }
0x54: {  	[tilespmem:s18], [sflag:$0x1] =	stream.indirect.gather [hbm4b:s4+s23], $0xA0, s30, s23, $0xb8;
	[tilespmem:$0x1FEA0] =	vst v63  }
0x55: {  	_ = 	snop  }
0x56: {  	[tilespmem:s24], [sflag:$0x2] =	stream.indirect.gather [hbm4b:s4+s23], $0xA0, s23, s23, $0xb8;
	[tilespmem:$0x1FEA0] =	vst v63  }
0x57: {  	_ =	swait.ge [sflag:s21], $0x3200  }
0x58: {  	[sflag:s21] =	ssyncset.done $0x0  }
0x59: {  	s8 =	simm.s32 $0x7D0;
	[sflag:s21] =	ssyncadd.s32 $0xFFFFCE00  }
0x5a: {  	[spmem:s2] =	stream.indirect.scatter.add.f32 [tilespmem:s18], [sflag:$0x3], $0xA0, s8, s23, $0xb8;
	[tilespmem:$0x1FEA0] =	vst v63  }
0x5b: {  	_ =	swait.ge [sflag:s19], $0x3200  }
0x5c: {  	[sflag:s19] =	ssyncset.done $0x0  }
0x5d: {  	s1 =	simm.s32 $0xA0;
	[sflag:s19] =	ssyncadd.s32 $0xFFFFCE00  }
0x5e: {  	[tilespmem:s18], [sflag:$0x1] =	stream.indirect.gather [hbm4b:s4+s23], $0xA0, s1, s23, $0xb8;
	[tilespmem:$0x1FEA0] =	vst v63  }
0x5f: {  	_ =	swait.ge [sflag:s22], $0x3200  }
0x60: {  	[sflag:s22] =	ssyncset.done $0x0  }
0x61: {  	s8 =	simm.s32 $0x820;
	[sflag:s22] =	ssyncadd.s32 $0xFFFFCE00  }
0x62: {  	[spmem:s2] =	stream.indirect.scatter.add.f32 [tilespmem:s24], [sflag:$0x3], $0xA0, s8, s23, $0xb8;
	[tilespmem:$0x1FEA0] =	vst v63  }
0x63: {  	_ =	swait.ge [sflag:s19], $0x3200  }
0x64: {  	[sflag:s19] =	ssyncset.done $0x0  }
0x65: {  	s0 =	simm.s32 $0x280;
	s1 =	simm.s32 $0xF0;
	[sflag:s19] =	ssyncadd.s32 $0xFFFFCE00  }
.LBB2_5:
0x66: {  	[tilespmem:s24], [sflag:$0x2] =	stream.indirect.gather [hbm4b:s4+s23], $0xA0, s1, s23, $0xb8;
	[tilespmem:$0x1FEA0] =	vst v63  }
0x67: {  	s1 =	smov.u32 s0  }
0x68: {  	p0 =	sne.s32 s0, $0x1900;
	s0 =	sadd.s32 $0x280, s0;
	_ =	swait.ge [sflag:s21], $0x3200  }
0x69: {  	s1 =	sshra.s32 s1, $0x2;
	[sflag:s21] =	ssyncset.done $0x0  }
0x6a: {  	s8 =	sadd.s32 $0x7D0, s1;
	[sflag:s21] =	ssyncadd.s32 $0xFFFFCE00  }
0x6b: {  	[spmem:s2] =	stream.indirect.scatter.add.f32 [tilespmem:s18], [sflag:$0x3], $0xA0, s8, s23, $0xb8;
	[tilespmem:$0x1FEA0] =	vst v63  }
0x6c: {  	_ =	swait.ge [sflag:s19], $0x3200  }
0x6d: {  	[sflag:s19] =	ssyncset.done $0x0  }
0x6e: {  	s8 =	sadd.s32 $0xA0, s1;
	[sflag:s19] =	ssyncadd.s32 $0xFFFFCE00  }
0x6f: {  	[tilespmem:s18], [sflag:$0x1] =	stream.indirect.gather [hbm4b:s4+s23], $0xA0, s8, s23, $0xb8;
	[tilespmem:$0x1FEA0] =	vst v63  }
0x70: {  	_ =	swait.ge [sflag:s22], $0x3200  }
0x71: {  	[sflag:s22] =	ssyncset.done $0x0  }
.Ltmp1:
0x72: {  	s8 =	sadd.s32 $0x820, s1;
	[sflag:s22] =	ssyncadd.s32 $0xFFFFCE00;
	(pc) =	sbr.rel @p0 .LBB2_5-.Ltmp1, $4  }
0x73: {  	[spmem:s2] =	stream.indirect.scatter.add.f32 [tilespmem:s24], [sflag:$0x3], $0xA0, s8, s23, $0xb8;
	[tilespmem:$0x1FEA0] =	vst v63  }
0x74: {  	_ =	swait.ge [sflag:s19], $0x3200  }
0x75: {  	[sflag:s19] =	ssyncset.done $0x0  }
0x76: {  	s1 =	sadd.s32 $0xF0, s1;
	[sflag:s19] =	ssyncadd.s32 $0xFFFFCE00  }
0x77: {  	[tilespmem:s24], [sflag:$0x2] =	stream.indirect.gather [hbm4b:s4+s23], $0xA0, s1, s23, $0xb8;
	[tilespmem:$0x1FEA0] =	vst v63  }
0x78: {  	_ =	swait.ge [sflag:s21], $0x3200  }
0x79: {  	[sflag:s21] =	ssyncset.done $0x0  }
0x7a: {  	[sflag:s21] =	ssyncadd.s32 $0xFFFFCE00  }
0x7b: {  	[spmem:s2] =	stream.indirect.scatter.add.f32 [tilespmem:s18], [sflag:$0x3], $0xA0, s25, s23, $0xb8;
	[tilespmem:$0x1FEA0] =	vst v63  }
0x7c: {  	_ =	swait.ge [sflag:s19], $0x3200  }
0x7d: {  	[sflag:s19] =	ssyncset.done $0x0  }
0x7e: {  	[sflag:s19] =	ssyncadd.s32 $0xFFFFCE00  }
0x7f: {  	[tilespmem:s18], [sflag:$0x1] =	stream.indirect.gather [hbm4b:s4+s23], $0xA0, s26, s23, $0xb8;
	[tilespmem:$0x1FEA0] =	vst v63  }
0x80: {  	_ =	swait.ge [sflag:s22], $0x3200  }
0x81: {  	[sflag:s22] =	ssyncset.done $0x0  }
0x82: {  	[sflag:s22] =	ssyncadd.s32 $0xFFFFCE00  }
0x83: {  	[spmem:s2] =	stream.indirect.scatter.add.f32 [tilespmem:s24], [sflag:$0x3], $0xA0, s28, s23, $0xb8;
	[tilespmem:$0x1FEA0] =	vst v63  }
0x84: {  	_ =	swait.ge [sflag:s19], $0x3200  }
0x85: {  	[sflag:s19] =	ssyncset.done $0x0  }
0x86: {  	[sflag:s19] =	ssyncadd.s32 $0xFFFFCE00  }
0x87: {  	s31 =	sadd.s32 $0x1, s31;
	_ =	swait.ge [sflag:s21], $0x3200  }
0x88: {  	p0 =	sne.s32 s31, $0x5;
	[sflag:s21] =	ssyncset.done $0x0  }
.Ltmp2:
0x89: {  	[sflag:s21] =	ssyncadd.s32 $0xFFFFCE00;
	(pc) =	sbr.rel @p0 .LBB2_4-.Ltmp2, $4  }
0x8a: {  	[spmem:s2] =	stream.indirect.scatter.add.f32 [tilespmem:s18], [sflag:$0x3], $0xA0, s29, s23, $0xb8;
	[tilespmem:$0x1FEA0] =	vst v63  }
0x8b: {  	_ =	swait.ge [sflag:s19], $0x3200  }
0x8c: {  	[sflag:s19] =	ssyncset.done $0x0  }
0x8d: {  	[sflag:s19] =	ssyncadd.s32 $0xFFFFCE00  }
0x8e: {  	s0 =	stileid.u32;
	s3 =	sadd.s32 $0x1, s3  }
0x8f: {  	[bflag:$0x0] =	sbarrier.arrive $0xFFFF;
	s0 =	sshll.u32 s0, $0x6;
	p0 =	sne.s32 s3, s11  }
.Ltmp3:
0x90: {  	s1 =	sshrl.u32 s7, $0x3;
	s0 =	sor.u32 $0x1C03, s0;
	(pc) =	sbr.rel @p0 .LBB2_1-.Ltmp3, $4  }
0x91: {  	[hbm:s10], [sflag:s0] =	dma.local [spmem:s1], $0x3160  }
0x92: {  	_ =	swait.ge [sflag:s19], $0x3160  }
0x93: {  	[sflag:s19] =	ssyncset.done $0x0  }
0x94: {  	[sflag:s19] =	ssyncadd.s32 $0xFFFFCEA0  }
0x95: {  	_ =	sfence.sel $0x180000  }
0x96: {  	[bflag:$0x0] =	sbarrier.arrive $0xFFFF  }
0x97: {  	_ =	strace $0x9000004A  }
0x98: {  	s0 =	stileid.u32;
	[bflag:$0x2] =	sbarrier.arrive $0xFFFF  }
0x99: {  	p0 =	sne.s32 s0, $0x0;
	s0 =	rddreg [dreg:$0x2]  }
0x9a: {  	s0 =	sadd.s32 @!p0 $0x100000, s0  }
0x9b: {  	[sflag:s0] =	ssyncadd.tile.s32 @!p0 $0x1;
	_ =	shalt  }
.Lfunc_end2:
_tile_overlayer_lowered:
.L_overlay_start_2:
0x9c: {  	(tag) =	ssettag $0x2  }
0x9d: {  	s0 =	rddreg [dreg:$0x0];
	s2 =	stileid.u32  }
0x9e: {  	s1 =	rddreg [dreg:$0x1];
	p0 =	sne.s32 s2, $0x0  }
0x9f: {  	s3 =	rddreg [dreg:$0x2];
	[bflag:$0x3] =	sbarrier.arrive $0xFFFF;
	s2 =	simm.s32 @!p0 $0x1C03  }
0xa0: {  	[timem:s3], [sflag:s2] =	dma.local @!p0 [hbm:s0], s1  }
0xa1: {  	s0 =	simm.s32 @!p0 $0x3  }
0xa2: {  	_ =	swait.ge @!p0 [sflag:s0], s1  }
0xa3: {  	s1 =	ssub.s32 @!p0 $0x0, s1;
	[sflag:s0] =	ssyncset.done @!p0 $0x0  }
0xa4: {  	[sflag:s0] =	ssyncadd.s32 @!p0 s1  }
0xa5: {  	[bflag:$0x3] =	sbarrier.arrive $0xFFFF  }
0xa6: {  	_ =	shalt  }

// kernel: kernel.16.cloned.1.call-start
scs
__scs_entry_jumppad:
0x0: {  	(pc) =	sbr.rel $0x88, $3  }
0x1: {  	(tag) =	ssettag $0x0;
	lr =	simm.s32 $0x1  }
0x2: {  	[smem:$0x3F95] =	sst lr;
	_ =	strace $0xD0000000  }
0x3: {  	_ = 	snop  }
0x4: {  	_ = 	snop  }
0x5: {  	_ = 	snop  }
0x6: {  	_ = 	snop  }
0x7: {  	_ = 	snop  }
__scs_overlays_trampoline_lowered:
0x8: {  	[smem:$0x3FA4] =	sst s0  }
0x9: {  	[smem:$0x3FA5] =	sst s1  }
0xa: {  	[smem:$0x3FA6] =	sst s2  }
0xb: {  	[smem:$0x3FA7] =	sst s3  }
0xc: {  	[smem:$0x3FA8] =	sst s4  }
0xd: {  	[smem:$0x3FA9] =	sst s5  }
0xe: {  	[smem:$0x3FAA] =	sst s6  }
0xf: {  	[smem:$0x3FAB] =	sst s7  }
0x10: {  	[smem:$0x3FAC] =	sst s8  }
0x11: {  	[smem:$0x3FAD] =	sst s9;
	s0 =	simm.s32 @!p0 $0x0  }
0x12: {  	s1 =	sld [smem:$0x3F93];
	s0 =	simm.s32 @p0 $0x1  }
0x13: {  	[smem:$0x3FAE] =	sst s0;
	s0 =	simm.s32 @!p1 $0x0  }
0x14: {  	s2 =	sld [smem:$0x3F92];
	s0 =	simm.s32 @p1 $0x1  }
0x15: {  	[smem:$0x3FAF] =	sst s0;
	s0 =	simm.s32 @!p2 $0x0  }
0x16: {  	s3 =	sld [smem:$0x3FDB];
	s0 =	simm.s32 @p2 $0x1  }
0x17: {  	s4 =	simm.s32 $0x1BF5;
	[smem:$0x3FB1] =	sst s0  }
0x18: {  	s0 =	sld [smem:$0x3F94];
	_ =	swait.ge [sflag:s4], $0x0  }
0x19: {  	s7 =	sld [smem:$0x3F95]  }
0x1a: {  	s8 =	sadd.s32 $0xFFFFE003, lr  }
0x1b: {  	s9 =	sadd.s32 $0xFFFFFEF7, lr;
	s5 =	simm.s32 $0xFFFFFFFF;
	p2 =	slt.u32 s8, $0xFFFFF086  }
0x1c: {  	p1 =	slt.u32 s9, $0xF7A;
	s5 =	simm.s32 @!p2 $0x0  }
0x1d: {  	s5 =	simm.s32 @p1 $0x1;
	p0 =	seq.s32 s7, s2  }
0x1e: {  	s7 =	smul.u32 @!p0 $0xF7A, s2;
	p2 =	seq.s32 @!p0 s5, $0x0  }
0x1f: {  	s9 =	smul.u32 $0xF7A, s1;
	s8 =	simm.s32 @!p0 $0x1BF5;
	p2 =	por !p2, p0  }
0x20: {  	[sflag:s8] =	ssyncset.s32 @!p0 $0xFFFFF086;
	s6 =	sadd.s32 @!p0 s3, s7;
	s7 =	simm.s32 @!p0 $0x108  }
0x21: {  	s3 =	sadd.s32 s3, s9;
	s6 =	sadd.s32 @!p0 $0x88, s6;
	s7 =	simm.s32 @p2 $0x1082  }
0x22: {  	[simem:s7], [sflag:s8] =	dma.local @!p0 [hbm:s6], $0xF7A  }
0x23: {  	s9 =	sor.u32 $0xD0000000, s2;
	s6 =	simm.s32 $0x108;
	_ =	swait.ge @!p0 [sflag:s8], $0x0  }
0x24: {  	s3 =	sadd.s32 $0x88, s3;
	s6 =	simm.s32 @!p1 $0x1082;
	[sflag:s4] =	ssyncset.s32 $0xFFFFF086  }
0x25: {  	[simem:s6], [sflag:s4] =	dma.local [hbm:s3], $0xF7A  }
0x26: {  	[smem:$0x3F95] =	sst s1;
	(tag) =	ssettag s2;
	_ =	strace s9  }
0x27: {  	s1 =	sld [smem:$0x3FA5]  }
0x28: {  	s2 =	sld [smem:$0x3FA6]  }
0x29: {  	s4 =	sld [smem:$0x3FA8]  }
0x2a: {  	p0 =	seq.s32 s5, $0x0;
	s5 =	sld [smem:$0x3FA9]  }
0x2b: {  	s6 =	sld [smem:$0x3FAA]  }
0x2c: {  	s7 =	sld [smem:$0x3FAB]  }
0x2d: {  	s3 =	simm.s32 $0x108;
	s8 =	sld [smem:$0x3FAC]  }
0x2e: {  	s3 =	simm.s32 @!p0 $0x1082;
	s9 =	sld [smem:$0x3FAD]  }
0x2f: {  	lr =	sadd.s32 s0, s3;
	s0 =	sld [smem:$0x3FA4]  }
0x30: {  	s3 =	sld [smem:$0x3FA7]  }
0x31: {  	[smem:$0x3FB0] =	sst s10  }
0x32: {  	s10 =	sld [smem:$0x3FAE];
	_ =	sdelay $0x3  }
0x33: {  	p0 =	seq.s32 s10, $0x1;
	s10 =	sld [smem:$0x3FB0];
	_ =	sdelay $0x3  }
0x34: {  	[smem:$0x3FB0] =	sst s10  }
0x35: {  	s10 =	sld [smem:$0x3FAF];
	_ =	sdelay $0x3  }
0x36: {  	p1 =	seq.s32 s10, $0x1;
	s10 =	sld [smem:$0x3FB0];
	_ =	sdelay $0x3  }
0x37: {  	[smem:$0x3FB0] =	sst s10  }
0x38: {  	s10 =	sld [smem:$0x3FB1]  }
0x39: {  	_ = 	snop;
	(pc) =	sbr.ind lr, $3  }
0x3a: {  	_ = 	snop  }
0x3b: {  	_ = 	snop  }
0x3c: {  	p2 =	seq.s32 s10, $0x1;
	s10 =	sld [smem:$0x3FB0]  }
0x3d: {  	_ =	shalt  }
0x3e: {  	_ =	shalt  }
0x3f: {  	_ =	shalt  }
0x40: {  	_ =	shalt  }
0x41: {  	_ =	shalt  }
0x42: {  	_ =	shalt  }
0x43: {  	_ =	shalt  }
0x44: {  	_ =	shalt  }
0x45: {  	_ =	shalt  }
0x46: {  	_ =	shalt  }
0x47: {  	_ =	shalt  }
0x48: {  	_ =	shalt  }
0x49: {  	_ =	shalt  }
0x4a: {  	_ =	shalt  }
0x4b: {  	_ =	shalt  }
0x4c: {  	_ =	shalt  }
0x4d: {  	_ =	shalt  }
0x4e: {  	_ =	shalt  }
0x4f: {  	_ =	shalt  }
0x50: {  	_ =	shalt  }
0x51: {  	_ =	shalt  }
0x52: {  	_ =	shalt  }
0x53: {  	_ =	shalt  }
0x54: {  	_ =	shalt  }
0x55: {  	_ =	shalt  }
0x56: {  	_ =	shalt  }
0x57: {  	_ =	shalt  }
0x58: {  	_ =	shalt  }
0x59: {  	_ =	shalt  }
0x5a: {  	_ =	shalt  }
0x5b: {  	_ =	shalt  }
0x5c: {  	_ =	shalt  }
0x5d: {  	_ =	shalt  }
0x5e: {  	_ =	shalt  }
0x5f: {  	_ =	shalt  }
0x60: {  	_ =	shalt  }
0x61: {  	_ =	shalt  }
0x62: {  	_ =	shalt  }
0x63: {  	_ =	shalt  }
0x64: {  	_ =	shalt  }
0x65: {  	_ =	shalt  }
0x66: {  	_ =	shalt  }
0x67: {  	_ =	shalt  }
0x68: {  	_ =	shalt  }
0x69: {  	_ =	shalt  }
0x6a: {  	_ =	shalt  }
0x6b: {  	_ =	shalt  }
0x6c: {  	_ =	shalt  }
0x6d: {  	_ =	shalt  }
0x6e: {  	_ =	shalt  }
0x6f: {  	_ =	shalt  }
0x70: {  	_ =	shalt  }
0x71: {  	_ =	shalt  }
0x72: {  	_ =	shalt  }
0x73: {  	_ =	shalt  }
0x74: {  	_ =	shalt  }
0x75: {  	_ =	shalt  }
0x76: {  	_ =	shalt  }
0x77: {  	_ =	shalt  }
0x78: {  	_ =	shalt  }
0x79: {  	_ =	shalt  }
0x7a: {  	_ =	shalt  }
0x7b: {  	_ =	shalt  }
0x7c: {  	_ =	shalt  }
0x7d: {  	_ =	shalt  }
0x7e: {  	_ =	shalt  }
0x7f: {  	_ =	shalt  }
0x80: {  	_ =	shalt  }
0x81: {  	_ =	shalt  }
0x82: {  	_ =	shalt  }
0x83: {  	_ =	shalt  }
0x84: {  	_ =	shalt  }
0x85: {  	_ =	shalt  }
0x86: {  	_ =	shalt  }
0x87: {  	_ =	shalt  }
.Lfunc_end0:
.L_simem_size_0:
called_computation.2_lowered:
.L_overlay_start_0:
0x88: {  	s2 =	sld [smem:$0x3FD9]  }
0x89: {  	s3 =	sld [smem:$0x3FFE];
	_ =	sdelay $0x1  }
0x8a: {  	s1 =	srdreg.scid  }
0x8b: {  	s0 =	sand.u32 $0x1, s1  }
0x8c: {  	s16 =	sshll.u32 s0, $0xA;
	s2 =	sadd.s32 s3, s2  }
0x8d: {  	s2 =	sadd.s32 s2, s16  }
0x8e: {  	[smem:$0x3FBC] =	sst s2  }
0x8f: {  	_ = 	snop  }
0x90: {  	(tm) =	ssettm $0x1  }
0x91: {  	s17 =	sld [smem:$0x3FFB];
	_ =	sdelay $0x3  }
0x92: {  	_ =	strace s17  }
0x93: {  	s2 =	sld [smem:$0x3FFC];
	_ =	sdelay $0x3  }
0x94: {  	_ =	strace s2  }
0x95: {  	s2 =	sld [smem:$0x3FFD];
	_ =	sdelay $0x3  }
0x96: {  	_ =	strace s2  }
0x97: {  	_ =	strace $0x8FFFFFFF  }
0x98: {  	s18 =	sld [smem:$0x3FDB];
	_ =	sdelay $0x1  }
0x99: {  	s19 =	simm.s32 $_scs_section_size  }
0x9a: {  	s4 =	simm.s32 $_size__tile_overlayer_lowered;
	s5 =	simm.s32 $_tile_overlayer_lowered  }
0x9b: {  	s22 =	simm.s32 $0x1BFF;
	s21 =	sshll.u32 s5, $0x1;
	s2 =	sadd.s32 s19, s18  }
0x9c: {  	s6 =	simm.s32 $0x0;
	s20 =	sshll.u32 s4, $0x1;
	s4 =	sadd.s32 s21, s2  }
0x9d: {  	[timem:s6], [sflag:s22] =	dma.local [hbm:s4], s20  }
0x9e: {  	_ =	swait.ge [sflag:s22], s20  }
0x9f: {  	s3 =	ssub.s32 $0x0, s20;
	[sflag:s22] =	ssyncset.done $0x0  }
0xa0: {  	[sflag:s22] =	ssyncadd.s32 s3;
	_ =	sdelay $0x1  }
0xa1: {  	s23 =	simm.s32 $0x1B8B  }
0xa2: {  	_ =	swait.ge [sflag:s23], $0x1  }
0xa3: {  	[sflag:s23] =	ssyncset.done $0x0  }
0xa4: {  	s25 =	simm.s32 $0x1B8E;
	s24 =	sld [smem:$0x3FFE];
	[sflag:s23] =	ssyncadd.s32 $0xFFFFFFFF  }
0xa5: {  	s26 =	simm.s32 $execute0_lowered;
	[smem:$0x3FD2] =	sst s25  }
0xa6: {  	s4 =	sshll.u32 s26, $0x1;
	_ =	strace $0x8000004C;
	[dreg:$0x1] =	wrdreg $0xFFFFFFFF  }
0xa7: {  	s28 =	simm.s32 $_size_execute0_lowered;
	s2 =	sadd.s32 s2, s4;
	[dreg:$0x0] =	wrdreg $0x0  }
0xa8: {  	s4 =	sshll.u32 s28, $0x1;
	[dreg:$0x2] =	wrdreg s2  }
0xa9: {  	[dreg:$0x3] =	wrdreg s4  }
0xaa: {  	[dreg:$0x4] =	wrdreg $0xC0  }
0xab: {  	_ =	task [dreg:s6], $0x5FFFF  }
0xac: {  	[dreg:$0x1] =	wrdreg $0xFFFFFFFF  }
0xad: {  	[dreg:$0x0] =	wrdreg $0x60  }
0xae: {  	[dreg:$0x2] =	wrdreg s24  }
0xaf: {  	[dreg:$0x3] =	wrdreg $0x73A00  }
0xb0: {  	[dreg:$0x4] =	wrdreg $0x9  }
0xb1: {  	_ =	task.clear_ibuf [dreg:s6], $0x5FFFF;
	_ =	strace $0x9000004C  }
0xb2: {  	s29 =	simm.s32 $0x9;
	_ =	strace $0x8000004E  }
0xb3: {  	_ =	swait.ge [sflag:s29], $0x1  }
0xb4: {  	[sflag:s29] =	ssyncadd.s32 $0xFFFFFFFF  }
0xb5: {  	_ =	strace $0x9000004E  }
0xb6: {  	_ =	sfence  }
0xb7: {  	s30 =	sld [smem:$0x0];
	_ =	sdelay $0x2  }
0xb8: {  	s31 =	sshll.u32 s1, $0xD;
	s1 =	sshrl.u32 s1, $0x2  }
0xb9: {  	s3 =	sand.u32 $0x4000, s31;
	s1 =	sadd.s32 s1, s30  }
0xba: {  	s0 =	sor.u32 s3, s0;
	s1 =	sshll.u32 s1, $0x11  }
0xbb: {  	s0 =	sor.u32 s1, s0  }
0xbc: {  	s0 =	sadd.s32 $0x8F2B, s0  }
0xbd: {  	[sflag:s0] =	ssyncadd.remote.s32 $0x1  }
0xbe: {  	_ =	sfence.sel $0xFFFF  }
0xbf: {  	[dreg:$0x0] =	wrdreg $0xFFFFFFFF;
	(pc) =	sbr.abs _section_cstart, $3  }
0xc0: {  	[dreg:$0x1] =	wrdreg $0xFFFFFFFF  }
0xc1: {  	_ =	task.clear_ibuf [dreg:s6], $0x2FFFF;
	_ =	strace $0x9FFFFFFF  }
0xc2: {  	(tm) =	ssettm $0x7FFFFFFF  }
0xc3: {  	_ =	shalt  }
tec
execute0_lowered:
.L_overlay_start_1:
0x0: {  	(tag) =	ssettag $0x1  }
0x1: {  	s0 =	rddreg [dreg:$0x0]  }
0x2: {  	s2 =	rddreg [dreg:$0x1];
	s1 =	srdreg.scid  }
0x3: {  	s10 =	stileid.u32;
	s3 =	simm.s32 $0x0;
	s18 =	simm.s32 $0xFA0  }
0x4: {  	s19 =	simm.s32 $0x3;
	s20 =	simm.s32 $0x7D0;
	s21 =	simm.s32 $0x1  }
0x5: {  	s22 =	simm.s32 $0x2;
	s23 =	simm.s32 $0x50;
	s24 =	simm.s32 $0x41A0  }
0x6: {  	s25 =	simm.s32 $0xEB0;
	s26 =	simm.s32 $0x780;
	s28 =	simm.s32 $0xF00  }
0x7: {  	s29 =	simm.s32 $0xF50;
	s1 =	sand.u32 $0x1, s1;
	s6 =	smul.u32 $0x3160, s10  }
0x8: {  	[smem:$0x7FF] =	sst s3;
	s4 =	sadd.s32 $0x14E00, s0;
	s8 =	smul.u32 $0x62C00, s10  }
0x9: {  	s5 =	sadd.s32 $0xB000, s0;
	s10 =	sshll.u32 s10, $0x1;
	s7 =	smul.u32 $0x31600, s1  }
0xa: {  	_ =	strace $0x8000004D;
	s31 =	ssub.s32 $0x2, s1;
	s1 =	sor.u32 s1, s10  }
0xb: {  	s9 =	sshrl.u32 s31, $0x1;
	s8 =	sshrl.u32 s8, $0x2;
	s7 =	sadd.s32 s6, s7  }
0xc: {  	s6 =	sadd.s32 $0x1200, s0;
	s11 =	ssub.s32 s31, s9;
	s9 =	smul.u32 $0x2710, s1  }
0xd: {  	s0 =	sadd.s32 s7, s0;
	s7 =	sadd.s32 s8, s2;
	s11 =	smax.u32 s11, $0x1  }
0xe: {  	s8 =	sadd.s32 $0x15E00, s7;
	s10 =	sadd.s32 $0x45C00, s0;
	s12 =	sadd.s32 $0x3200, s7  }
0xf: {  	s13 =	sadd.s32 $0x6400, s7;
	s14 =	sadd.s32 $0x9600, s7;
	s15 =	sadd.s32 $0xC800, s7  }
0x10: {  	v0 =	vimm.f32 $0.0e+00;
	s16 =	sadd.s32 $0xFA00, s7;
	s17 =	sadd.s32 $0x12C00, s7;
	[dreg:$0x3] =	wrdreg s8  }
.LBB2_1:
0x11: {  	s0 =	simm.s32 $0x90;
	s30 =	simm.s32 $0x4C0  }
.LBB2_2:
0x12: {  	p0 =	sne.s32 s30, $0xC7C0;
	[tilespmem:s0+$0xFA0] =	vst v0  }
0x13: {  	[tilespmem:s0+$0xF10] =	vst v0  }
0x14: {  	[tilespmem:s0+$0xF20] =	vst v0  }
0x15: {  	[tilespmem:s0+$0xF30] =	vst v0  }
0x16: {  	[tilespmem:s0+$0xF40] =	vst v0  }
.Ltmp0:
0x17: {  	[tilespmem:s0+$0xF50] =	vst v0;
	(pc) =	sbr.rel @p0 .LBB2_2-.Ltmp0, $4  }
0x18: {  	[tilespmem:s0+$0xF60] =	vst v0  }
0x19: {  	[tilespmem:s0+$0xF70] =	vst v0  }
0x1a: {  	[tilespmem:s0+$0xF80] =	vst v0  }
0x1b: {  	[tilespmem:s0+$0xF90] =	vst v0;
	s0 =	sshra.s32 s30, $0x2;
	s30 =	sadd.s32 $0x280, s30  }
0x1c: {  	[tilespmem:s0+$0xFA0] =	vst v0  }
0x1d: {  	[tilespmem:s0+$0xF10] =	vst v0  }
0x1e: {  	[tilespmem:s0+$0xF20] =	vst v0  }
0x1f: {  	[tilespmem:s0+$0xF30] =	vst v0  }
0x20: {  	[tilespmem:s0+$0xF40] =	vst v0  }
0x21: {  	[tilespmem:s0+$0xF50] =	vst v0  }
0x22: {  	[tilespmem:s0+$0xF60] =	vst v0  }
0x23: {  	[tilespmem:s0+$0xF70] =	vst v0  }
0x24: {  	[tilespmem:s0+$0xF80] =	vst v0  }
0x25: {  	[tilespmem:s0+$0xF90] =	vst v0  }
0x26: {  	[spmem:s7] =	stream.linear.scatter [tilespmem:s18], [sflag:$0x3], $0x3200, $0x38;
	[tilespmem:$0x1FEA0] =	vst v63  }
0x27: {  	_ =	swait.ge [sflag:s19], $0x3200  }
0x28: {  	[sflag:s19] =	ssyncset.done $0x0  }
0x29: {  	[sflag:s19] =	ssyncadd.s32 $0xFFFFCE00  }
0x2a: {  	[spmem:s12] =	stream.linear.scatter [tilespmem:s18], [sflag:$0x3], $0x3200, $0x38;
	[tilespmem:$0x1FEA0] =	vst v63  }
0x2b: {  	_ =	swait.ge [sflag:s19], $0x3200  }
0x2c: {  	[sflag:s19] =	ssyncset.done $0x0  }
0x2d: {  	[sflag:s19] =	ssyncadd.s32 $0xFFFFCE00  }
0x2e: {  	[spmem:s13] =	stream.linear.scatter [tilespmem:s18], [sflag:$0x3], $0x3200, $0x38;
	[tilespmem:$0x1FEA0] =	vst v63  }
0x2f: {  	_ =	swait.ge [sflag:s19], $0x3200  }
0x30: {  	[sflag:s19] =	ssyncset.done $0x0  }
0x31: {  	[sflag:s19] =	ssyncadd.s32 $0xFFFFCE00  }
0x32: {  	[spmem:s14] =	stream.linear.scatter [tilespmem:s18], [sflag:$0x3], $0x3200, $0x38;
	[tilespmem:$0x1FEA0] =	vst v63  }
0x33: {  	_ =	swait.ge [sflag:s19], $0x3200  }
0x34: {  	[sflag:s19] =	ssyncset.done $0x0  }
0x35: {  	[sflag:s19] =	ssyncadd.s32 $0xFFFFCE00  }
0x36: {  	[spmem:s15] =	stream.linear.scatter [tilespmem:s18], [sflag:$0x3], $0x3200, $0x38;
	[tilespmem:$0x1FEA0] =	vst v63  }
0x37: {  	_ =	swait.ge [sflag:s19], $0x3200  }
0x38: {  	[sflag:s19] =	ssyncset.done $0x0  }
0x39: {  	[sflag:s19] =	ssyncadd.s32 $0xFFFFCE00  }
0x3a: {  	[spmem:s16] =	stream.linear.scatter [tilespmem:s18], [sflag:$0x3], $0x3200, $0x38;
	[tilespmem:$0x1FEA0] =	vst v63  }
0x3b: {  	_ =	swait.ge [sflag:s19], $0x3200  }
0x3c: {  	[sflag:s19] =	ssyncset.done $0x0  }
0x3d: {  	[sflag:s19] =	ssyncadd.s32 $0xFFFFCE00  }
0x3e: {  	[spmem:s17] =	stream.linear.scatter [tilespmem:s18], [sflag:$0x3], $0x3200, $0x38;
	[tilespmem:$0x1FEA0] =	vst v63  }
0x3f: {  	_ =	swait.ge [sflag:s19], $0x3200  }
0x40: {  	[sflag:s19] =	ssyncset.done $0x0  }
0x41: {  	s8 =	rddreg [dreg:$0x3];
	[sflag:s19] =	ssyncadd.s32 $0xFFFFCE00  }
0x42: {  	[spmem:s8] =	stream.linear.scatter [tilespmem:s18], [sflag:$0x3], $0x2D00, $0x38;
	[tilespmem:$0x1FEA0] =	vst v63  }
0x43: {  	_ =	swait.ge [sflag:s19], $0x2D00  }
0x44: {  	[sflag:s19] =	ssyncset.done $0x0  }
0x45: {  	[sflag:s19] =	ssyncadd.s32 $0xFFFFD300  }
0x46: {  	s30 =	simm.s32 $0x0;
	s31 =	simm.s32 $0x0;
	[bflag:$0x0] =	sbarrier.arrive $0xFFFF  }
.LBB2_4:
0x47: {  	s0 =	smul.u32 $0x7D0, s31;
	_ =	sdelay $0x1  }
0x48: {  	s0 =	sadd.s32 s9, s0  }
0x49: {  	s0 =	sshrl.u32 s0, $0x3  }
0x4a: {  	s1 =	sadd.s32 s5, s0  }
0x4b: {  	[tilespmem:s30], [sflag:$0x1] =	stream.linear.gather [hbm4b:s1+s30], $0x7D0, $0x38;
	[tilespmem:$0x1FEA0] =	vst v63  }
0x4c: {  	s0 =	sadd.s32 s6, s0  }
0x4d: {  	[tilespmem:s20], [sflag:$0x2] =	stream.linear.gather [hbm4b:s0+s30], $0x7D0, $0x38;
	[tilespmem:$0x1FEA0] =	vst v63  }
0x4e: {  	_ =	swait.ge [sflag:s21], $0x7D0  }
0x4f: {  	[sflag:s21] =	ssyncset.done $0x0  }
0x50: {  	[sflag:s21] =	ssyncadd.s32 $0xFFFFF830  }
0x51: {  	_ =	swait.ge [sflag:s22], $0x7D0  }
0x52: {  	[sflag:s22] =	ssyncset.done $0x0  }
0x53: {  	[sflag:s22] =	ssyncadd.s32 $0xFFFFF830  }
0x54: {  	[tilespmem:s18], [sflag:$0x1] =	stream.indirect.gather [hbm4b:s4+s23], $0xA0, s30, s23, $0xb8;
	[tilespmem:$0x1FEA0] =	vst v63  }
0x55: {  	_ = 	snop  }
0x56: {  	[tilespmem:s24], [sflag:$0x2] =	stream.indirect.gather [hbm4b:s4+s23], $0xA0, s23, s23, $0xb8;
	[tilespmem:$0x1FEA0] =	vst v63  }
0x57: {  	_ =	swait.ge [sflag:s21], $0x3200  }
0x58: {  	[sflag:s21] =	ssyncset.done $0x0  }
0x59: {  	s8 =	simm.s32 $0x7D0;
	[sflag:s21] =	ssyncadd.s32 $0xFFFFCE00  }
0x5a: {  	[spmem:s2] =	stream.indirect.scatter.add.f32 [tilespmem:s18], [sflag:$0x3], $0xA0, s8, s23, $0xb8;
	[tilespmem:$0x1FEA0] =	vst v63  }
0x5b: {  	_ =	swait.ge [sflag:s19], $0x3200  }
0x5c: {  	[sflag:s19] =	ssyncset.done $0x0  }
0x5d: {  	s1 =	simm.s32 $0xA0;
	[sflag:s19] =	ssyncadd.s32 $0xFFFFCE00  }
0x5e: {  	[tilespmem:s18], [sflag:$0x1] =	stream.indirect.gather [hbm4b:s4+s23], $0xA0, s1, s23, $0xb8;
	[tilespmem:$0x1FEA0] =	vst v63  }
0x5f: {  	_ =	swait.ge [sflag:s22], $0x3200  }
0x60: {  	[sflag:s22] =	ssyncset.done $0x0  }
0x61: {  	s8 =	simm.s32 $0x820;
	[sflag:s22] =	ssyncadd.s32 $0xFFFFCE00  }
0x62: {  	[spmem:s2] =	stream.indirect.scatter.add.f32 [tilespmem:s24], [sflag:$0x3], $0xA0, s8, s23, $0xb8;
	[tilespmem:$0x1FEA0] =	vst v63  }
0x63: {  	_ =	swait.ge [sflag:s19], $0x3200  }
0x64: {  	[sflag:s19] =	ssyncset.done $0x0  }
0x65: {  	s0 =	simm.s32 $0x280;
	s1 =	simm.s32 $0xF0;
	[sflag:s19] =	ssyncadd.s32 $0xFFFFCE00  }
.LBB2_5:
0x66: {  	[tilespmem:s24], [sflag:$0x2] =	stream.indirect.gather [hbm4b:s4+s23], $0xA0, s1, s23, $0xb8;
	[tilespmem:$0x1FEA0] =	vst v63  }
0x67: {  	s1 =	smov.u32 s0  }
0x68: {  	p0 =	sne.s32 s0, $0x1900;
	s0 =	sadd.s32 $0x280, s0;
	_ =	swait.ge [sflag:s21], $0x3200  }
0x69: {  	s1 =	sshra.s32 s1, $0x2;
	[sflag:s21] =	ssyncset.done $0x0  }
0x6a: {  	s8 =	sadd.s32 $0x7D0, s1;
	[sflag:s21] =	ssyncadd.s32 $0xFFFFCE00  }
0x6b: {  	[spmem:s2] =	stream.indirect.scatter.add.f32 [tilespmem:s18], [sflag:$0x3], $0xA0, s8, s23, $0xb8;
	[tilespmem:$0x1FEA0] =	vst v63  }
0x6c: {  	_ =	swait.ge [sflag:s19], $0x3200  }
0x6d: {  	[sflag:s19] =	ssyncset.done $0x0  }
0x6e: {  	s8 =	sadd.s32 $0xA0, s1;
	[sflag:s19] =	ssyncadd.s32 $0xFFFFCE00  }
0x6f: {  	[tilespmem:s18], [sflag:$0x1] =	stream.indirect.gather [hbm4b:s4+s23], $0xA0, s8, s23, $0xb8;
	[tilespmem:$0x1FEA0] =	vst v63  }
0x70: {  	_ =	swait.ge [sflag:s22], $0x3200  }
0x71: {  	[sflag:s22] =	ssyncset.done $0x0  }
.Ltmp1:
0x72: {  	s8 =	sadd.s32 $0x820, s1;
	[sflag:s22] =	ssyncadd.s32 $0xFFFFCE00;
	(pc) =	sbr.rel @p0 .LBB2_5-.Ltmp1, $4  }
0x73: {  	[spmem:s2] =	stream.indirect.scatter.add.f32 [tilespmem:s24], [sflag:$0x3], $0xA0, s8, s23, $0xb8;
	[tilespmem:$0x1FEA0] =	vst v63  }
0x74: {  	_ =	swait.ge [sflag:s19], $0x3200  }
0x75: {  	[sflag:s19] =	ssyncset.done $0x0  }
0x76: {  	s1 =	sadd.s32 $0xF0, s1;
	[sflag:s19] =	ssyncadd.s32 $0xFFFFCE00  }
0x77: {  	[tilespmem:s24], [sflag:$0x2] =	stream.indirect.gather [hbm4b:s4+s23], $0xA0, s1, s23, $0xb8;
	[tilespmem:$0x1FEA0] =	vst v63  }
0x78: {  	_ =	swait.ge [sflag:s21], $0x3200  }
0x79: {  	[sflag:s21] =	ssyncset.done $0x0  }
0x7a: {  	[sflag:s21] =	ssyncadd.s32 $0xFFFFCE00  }
0x7b: {  	[spmem:s2] =	stream.indirect.scatter.add.f32 [tilespmem:s18], [sflag:$0x3], $0xA0, s25, s23, $0xb8;
	[tilespmem:$0x1FEA0] =	vst v63  }
0x7c: {  	_ =	swait.ge [sflag:s19], $0x3200  }
0x7d: {  	[sflag:s19] =	ssyncset.done $0x0  }
0x7e: {  	[sflag:s19] =	ssyncadd.s32 $0xFFFFCE00  }
0x7f: {  	[tilespmem:s18], [sflag:$0x1] =	stream.indirect.gather [hbm4b:s4+s23], $0xA0, s26, s23, $0xb8;
	[tilespmem:$0x1FEA0] =	vst v63  }
0x80: {  	_ =	swait.ge [sflag:s22], $0x3200  }
0x81: {  	[sflag:s22] =	ssyncset.done $0x0  }
0x82: {  	[sflag:s22] =	ssyncadd.s32 $0xFFFFCE00  }
0x83: {  	[spmem:s2] =	stream.indirect.scatter.add.f32 [tilespmem:s24], [sflag:$0x3], $0xA0, s28, s23, $0xb8;
	[tilespmem:$0x1FEA0] =	vst v63  }
0x84: {  	_ =	swait.ge [sflag:s19], $0x3200  }
0x85: {  	[sflag:s19] =	ssyncset.done $0x0  }
0x86: {  	[sflag:s19] =	ssyncadd.s32 $0xFFFFCE00  }
0x87: {  	s31 =	sadd.s32 $0x1, s31;
	_ =	swait.ge [sflag:s21], $0x3200  }
0x88: {  	p0 =	sne.s32 s31, $0x5;
	[sflag:s21] =	ssyncset.done $0x0  }
.Ltmp2:
0x89: {  	[sflag:s21] =	ssyncadd.s32 $0xFFFFCE00;
	(pc) =	sbr.rel @p0 .LBB2_4-.Ltmp2, $4  }
0x8a: {  	[spmem:s2] =	stream.indirect.scatter.add.f32 [tilespmem:s18], [sflag:$0x3], $0xA0, s29, s23, $0xb8;
	[tilespmem:$0x1FEA0] =	vst v63  }
0x8b: {  	_ =	swait.ge [sflag:s19], $0x3200  }
0x8c: {  	[sflag:s19] =	ssyncset.done $0x0  }
0x8d: {  	[sflag:s19] =	ssyncadd.s32 $0xFFFFCE00  }
0x8e: {  	s0 =	stileid.u32;
	s3 =	sadd.s32 $0x1, s3  }
0x8f: {  	[bflag:$0x0] =	sbarrier.arrive $0xFFFF;
	s0 =	sshll.u32 s0, $0x6;
	p0 =	sne.s32 s3, s11  }
.Ltmp3:
0x90: {  	s1 =	sshrl.u32 s7, $0x3;
	s0 =	sor.u32 $0x1C03, s0;
	(pc) =	sbr.rel @p0 .LBB2_1-.Ltmp3, $4  }
0x91: {  	[hbm:s10], [sflag:s0] =	dma.local [spmem:s1], $0x3160  }
0x92: {  	_ =	swait.ge [sflag:s19], $0x3160  }
0x93: {  	[sflag:s19] =	ssyncset.done $0x0  }
0x94: {  	[sflag:s19] =	ssyncadd.s32 $0xFFFFCEA0  }
0x95: {  	_ =	sfence.sel $0x180000  }
0x96: {  	[bflag:$0x0] =	sbarrier.arrive $0xFFFF  }
0x97: {  	_ =	strace $0x9000004D  }
0x98: {  	s0 =	stileid.u32;
	[bflag:$0x2] =	sbarrier.arrive $0xFFFF  }
0x99: {  	p0 =	sne.s32 s0, $0x0;
	s0 =	rddreg [dreg:$0x2]  }
0x9a: {  	s0 =	sadd.s32 @!p0 $0x100000, s0  }
0x9b: {  	[sflag:s0] =	ssyncadd.tile.s32 @!p0 $0x1;
	_ =	shalt  }
.Lfunc_end2:
_tile_overlayer_lowered:
.L_overlay_start_2:
0x9c: {  	(tag) =	ssettag $0x2  }
0x9d: {  	s0 =	rddreg [dreg:$0x0];
	s2 =	stileid.u32  }
0x9e: {  	s1 =	rddreg [dreg:$0x1];
	p0 =	sne.s32 s2, $0x0  }
0x9f: {  	s3 =	rddreg [dreg:$0x2];
	[bflag:$0x3] =	sbarrier.arrive $0xFFFF;
	s2 =	simm.s32 @!p0 $0x1C03  }
0xa0: {  	[timem:s3], [sflag:s2] =	dma.local @!p0 [hbm:s0], s1  }
0xa1: {  	s0 =	simm.s32 @!p0 $0x3  }
0xa2: {  	_ =	swait.ge @!p0 [sflag:s0], s1  }
0xa3: {  	s1 =	ssub.s32 @!p0 $0x0, s1;
	[sflag:s0] =	ssyncset.done @!p0 $0x0  }
0xa4: {  	[sflag:s0] =	ssyncadd.s32 @!p0 s1  }
0xa5: {  	[bflag:$0x3] =	sbarrier.arrive $0xFFFF  }
0xa6: {  	_ =	shalt  }

// kernel: kernel.19.cloned.1.call-start
scs
__scs_entry_jumppad:
0x0: {  	(pc) =	sbr.rel $0x88, $3  }
0x1: {  	(tag) =	ssettag $0x0;
	lr =	simm.s32 $0x1  }
0x2: {  	[smem:$0x3F95] =	sst lr;
	_ =	strace $0xD0000000  }
0x3: {  	_ = 	snop  }
0x4: {  	_ = 	snop  }
0x5: {  	_ = 	snop  }
0x6: {  	_ = 	snop  }
0x7: {  	_ = 	snop  }
__scs_overlays_trampoline_lowered:
0x8: {  	[smem:$0x3FA4] =	sst s0  }
0x9: {  	[smem:$0x3FA5] =	sst s1  }
0xa: {  	[smem:$0x3FA6] =	sst s2  }
0xb: {  	[smem:$0x3FA7] =	sst s3  }
0xc: {  	[smem:$0x3FA8] =	sst s4  }
0xd: {  	[smem:$0x3FA9] =	sst s5  }
0xe: {  	[smem:$0x3FAA] =	sst s6  }
0xf: {  	[smem:$0x3FAB] =	sst s7  }
0x10: {  	[smem:$0x3FAC] =	sst s8  }
0x11: {  	[smem:$0x3FAD] =	sst s9;
	s0 =	simm.s32 @!p0 $0x0  }
0x12: {  	s1 =	sld [smem:$0x3F93];
	s0 =	simm.s32 @p0 $0x1  }
0x13: {  	[smem:$0x3FAE] =	sst s0;
	s0 =	simm.s32 @!p1 $0x0  }
0x14: {  	s2 =	sld [smem:$0x3F92];
	s0 =	simm.s32 @p1 $0x1  }
0x15: {  	[smem:$0x3FAF] =	sst s0;
	s0 =	simm.s32 @!p2 $0x0  }
0x16: {  	s3 =	sld [smem:$0x3FDB];
	s0 =	simm.s32 @p2 $0x1  }
0x17: {  	s4 =	simm.s32 $0x1BF5;
	[smem:$0x3FB1] =	sst s0  }
0x18: {  	s0 =	sld [smem:$0x3F94];
	_ =	swait.ge [sflag:s4], $0x0  }
0x19: {  	s7 =	sld [smem:$0x3F95]  }
0x1a: {  	s8 =	sadd.s32 $0xFFFFE003, lr  }
0x1b: {  	s9 =	sadd.s32 $0xFFFFFEF7, lr;
	s5 =	simm.s32 $0xFFFFFFFF;
	p2 =	slt.u32 s8, $0xFFFFF086  }
0x1c: {  	p1 =	slt.u32 s9, $0xF7A;
	s5 =	simm.s32 @!p2 $0x0  }
0x1d: {  	s5 =	simm.s32 @p1 $0x1;
	p0 =	seq.s32 s7, s2  }
0x1e: {  	s7 =	smul.u32 @!p0 $0xF7A, s2;
	p2 =	seq.s32 @!p0 s5, $0x0  }
0x1f: {  	s9 =	smul.u32 $0xF7A, s1;
	s8 =	simm.s32 @!p0 $0x1BF5;
	p2 =	por !p2, p0  }
0x20: {  	[sflag:s8] =	ssyncset.s32 @!p0 $0xFFFFF086;
	s6 =	sadd.s32 @!p0 s3, s7;
	s7 =	simm.s32 @!p0 $0x108  }
0x21: {  	s3 =	sadd.s32 s3, s9;
	s6 =	sadd.s32 @!p0 $0x88, s6;
	s7 =	simm.s32 @p2 $0x1082  }
0x22: {  	[simem:s7], [sflag:s8] =	dma.local @!p0 [hbm:s6], $0xF7A  }
0x23: {  	s9 =	sor.u32 $0xD0000000, s2;
	s6 =	simm.s32 $0x108;
	_ =	swait.ge @!p0 [sflag:s8], $0x0  }
0x24: {  	s3 =	sadd.s32 $0x88, s3;
	s6 =	simm.s32 @!p1 $0x1082;
	[sflag:s4] =	ssyncset.s32 $0xFFFFF086  }
0x25: {  	[simem:s6], [sflag:s4] =	dma.local [hbm:s3], $0xF7A  }
0x26: {  	[smem:$0x3F95] =	sst s1;
	(tag) =	ssettag s2;
	_ =	strace s9  }
0x27: {  	s1 =	sld [smem:$0x3FA5]  }
0x28: {  	s2 =	sld [smem:$0x3FA6]  }
0x29: {  	s4 =	sld [smem:$0x3FA8]  }
0x2a: {  	p0 =	seq.s32 s5, $0x0;
	s5 =	sld [smem:$0x3FA9]  }
0x2b: {  	s6 =	sld [smem:$0x3FAA]  }
0x2c: {  	s7 =	sld [smem:$0x3FAB]  }
0x2d: {  	s3 =	simm.s32 $0x108;
	s8 =	sld [smem:$0x3FAC]  }
0x2e: {  	s3 =	simm.s32 @!p0 $0x1082;
	s9 =	sld [smem:$0x3FAD]  }
0x2f: {  	lr =	sadd.s32 s0, s3;
	s0 =	sld [smem:$0x3FA4]  }
0x30: {  	s3 =	sld [smem:$0x3FA7]  }
0x31: {  	[smem:$0x3FB0] =	sst s10  }
0x32: {  	s10 =	sld [smem:$0x3FAE];
	_ =	sdelay $0x3  }
0x33: {  	p0 =	seq.s32 s10, $0x1;
	s10 =	sld [smem:$0x3FB0];
	_ =	sdelay $0x3  }
0x34: {  	[smem:$0x3FB0] =	sst s10  }
0x35: {  	s10 =	sld [smem:$0x3FAF];
	_ =	sdelay $0x3  }
0x36: {  	p1 =	seq.s32 s10, $0x1;
	s10 =	sld [smem:$0x3FB0];
	_ =	sdelay $0x3  }
0x37: {  	[smem:$0x3FB0] =	sst s10  }
0x38: {  	s10 =	sld [smem:$0x3FB1]  }
0x39: {  	_ = 	snop;
	(pc) =	sbr.ind lr, $3  }
0x3a: {  	_ = 	snop  }
0x3b: {  	_ = 	snop  }
0x3c: {  	p2 =	seq.s32 s10, $0x1;
	s10 =	sld [smem:$0x3FB0]  }
0x3d: {  	_ =	shalt  }
0x3e: {  	_ =	shalt  }
0x3f: {  	_ =	shalt  }
0x40: {  	_ =	shalt  }
0x41: {  	_ =	shalt  }
0x42: {  	_ =	shalt  }
0x43: {  	_ =	shalt  }
0x44: {  	_ =	shalt  }
0x45: {  	_ =	shalt  }
0x46: {  	_ =	shalt  }
0x47: {  	_ =	shalt  }
0x48: {  	_ =	shalt  }
0x49: {  	_ =	shalt  }
0x4a: {  	_ =	shalt  }
0x4b: {  	_ =	shalt  }
0x4c: {  	_ =	shalt  }
0x4d: {  	_ =	shalt  }
0x4e: {  	_ =	shalt  }
0x4f: {  	_ =	shalt  }
0x50: {  	_ =	shalt  }
0x51: {  	_ =	shalt  }
0x52: {  	_ =	shalt  }
0x53: {  	_ =	shalt  }
0x54: {  	_ =	shalt  }
0x55: {  	_ =	shalt  }
0x56: {  	_ =	shalt  }
0x57: {  	_ =	shalt  }
0x58: {  	_ =	shalt  }
0x59: {  	_ =	shalt  }
0x5a: {  	_ =	shalt  }
0x5b: {  	_ =	shalt  }
0x5c: {  	_ =	shalt  }
0x5d: {  	_ =	shalt  }
0x5e: {  	_ =	shalt  }
0x5f: {  	_ =	shalt  }
0x60: {  	_ =	shalt  }
0x61: {  	_ =	shalt  }
0x62: {  	_ =	shalt  }
0x63: {  	_ =	shalt  }
0x64: {  	_ =	shalt  }
0x65: {  	_ =	shalt  }
0x66: {  	_ =	shalt  }
0x67: {  	_ =	shalt  }
0x68: {  	_ =	shalt  }
0x69: {  	_ =	shalt  }
0x6a: {  	_ =	shalt  }
0x6b: {  	_ =	shalt  }
0x6c: {  	_ =	shalt  }
0x6d: {  	_ =	shalt  }
0x6e: {  	_ =	shalt  }
0x6f: {  	_ =	shalt  }
0x70: {  	_ =	shalt  }
0x71: {  	_ =	shalt  }
0x72: {  	_ =	shalt  }
0x73: {  	_ =	shalt  }
0x74: {  	_ =	shalt  }
0x75: {  	_ =	shalt  }
0x76: {  	_ =	shalt  }
0x77: {  	_ =	shalt  }
0x78: {  	_ =	shalt  }
0x79: {  	_ =	shalt  }
0x7a: {  	_ =	shalt  }
0x7b: {  	_ =	shalt  }
0x7c: {  	_ =	shalt  }
0x7d: {  	_ =	shalt  }
0x7e: {  	_ =	shalt  }
0x7f: {  	_ =	shalt  }
0x80: {  	_ =	shalt  }
0x81: {  	_ =	shalt  }
0x82: {  	_ =	shalt  }
0x83: {  	_ =	shalt  }
0x84: {  	_ =	shalt  }
0x85: {  	_ =	shalt  }
0x86: {  	_ =	shalt  }
0x87: {  	_ =	shalt  }
.Lfunc_end0:
.L_simem_size_0:
called_computation.3_lowered:
.L_overlay_start_0:
0x88: {  	s2 =	sld [smem:$0x3FD9]  }
0x89: {  	s3 =	sld [smem:$0x3FFE];
	_ =	sdelay $0x1  }
0x8a: {  	s1 =	srdreg.scid  }
0x8b: {  	s0 =	sand.u32 $0x1, s1  }
0x8c: {  	s16 =	sshll.u32 s0, $0xA;
	s2 =	sadd.s32 s3, s2  }
0x8d: {  	s2 =	sadd.s32 s2, s16  }
0x8e: {  	[smem:$0x3FBC] =	sst s2  }
0x8f: {  	_ = 	snop  }
0x90: {  	(tm) =	ssettm $0x1  }
0x91: {  	s17 =	sld [smem:$0x3FFB];
	_ =	sdelay $0x3  }
0x92: {  	_ =	strace s17  }
0x93: {  	s2 =	sld [smem:$0x3FFC];
	_ =	sdelay $0x3  }
0x94: {  	_ =	strace s2  }
0x95: {  	s2 =	sld [smem:$0x3FFD];
	_ =	sdelay $0x3  }
0x96: {  	_ =	strace s2  }
0x97: {  	_ =	strace $0x8FFFFFFF  }
0x98: {  	s18 =	sld [smem:$0x3FDB];
	_ =	sdelay $0x1  }
0x99: {  	s19 =	simm.s32 $_scs_section_size  }
0x9a: {  	s4 =	simm.s32 $_size__tile_overlayer_lowered;
	s5 =	simm.s32 $_tile_overlayer_lowered  }
0x9b: {  	s22 =	simm.s32 $0x1BFF;
	s21 =	sshll.u32 s5, $0x1;
	s2 =	sadd.s32 s19, s18  }
0x9c: {  	s6 =	simm.s32 $0x0;
	s20 =	sshll.u32 s4, $0x1;
	s4 =	sadd.s32 s21, s2  }
0x9d: {  	[timem:s6], [sflag:s22] =	dma.local [hbm:s4], s20  }
0x9e: {  	_ =	swait.ge [sflag:s22], s20  }
0x9f: {  	s3 =	ssub.s32 $0x0, s20;
	[sflag:s22] =	ssyncset.done $0x0  }
0xa0: {  	[sflag:s22] =	ssyncadd.s32 s3;
	_ =	sdelay $0x1  }
0xa1: {  	s23 =	simm.s32 $0x1B8B  }
0xa2: {  	_ =	swait.ge [sflag:s23], $0x1  }
0xa3: {  	[sflag:s23] =	ssyncset.done $0x0  }
0xa4: {  	s25 =	simm.s32 $0x1B8E;
	s24 =	sld [smem:$0x3FFE];
	[sflag:s23] =	ssyncadd.s32 $0xFFFFFFFF  }
0xa5: {  	s26 =	simm.s32 $execute0_lowered;
	[smem:$0x3FD2] =	sst s25  }
0xa6: {  	s4 =	sshll.u32 s26, $0x1;
	_ =	strace $0x8000004F;
	[dreg:$0x1] =	wrdreg $0xFFFFFFFF  }
0xa7: {  	s28 =	simm.s32 $_size_execute0_lowered;
	s2 =	sadd.s32 s2, s4;
	[dreg:$0x0] =	wrdreg $0x0  }
0xa8: {  	s4 =	sshll.u32 s28, $0x1;
	[dreg:$0x2] =	wrdreg s2  }
0xa9: {  	[dreg:$0x3] =	wrdreg s4  }
0xaa: {  	[dreg:$0x4] =	wrdreg $0xC0  }
0xab: {  	_ =	task [dreg:s6], $0x5FFFF  }
0xac: {  	[dreg:$0x1] =	wrdreg $0xFFFFFFFF  }
0xad: {  	[dreg:$0x0] =	wrdreg $0x60  }
0xae: {  	[dreg:$0x2] =	wrdreg s24  }
0xaf: {  	[dreg:$0x3] =	wrdreg $0x73A00  }
0xb0: {  	[dreg:$0x4] =	wrdreg $0x9  }
0xb1: {  	_ =	task.clear_ibuf [dreg:s6], $0x5FFFF;
	_ =	strace $0x9000004F  }
0xb2: {  	s29 =	simm.s32 $0x9;
	_ =	strace $0x80000051  }
0xb3: {  	_ =	swait.ge [sflag:s29], $0x1  }
0xb4: {  	[sflag:s29] =	ssyncadd.s32 $0xFFFFFFFF  }
0xb5: {  	_ =	strace $0x90000051  }
0xb6: {  	_ =	sfence  }
0xb7: {  	s30 =	sld [smem:$0x0];
	_ =	sdelay $0x2  }
0xb8: {  	s31 =	sshll.u32 s1, $0xD;
	s1 =	sshrl.u32 s1, $0x2  }
0xb9: {  	s3 =	sand.u32 $0x4000, s31;
	s1 =	sadd.s32 s1, s30  }
0xba: {  	s0 =	sor.u32 s3, s0;
	s1 =	sshll.u32 s1, $0x11  }
0xbb: {  	s0 =	sor.u32 s1, s0  }
0xbc: {  	s0 =	sadd.s32 $0x8F2B, s0  }
0xbd: {  	[sflag:s0] =	ssyncadd.remote.s32 $0x1  }
0xbe: {  	_ =	sfence.sel $0xFFFF  }
0xbf: {  	[dreg:$0x0] =	wrdreg $0xFFFFFFFF;
	(pc) =	sbr.abs _section_cstart, $3  }
0xc0: {  	[dreg:$0x1] =	wrdreg $0xFFFFFFFF  }
0xc1: {  	_ =	task.clear_ibuf [dreg:s6], $0x2FFFF;
	_ =	strace $0x9FFFFFFF  }
0xc2: {  	(tm) =	ssettm $0x7FFFFFFF  }
0xc3: {  	_ =	shalt  }
tec
execute0_lowered:
.L_overlay_start_1:
0x0: {  	(tag) =	ssettag $0x1  }
0x1: {  	s0 =	rddreg [dreg:$0x0]  }
0x2: {  	s2 =	rddreg [dreg:$0x1];
	s1 =	srdreg.scid  }
0x3: {  	s10 =	stileid.u32;
	s3 =	simm.s32 $0x0;
	s18 =	simm.s32 $0xFA0  }
0x4: {  	s19 =	simm.s32 $0x3;
	s20 =	simm.s32 $0x7D0;
	s21 =	simm.s32 $0x1  }
0x5: {  	s22 =	simm.s32 $0x2;
	s23 =	simm.s32 $0x50;
	s24 =	simm.s32 $0x41A0  }
0x6: {  	s25 =	simm.s32 $0xEB0;
	s26 =	simm.s32 $0x780;
	s28 =	simm.s32 $0xF00  }
0x7: {  	s29 =	simm.s32 $0xF50;
	s1 =	sand.u32 $0x1, s1;
	s6 =	smul.u32 $0x3160, s10  }
0x8: {  	[smem:$0x7FF] =	sst s3;
	s4 =	sadd.s32 $0x14E00, s0;
	s8 =	smul.u32 $0x62C00, s10  }
0x9: {  	s5 =	sadd.s32 $0xB000, s0;
	s10 =	sshll.u32 s10, $0x1;
	s7 =	smul.u32 $0x31600, s1  }
0xa: {  	_ =	strace $0x80000050;
	s31 =	ssub.s32 $0x2, s1;
	s1 =	sor.u32 s1, s10  }
0xb: {  	s9 =	sshrl.u32 s31, $0x1;
	s8 =	sshrl.u32 s8, $0x2;
	s7 =	sadd.s32 s6, s7  }
0xc: {  	s6 =	sadd.s32 $0x1200, s0;
	s11 =	ssub.s32 s31, s9;
	s9 =	smul.u32 $0x2710, s1  }
0xd: {  	s0 =	sadd.s32 s7, s0;
	s7 =	sadd.s32 s8, s2;
	s11 =	smax.u32 s11, $0x1  }
0xe: {  	s8 =	sadd.s32 $0x15E00, s7;
	s10 =	sadd.s32 $0x45C00, s0;
	s12 =	sadd.s32 $0x3200, s7  }
0xf: {  	s13 =	sadd.s32 $0x6400, s7;
	s14 =	sadd.s32 $0x9600, s7;
	s15 =	sadd.s32 $0xC800, s7  }
0x10: {  	v0 =	vimm.f32 $0.0e+00;
	s16 =	sadd.s32 $0xFA00, s7;
	s17 =	sadd.s32 $0x12C00, s7;
	[dreg:$0x3] =	wrdreg s8  }
.LBB2_1:
0x11: {  	s0 =	simm.s32 $0x90;
	s30 =	simm.s32 $0x4C0  }
.LBB2_2:
0x12: {  	p0 =	sne.s32 s30, $0xC7C0;
	[tilespmem:s0+$0xFA0] =	vst v0  }
0x13: {  	[tilespmem:s0+$0xF10] =	vst v0  }
0x14: {  	[tilespmem:s0+$0xF20] =	vst v0  }
0x15: {  	[tilespmem:s0+$0xF30] =	vst v0  }
0x16: {  	[tilespmem:s0+$0xF40] =	vst v0  }
.Ltmp0:
0x17: {  	[tilespmem:s0+$0xF50] =	vst v0;
	(pc) =	sbr.rel @p0 .LBB2_2-.Ltmp0, $4  }
0x18: {  	[tilespmem:s0+$0xF60] =	vst v0  }
0x19: {  	[tilespmem:s0+$0xF70] =	vst v0  }
0x1a: {  	[tilespmem:s0+$0xF80] =	vst v0  }
0x1b: {  	[tilespmem:s0+$0xF90] =	vst v0;
	s0 =	sshra.s32 s30, $0x2;
	s30 =	sadd.s32 $0x280, s30  }
0x1c: {  	[tilespmem:s0+$0xFA0] =	vst v0  }
0x1d: {  	[tilespmem:s0+$0xF10] =	vst v0  }
0x1e: {  	[tilespmem:s0+$0xF20] =	vst v0  }
0x1f: {  	[tilespmem:s0+$0xF30] =	vst v0  }
0x20: {  	[tilespmem:s0+$0xF40] =	vst v0  }
0x21: {  	[tilespmem:s0+$0xF50] =	vst v0  }
0x22: {  	[tilespmem:s0+$0xF60] =	vst v0  }
0x23: {  	[tilespmem:s0+$0xF70] =	vst v0  }
0x24: {  	[tilespmem:s0+$0xF80] =	vst v0  }
0x25: {  	[tilespmem:s0+$0xF90] =	vst v0  }
0x26: {  	[spmem:s7] =	stream.linear.scatter [tilespmem:s18], [sflag:$0x3], $0x3200, $0x38;
	[tilespmem:$0x1FEA0] =	vst v63  }
0x27: {  	_ =	swait.ge [sflag:s19], $0x3200  }
0x28: {  	[sflag:s19] =	ssyncset.done $0x0  }
0x29: {  	[sflag:s19] =	ssyncadd.s32 $0xFFFFCE00  }
0x2a: {  	[spmem:s12] =	stream.linear.scatter [tilespmem:s18], [sflag:$0x3], $0x3200, $0x38;
	[tilespmem:$0x1FEA0] =	vst v63  }
0x2b: {  	_ =	swait.ge [sflag:s19], $0x3200  }
0x2c: {  	[sflag:s19] =	ssyncset.done $0x0  }
0x2d: {  	[sflag:s19] =	ssyncadd.s32 $0xFFFFCE00  }
0x2e: {  	[spmem:s13] =	stream.linear.scatter [tilespmem:s18], [sflag:$0x3], $0x3200, $0x38;
	[tilespmem:$0x1FEA0] =	vst v63  }
0x2f: {  	_ =	swait.ge [sflag:s19], $0x3200  }
0x30: {  	[sflag:s19] =	ssyncset.done $0x0  }
0x31: {  	[sflag:s19] =	ssyncadd.s32 $0xFFFFCE00  }
0x32: {  	[spmem:s14] =	stream.linear.scatter [tilespmem:s18], [sflag:$0x3], $0x3200, $0x38;
	[tilespmem:$0x1FEA0] =	vst v63  }
0x33: {  	_ =	swait.ge [sflag:s19], $0x3200  }
0x34: {  	[sflag:s19] =	ssyncset.done $0x0  }
0x35: {  	[sflag:s19] =	ssyncadd.s32 $0xFFFFCE00  }
0x36: {  	[spmem:s15] =	stream.linear.scatter [tilespmem:s18], [sflag:$0x3], $0x3200, $0x38;
	[tilespmem:$0x1FEA0] =	vst v63  }
0x37: {  	_ =	swait.ge [sflag:s19], $0x3200  }
0x38: {  	[sflag:s19] =	ssyncset.done $0x0  }
0x39: {  	[sflag:s19] =	ssyncadd.s32 $0xFFFFCE00  }
0x3a: {  	[spmem:s16] =	stream.linear.scatter [tilespmem:s18], [sflag:$0x3], $0x3200, $0x38;
	[tilespmem:$0x1FEA0] =	vst v63  }
0x3b: {  	_ =	swait.ge [sflag:s19], $0x3200  }
0x3c: {  	[sflag:s19] =	ssyncset.done $0x0  }
0x3d: {  	[sflag:s19] =	ssyncadd.s32 $0xFFFFCE00  }
0x3e: {  	[spmem:s17] =	stream.linear.scatter [tilespmem:s18], [sflag:$0x3], $0x3200, $0x38;
	[tilespmem:$0x1FEA0] =	vst v63  }
0x3f: {  	_ =	swait.ge [sflag:s19], $0x3200  }
0x40: {  	[sflag:s19] =	ssyncset.done $0x0  }
0x41: {  	s8 =	rddreg [dreg:$0x3];
	[sflag:s19] =	ssyncadd.s32 $0xFFFFCE00  }
0x42: {  	[spmem:s8] =	stream.linear.scatter [tilespmem:s18], [sflag:$0x3], $0x2D00, $0x38;
	[tilespmem:$0x1FEA0] =	vst v63  }
0x43: {  	_ =	swait.ge [sflag:s19], $0x2D00  }
0x44: {  	[sflag:s19] =	ssyncset.done $0x0  }
0x45: {  	[sflag:s19] =	ssyncadd.s32 $0xFFFFD300  }
0x46: {  	s30 =	simm.s32 $0x0;
	s31 =	simm.s32 $0x0;
	[bflag:$0x0] =	sbarrier.arrive $0xFFFF  }
.LBB2_4:
0x47: {  	s0 =	smul.u32 $0x7D0, s31;
	_ =	sdelay $0x1  }
0x48: {  	s0 =	sadd.s32 s9, s0  }
0x49: {  	s0 =	sshrl.u32 s0, $0x3  }
0x4a: {  	s1 =	sadd.s32 s5, s0  }
0x4b: {  	[tilespmem:s30], [sflag:$0x1] =	stream.linear.gather [hbm4b:s1+s30], $0x7D0, $0x38;
	[tilespmem:$0x1FEA0] =	vst v63  }
0x4c: {  	s0 =	sadd.s32 s6, s0  }
0x4d: {  	[tilespmem:s20], [sflag:$0x2] =	stream.linear.gather [hbm4b:s0+s30], $0x7D0, $0x38;
	[tilespmem:$0x1FEA0] =	vst v63  }
0x4e: {  	_ =	swait.ge [sflag:s21], $0x7D0  }
0x4f: {  	[sflag:s21] =	ssyncset.done $0x0  }
0x50: {  	[sflag:s21] =	ssyncadd.s32 $0xFFFFF830  }
0x51: {  	_ =	swait.ge [sflag:s22], $0x7D0  }
0x52: {  	[sflag:s22] =	ssyncset.done $0x0  }
0x53: {  	[sflag:s22] =	ssyncadd.s32 $0xFFFFF830  }
0x54: {  	[tilespmem:s18], [sflag:$0x1] =	stream.indirect.gather [hbm4b:s4+s23], $0xA0, s30, s23, $0xb8;
	[tilespmem:$0x1FEA0] =	vst v63  }
0x55: {  	_ = 	snop  }
0x56: {  	[tilespmem:s24], [sflag:$0x2] =	stream.indirect.gather [hbm4b:s4+s23], $0xA0, s23, s23, $0xb8;
	[tilespmem:$0x1FEA0] =	vst v63  }
0x57: {  	_ =	swait.ge [sflag:s21], $0x3200  }
0x58: {  	[sflag:s21] =	ssyncset.done $0x0  }
0x59: {  	s8 =	simm.s32 $0x7D0;
	[sflag:s21] =	ssyncadd.s32 $0xFFFFCE00  }
0x5a: {  	[spmem:s2] =	stream.indirect.scatter.add.f32 [tilespmem:s18], [sflag:$0x3], $0xA0, s8, s23, $0xb8;
	[tilespmem:$0x1FEA0] =	vst v63  }
0x5b: {  	_ =	swait.ge [sflag:s19], $0x3200  }
0x5c: {  	[sflag:s19] =	ssyncset.done $0x0  }
0x5d: {  	s1 =	simm.s32 $0xA0;
	[sflag:s19] =	ssyncadd.s32 $0xFFFFCE00  }
0x5e: {  	[tilespmem:s18], [sflag:$0x1] =	stream.indirect.gather [hbm4b:s4+s23], $0xA0, s1, s23, $0xb8;
	[tilespmem:$0x1FEA0] =	vst v63  }
0x5f: {  	_ =	swait.ge [sflag:s22], $0x3200  }
0x60: {  	[sflag:s22] =	ssyncset.done $0x0  }
0x61: {  	s8 =	simm.s32 $0x820;
	[sflag:s22] =	ssyncadd.s32 $0xFFFFCE00  }
0x62: {  	[spmem:s2] =	stream.indirect.scatter.add.f32 [tilespmem:s24], [sflag:$0x3], $0xA0, s8, s23, $0xb8;
	[tilespmem:$0x1FEA0] =	vst v63  }
0x63: {  	_ =	swait.ge [sflag:s19], $0x3200  }
0x64: {  	[sflag:s19] =	ssyncset.done $0x0  }
0x65: {  	s0 =	simm.s32 $0x280;
	s1 =	simm.s32 $0xF0;
	[sflag:s19] =	ssyncadd.s32 $0xFFFFCE00  }
.LBB2_5:
0x66: {  	[tilespmem:s24], [sflag:$0x2] =	stream.indirect.gather [hbm4b:s4+s23], $0xA0, s1, s23, $0xb8;
	[tilespmem:$0x1FEA0] =	vst v63  }
0x67: {  	s1 =	smov.u32 s0  }
0x68: {  	p0 =	sne.s32 s0, $0x1900;
	s0 =	sadd.s32 $0x280, s0;
	_ =	swait.ge [sflag:s21], $0x3200  }
0x69: {  	s1 =	sshra.s32 s1, $0x2;
	[sflag:s21] =	ssyncset.done $0x0  }
0x6a: {  	s8 =	sadd.s32 $0x7D0, s1;
	[sflag:s21] =	ssyncadd.s32 $0xFFFFCE00  }
0x6b: {  	[spmem:s2] =	stream.indirect.scatter.add.f32 [tilespmem:s18], [sflag:$0x3], $0xA0, s8, s23, $0xb8;
	[tilespmem:$0x1FEA0] =	vst v63  }
0x6c: {  	_ =	swait.ge [sflag:s19], $0x3200  }
0x6d: {  	[sflag:s19] =	ssyncset.done $0x0  }
0x6e: {  	s8 =	sadd.s32 $0xA0, s1;
	[sflag:s19] =	ssyncadd.s32 $0xFFFFCE00  }
0x6f: {  	[tilespmem:s18], [sflag:$0x1] =	stream.indirect.gather [hbm4b:s4+s23], $0xA0, s8, s23, $0xb8;
	[tilespmem:$0x1FEA0] =	vst v63  }
0x70: {  	_ =	swait.ge [sflag:s22], $0x3200  }
0x71: {  	[sflag:s22] =	ssyncset.done $0x0  }
.Ltmp1:
0x72: {  	s8 =	sadd.s32 $0x820, s1;
	[sflag:s22] =	ssyncadd.s32 $0xFFFFCE00;
	(pc) =	sbr.rel @p0 .LBB2_5-.Ltmp1, $4  }
0x73: {  	[spmem:s2] =	stream.indirect.scatter.add.f32 [tilespmem:s24], [sflag:$0x3], $0xA0, s8, s23, $0xb8;
	[tilespmem:$0x1FEA0] =	vst v63  }
0x74: {  	_ =	swait.ge [sflag:s19], $0x3200  }
0x75: {  	[sflag:s19] =	ssyncset.done $0x0  }
0x76: {  	s1 =	sadd.s32 $0xF0, s1;
	[sflag:s19] =	ssyncadd.s32 $0xFFFFCE00  }
0x77: {  	[tilespmem:s24], [sflag:$0x2] =	stream.indirect.gather [hbm4b:s4+s23], $0xA0, s1, s23, $0xb8;
	[tilespmem:$0x1FEA0] =	vst v63  }
0x78: {  	_ =	swait.ge [sflag:s21], $0x3200  }
0x79: {  	[sflag:s21] =	ssyncset.done $0x0  }
0x7a: {  	[sflag:s21] =	ssyncadd.s32 $0xFFFFCE00  }
0x7b: {  	[spmem:s2] =	stream.indirect.scatter.add.f32 [tilespmem:s18], [sflag:$0x3], $0xA0, s25, s23, $0xb8;
	[tilespmem:$0x1FEA0] =	vst v63  }
0x7c: {  	_ =	swait.ge [sflag:s19], $0x3200  }
0x7d: {  	[sflag:s19] =	ssyncset.done $0x0  }
0x7e: {  	[sflag:s19] =	ssyncadd.s32 $0xFFFFCE00  }
0x7f: {  	[tilespmem:s18], [sflag:$0x1] =	stream.indirect.gather [hbm4b:s4+s23], $0xA0, s26, s23, $0xb8;
	[tilespmem:$0x1FEA0] =	vst v63  }
0x80: {  	_ =	swait.ge [sflag:s22], $0x3200  }
0x81: {  	[sflag:s22] =	ssyncset.done $0x0  }
0x82: {  	[sflag:s22] =	ssyncadd.s32 $0xFFFFCE00  }
0x83: {  	[spmem:s2] =	stream.indirect.scatter.add.f32 [tilespmem:s24], [sflag:$0x3], $0xA0, s28, s23, $0xb8;
	[tilespmem:$0x1FEA0] =	vst v63  }
0x84: {  	_ =	swait.ge [sflag:s19], $0x3200  }
0x85: {  	[sflag:s19] =	ssyncset.done $0x0  }
0x86: {  	[sflag:s19] =	ssyncadd.s32 $0xFFFFCE00  }
0x87: {  	s31 =	sadd.s32 $0x1, s31;
	_ =	swait.ge [sflag:s21], $0x3200  }
0x88: {  	p0 =	sne.s32 s31, $0x5;
	[sflag:s21] =	ssyncset.done $0x0  }
.Ltmp2:
0x89: {  	[sflag:s21] =	ssyncadd.s32 $0xFFFFCE00;
	(pc) =	sbr.rel @p0 .LBB2_4-.Ltmp2, $4  }
0x8a: {  	[spmem:s2] =	stream.indirect.scatter.add.f32 [tilespmem:s18], [sflag:$0x3], $0xA0, s29, s23, $0xb8;
	[tilespmem:$0x1FEA0] =	vst v63  }
0x8b: {  	_ =	swait.ge [sflag:s19], $0x3200  }
0x8c: {  	[sflag:s19] =	ssyncset.done $0x0  }
0x8d: {  	[sflag:s19] =	ssyncadd.s32 $0xFFFFCE00  }
0x8e: {  	s0 =	stileid.u32;
	s3 =	sadd.s32 $0x1, s3  }
0x8f: {  	[bflag:$0x0] =	sbarrier.arrive $0xFFFF;
	s0 =	sshll.u32 s0, $0x6;
	p0 =	sne.s32 s3, s11  }
.Ltmp3:
0x90: {  	s1 =	sshrl.u32 s7, $0x3;
	s0 =	sor.u32 $0x1C03, s0;
	(pc) =	sbr.rel @p0 .LBB2_1-.Ltmp3, $4  }
0x91: {  	[hbm:s10], [sflag:s0] =	dma.local [spmem:s1], $0x3160  }
0x92: {  	_ =	swait.ge [sflag:s19], $0x3160  }
0x93: {  	[sflag:s19] =	ssyncset.done $0x0  }
0x94: {  	[sflag:s19] =	ssyncadd.s32 $0xFFFFCEA0  }
0x95: {  	_ =	sfence.sel $0x180000  }
0x96: {  	[bflag:$0x0] =	sbarrier.arrive $0xFFFF  }
0x97: {  	_ =	strace $0x90000050  }
0x98: {  	s0 =	stileid.u32;
	[bflag:$0x2] =	sbarrier.arrive $0xFFFF  }
0x99: {  	p0 =	sne.s32 s0, $0x0;
	s0 =	rddreg [dreg:$0x2]  }
0x9a: {  	s0 =	sadd.s32 @!p0 $0x100000, s0  }
0x9b: {  	[sflag:s0] =	ssyncadd.tile.s32 @!p0 $0x1;
	_ =	shalt  }
.Lfunc_end2:
_tile_overlayer_lowered:
.L_overlay_start_2:
0x9c: {  	(tag) =	ssettag $0x2  }
0x9d: {  	s0 =	rddreg [dreg:$0x0];
	s2 =	stileid.u32  }
0x9e: {  	s1 =	rddreg [dreg:$0x1];
	p0 =	sne.s32 s2, $0x0  }
0x9f: {  	s3 =	rddreg [dreg:$0x2];
	[bflag:$0x3] =	sbarrier.arrive $0xFFFF;
	s2 =	simm.s32 @!p0 $0x1C03  }
0xa0: {  	[timem:s3], [sflag:s2] =	dma.local @!p0 [hbm:s0], s1  }
0xa1: {  	s0 =	simm.s32 @!p0 $0x3  }
0xa2: {  	_ =	swait.ge @!p0 [sflag:s0], s1  }
0xa3: {  	s1 =	ssub.s32 @!p0 $0x0, s1;
	[sflag:s0] =	ssyncset.done @!p0 $0x0  }
0xa4: {  	[sflag:s0] =	ssyncadd.s32 @!p0 s1  }
0xa5: {  	[bflag:$0x3] =	sbarrier.arrive $0xFFFF  }
0xa6: {  	_ =	shalt  }

</sc_bundles>
